<compile_context>
chip_gen: v7x
topology: tpu7x:2x2x1
jax: 0.10.2.dev20260603
libtpu: 0.0.44.dev20260713+nightly
codegen_flags: <defaults>
</compile_context>

<pallas_src>
import functools

import jax
import jax.numpy as jnp
from jax import lax
from jax.experimental import pallas as pl
from jax.experimental.pallas import tpu as pltpu
from jax.experimental.pallas import tpu_sc as plsc

D = 768
HEADS = 8
DH = D // HEADS
E = 8
DFF = 4 * D
HCHUNK = 768
NHC = DFF // HCHUNK
PATCH = 16

_DOTF = functools.partial(
    jax.lax.dot_general,
    precision=jax.lax.Precision.DEFAULT,
    preferred_element_type=jnp.float32,
)


def _b16(x):
    return x.astype(jnp.bfloat16).astype(jnp.float32)


def _layernorm(x, w, b):
    m = jnp.mean(x, axis=-1, keepdims=True)
    v = jnp.mean((x - m) ** 2, axis=-1, keepdims=True)
    return (x - m) / jnp.sqrt(v + 1e-5) * w + b


def _embed_kv_body(p_ref, wp_ref, bp_ref, lw_ref, lb_ref, w_ref, b_ref, o_ref):
    emb = _DOTF(p_ref[...], wp_ref[...],
                (((1,), (1,)), ((), ()))) + bp_ref[...]
    x2 = _layernorm(emb, lw_ref[...], lb_ref[...])
    o_ref[...] = _DOTF(x2, w_ref[...], (((1,), (1,)), ((), ()))) + b_ref[...]


def _cls_block_body(clsr_ref, l1w_ref, l1b_ref, wqkv_ref, bqkv_ref, kv_ref,
                    wo_ref, bo_ref, l2w_ref, l2b_ref, rw_ref, rb_ref,
                    xs1_ref, xf_ref, mask_ref):
    nb = kv_ref.shape[0]
    clsr = clsr_ref[...]
    qkv_c = _DOTF(_layernorm(clsr, l1w_ref[...], l1b_ref[...]),
                  wqkv_ref[...],
                  (((1,), (1,)), ((), ()))) + bqkv_ref[...]
    qc = qkv_c[:, :D]
    kc = qkv_c[:, D:2 * D]
    vc = qkv_c[:, 2 * D:]
    hm = (jax.lax.broadcasted_iota(jnp.int32, (D, HEADS), 0) // DH
          == jax.lax.broadcasted_iota(jnp.int32, (D, HEADS), 1)).astype(jnp.bfloat16)
    hmt = (jax.lax.broadcasted_iota(jnp.int32, (HEADS, D), 1) // DH
           == jax.lax.broadcasted_iota(jnp.int32, (HEADS, D), 0)).astype(jnp.bfloat16)
    rootdh = jnp.sqrt(jnp.float32(DH))
    npt = kv_ref.shape[1]
    kvf = kv_ref[...].reshape(nb * npt, 2 * D)

    def _head_sums(prod):
        hi = prod.astype(jnp.bfloat16)
        lo = (prod - hi.astype(jnp.float32)).astype(jnp.bfloat16)
        return (_DOTF(hi, hm, (((1,), (0,)), ((), ())))
                + _DOTF(lo, hm, (((1,), (0,)), ((), ()))))

    q16 = _b16(qc)
    s_cls = _head_sums(_b16(kc) * q16) / rootdh
    sp = _head_sums(_b16(kvf[:, :D]) * q16) / rootdh
    s3 = sp.reshape(nb, npt, HEADS)
    mx = jnp.maximum(jnp.max(s3, axis=1), s_cls)
    e3 = jnp.exp(s3 - mx[:, None, :])
    e_cls = jnp.exp(s_cls - mx)
    denom = jnp.sum(e3, axis=1) + e_cls
    attn3 = e3 / denom[:, None, :]
    attn_cls = e_cls / denom
    attn_e = _DOTF(attn3.reshape(nb * npt, HEADS).astype(jnp.bfloat16),
                   hmt, (((1,), (0,)), ((), ())))
    wv = jnp.sum((attn_e * _b16(kvf[:, D:])).reshape(nb, npt, D), axis=1)
    ac_e = _DOTF(attn_cls.astype(jnp.bfloat16), hmt, (((1,), (0,)), ((), ())))
    o = wv + ac_e * _b16(vc)
    xs1 = clsr + _DOTF(o, wo_ref[...], (((1,), (1,)), ((), ()))) + bo_ref[...]
    xf = _layernorm(xs1, l2w_ref[...], l2b_ref[...])
    logits = _DOTF(xf, rw_ref[...], (((1,), (1,)), ((), ()))) + rb_ref[...]
    lane = jax.lax.broadcasted_iota(jnp.int32, (nb, E), 1)
    cnt = jnp.zeros((nb, E), jnp.float32)
    for ep in range(E):
        le = logits[:, ep:ep + 1]
        gt = (le > logits).astype(jnp.float32)
        eq = jnp.logical_and(le == logits, ep < lane).astype(jnp.float32)
        cnt = cnt + gt + eq
    mask_ref[...] = (cnt < 2.0).astype(jnp.float32)
    xs1_ref[...] = xs1
    xf_ref[...] = xf


def _moe_head_body(xf_ref, m_ref, w1_ref, b1_ref, w2_ref, b2_ref,
                   xs1_ref, hw_ref, hb_ref, o_ref, acc_ref):
    e = pl.program_id(0)
    hc = pl.program_id(1)

    @pl.when(jnp.logical_and(e == 0, hc == 0))
    def _():
        acc_ref[...] = jnp.zeros_like(acc_ref)

    xf = xf_ref[...]
    h = _DOTF(xf, w1_ref[0], (((1,), (1,)), ((), ()))) + b1_ref[0, 0]
    g = h * 0.5 * (1.0 + jax.lax.erf(h * (2.0 ** -0.5)))
    contrib = _DOTF(g, w2_ref[0], (((1,), (1,)), ((), ())))
    onehot = (jax.lax.broadcasted_iota(jnp.int32, (E, 1), 0) == e).astype(jnp.float32)
    mcol = _DOTF(m_ref[...], onehot, (((1,), (0,)), ((), ())))

    @pl.when(hc == 0)
    def _():
        acc_ref[...] += mcol * b2_ref[0]

    acc_ref[...] += mcol * contrib

    @pl.when(jnp.logical_and(e == E - 1, hc == NHC - 1))
    def _():
        y = xs1_ref[...] + acc_ref[...]
        o_ref[...] = _DOTF(y, hw_ref[...], (((1,), (1,)), ((), ()))) + hb_ref[...]


def kernel(x, patch_W, patch_b, cls, ln1_w, ln1_b, attn_in_w, attn_in_b,
           attn_out_w, attn_out_b, ln2_w, ln2_b, router_W, router_b,
           exp_W1, exp_b1, exp_W2, exp_b2, head_W, head_b):
    B = x.shape[0]
    Hp = x.shape[2] // PATCH
    Wp = x.shape[3] // PATCH
    NP = Hp * Wp
    N = B * NP
    NC = head_W.shape[0]

    NSEG = 3 * PATCH
    NROWS = N * NSEG
    NW = 32
    per_w = NROWS // NW
    NCHB = 112
    NCH = per_w // NCHB
    j = jnp.arange(NROWS, dtype=jnp.int32)
    t, s = j // NSEG, j % NSEG
    b_i, r_i = t // NP, t % NP
    hp_i, wp_i = r_i // Wp, r_i % Wp
    c_i, py_i = s // PATCH, s % PATCH
    src = ((b_i * 3 + c_i) * (Hp * PATCH) + hp_i * PATCH + py_i) * Wp + wp_i
    idx3 = src.reshape(NW, NCH, NCHB)
    x_rows = x.reshape(NROWS, PATCH)

    mesh = plsc.VectorSubcoreMesh(core_axis_name="c", subcore_axis_name="s")

    @functools.partial(
        pl.kernel,
        mesh=mesh,
        compiler_params=pltpu.CompilerParams(use_tc_tiling_on_sc=False),
        out_type=jax.ShapeDtypeStruct((NW, NCH, NCHB, PATCH), jnp.float32),
        scratch_types=[
            pltpu.VMEM((NCH, NCHB), jnp.int32),
            pltpu.VMEM((NCH, NCHB, PATCH), jnp.float32),
            pltpu.SemaphoreType.DMA,
        ],
    )
    def _patch_gather(x_hbm, idx_hbm, out_hbm, idx_v, rows_v, sem):
        w = lax.axis_index("s") * 2 + lax.axis_index("c")
        pltpu.sync_copy(idx_hbm.at[w], idx_v)
        handles = [
            pltpu.async_copy(x_hbm.at[idx_v.at[jj]], rows_v.at[jj], sem)
            for jj in range(NCH)
        ]
        for jj, h in enumerate(handles):
            h.wait()
            pltpu.sync_copy(rows_v.at[jj], out_hbm.at[w, jj])

    patches = _patch_gather(x_rows, idx3).reshape(N, 3 * PATCH * PATCH)
    w_patch = patch_W.reshape(D, 3 * PATCH * PATCH)
    mt = N // 4
    kv_emb = pl.pallas_call(
        _embed_kv_body,
        grid=(4,),
        in_specs=[
            pl.BlockSpec((mt, 3 * PATCH * PATCH), lambda i: (i, 0)),
            pl.BlockSpec(w_patch.shape, lambda i: (0, 0)),
            pl.BlockSpec((1, D), lambda i: (0, 0)),
            pl.BlockSpec((1, D), lambda i: (0, 0)),
            pl.BlockSpec((1, D), lambda i: (0, 0)),
            pl.BlockSpec((2 * D, D), lambda i: (0, 0)),
            pl.BlockSpec((1, 2 * D), lambda i: (0, 0)),
        ],
        out_specs=pl.BlockSpec((mt, 2 * D), lambda i: (i, 0)),
        out_shape=jax.ShapeDtypeStruct((N, 2 * D), jnp.float32),
    )(patches, w_patch, patch_b.reshape(1, D), ln1_w.reshape(1, D),
      ln1_b.reshape(1, D), attn_in_w[D:], attn_in_b[D:].reshape(1, 2 * D))
    kv = kv_emb.reshape(B, NP, 2 * D)

    xs1, xf, maskf = pl.pallas_call(
        _cls_block_body,
        out_shape=[
            jax.ShapeDtypeStruct((B, D), jnp.float32),
            jax.ShapeDtypeStruct((B, D), jnp.float32),
            jax.ShapeDtypeStruct((B, E), jnp.float32),
        ],
    )(cls.reshape(1, D), ln1_w.reshape(1, D), ln1_b.reshape(1, D),
      attn_in_w, attn_in_b.reshape(1, 3 * D), kv,
      attn_out_w, attn_out_b.reshape(1, D),
      ln2_w.reshape(1, D), ln2_b.reshape(1, D),
      router_W, router_b.reshape(1, E))

    b1r = exp_b1.reshape(E, NHC, 1, HCHUNK)
    b2r = exp_b2.reshape(E, 1, D)
    out = pl.pallas_call(
        _moe_head_body,
        grid=(E, NHC),
        in_specs=[
            pl.BlockSpec((B, D), lambda e, h: (0, 0)),
            pl.BlockSpec((B, E), lambda e, h: (0, 0)),
            pl.BlockSpec((1, HCHUNK, D), lambda e, h: (e, h, 0)),
            pl.BlockSpec((1, 1, 1, HCHUNK), lambda e, h: (e, h, 0, 0)),
            pl.BlockSpec((1, D, HCHUNK), lambda e, h: (e, 0, h)),
            pl.BlockSpec((1, 1, D), lambda e, h: (e, 0, 0)),
            pl.BlockSpec((B, D), lambda e, h: (0, 0)),
            pl.BlockSpec((NC, D), lambda e, h: (0, 0)),
            pl.BlockSpec((1, NC), lambda e, h: (0, 0)),
        ],
        out_specs=pl.BlockSpec((B, NC), lambda e, h: (0, 0)),
        out_shape=jax.ShapeDtypeStruct((B, NC), jnp.float32),
        scratch_shapes=[pltpu.VMEM((B, D), jnp.float32)],
    )(xf, maskf, exp_W1, b1r, exp_W2, b2r, xs1, head_W,
      head_b.reshape(1, NC))
    return out

# --- scband reference (transcript-rebuilt; emitter-appended) ---
"""Pipeline reference for scband-simple-vi-t-mo-e-79912161509424 (READ-ONLY COPY).

The authoritative reference and input builder live on the scoring server;
editing this copy changes nothing except your own understanding.
"""

import jax, jax.numpy as jnp
import numpy as np

D = 768
E = 8
K = 2
H = 8
P = 16
NC = 1000


def setup_inputs(seed: int = 0):
    key = jax.random.key(seed)
    ks = jax.random.split(key, 24)
    s = 0.02
    inp = {}
    inp['x'] = jax.random.normal(ks[0], (8, 3, 224, 224), dtype=jnp.float32)
    inp['patch_W'] = jax.random.normal(ks[1], (D, 3, P, P), dtype=jnp.float32) * s
    inp['patch_b'] = jnp.zeros((D,), dtype=jnp.float32)
    inp['cls'] = jnp.zeros((1, 1, D), dtype=jnp.float32)
    inp['ln1_w'] = jnp.ones((D,), dtype=jnp.float32)
    inp['ln1_b'] = jnp.zeros((D,), dtype=jnp.float32)
    inp['attn_in_w'] = jax.random.normal(ks[2], (3 * D, D), dtype=jnp.float32) * s
    inp['attn_in_b'] = jnp.zeros((3 * D,), dtype=jnp.float32)
    inp['attn_out_w'] = jax.random.normal(ks[3], (D, D), dtype=jnp.float32) * s
    inp['attn_out_b'] = jnp.zeros((D,), dtype=jnp.float32)
    inp['ln2_w'] = jnp.ones((D,), dtype=jnp.float32)
    inp['ln2_b'] = jnp.zeros((D,), dtype=jnp.float32)
    inp['router_W'] = jax.random.normal(ks[4], (E, D), dtype=jnp.float32) * s
    inp['router_b'] = jnp.zeros((E,), dtype=jnp.float32)
    inp['exp_W1'] = jax.random.normal(ks[5], (E, 4 * D, D), dtype=jnp.float32) * s
    inp['exp_b1'] = jnp.zeros((E, 4 * D), dtype=jnp.float32)
    inp['exp_W2'] = jax.random.normal(ks[6], (E, D, 4 * D), dtype=jnp.float32) * s
    inp['exp_b2'] = jnp.zeros((E, D), dtype=jnp.float32)
    inp['head_W'] = jax.random.normal(ks[7], (NC, D), dtype=jnp.float32) * s
    inp['head_b'] = jnp.zeros((NC,), dtype=jnp.float32)
    return inp


def _ln(x, w, b):
    m = x.mean(-1, keepdims=True)
    v = ((x - m) ** 2).mean(-1, keepdims=True)
    return (x - m) / jnp.sqrt(v + 1e-5) * w + b


def reference(x, patch_W, patch_b, cls, ln1_w, ln1_b, attn_in_w, attn_in_b, attn_out_w, attn_out_b, ln2_w, ln2_b, router_W, router_b, exp_W1, exp_b1, exp_W2, exp_b2, head_W, head_b):
    B = x.shape[0]
    Hp = x.shape[2] // P
    Wp = x.shape[3] // P
    # patch embed: conv stride=kernel == patch extraction + matmul
    patches = x.reshape(B, 3, Hp, P, Wp, P).transpose(0, 2, 4, 1, 3, 5).reshape(B, Hp * Wp, 3 * P * P)
    emb = patches @ patch_W.reshape(D, -1).T + patch_b
    cls_tok = jnp.broadcast_to(cls, (B, 1, D))
    xs = jnp.concatenate([cls_tok, emb], axis=1)
    S = xs.shape[1]
    # attention block
    x2 = _ln(xs, ln1_w, ln1_b)
    qkv = x2 @ attn_in_w.T + attn_in_b
    q, k, v = jnp.split(qkv, 3, axis=-1)
    dh = D // H
    q = q.reshape(B, S, H, dh).transpose(0, 2, 1, 3)
    k = k.reshape(B, S, H, dh).transpose(0, 2, 1, 3)
    v = v.reshape(B, S, H, dh).transpose(0, 2, 1, 3)
    scores = (q @ k.transpose(0, 1, 3, 2)) / jnp.sqrt(dh).astype(jnp.float32)
    attn = jax.nn.softmax(scores, axis=-1)
    o = (attn @ v).transpose(0, 2, 1, 3).reshape(B, S, D)
    attn_out = o @ attn_out_w.T + attn_out_b
    xs = xs + attn_out
    # MoE
    xf = _ln(xs, ln2_w, ln2_b).reshape(-1, D)
    logits = xf @ router_W.T + router_b
    rw = jax.nn.softmax(logits, axis=-1)
    tkw, tki = jax.lax.top_k(rw, K)
    tkw = tkw / tkw.sum(axis=-1, keepdims=True)  # computed but unused, as in torch module
    out_flat = jnp.zeros_like(xf)
    for i in range(E):
        mask = (tki == i).any(axis=-1)
        h1 = jax.nn.gelu(xf @ exp_W1[i].T + exp_b1[i], approximate=False)
        ei = h1 @ exp_W2[i].T + exp_b2[i]
        out_flat = out_flat + mask[:, None].astype(xf.dtype) * ei
    xs = xs + out_flat.reshape(B, S, D)
    return xs[:, 0] @ head_W.T + head_b

if __name__ == "__main__":
    import jax
    _d = setup_inputs()
    print(jax.jit(kernel)(*tuple(_d.values())))

</pallas_src>

<mosaic_0001>
#map = affine_map<(d0, d1) -> (0, 0)>
#map1 = affine_map<(d0, d1) -> (0, 0, 0)>
#map2 = affine_map<(d0, d1) -> (0, 0, 0, 0)>
module attributes {stable_mosaic.version = 14 : i64} {
  func.func @_patch_gather(%arg0: i32, %arg1: i32, %arg2: memref<75264x16xf32, #tpu.memory_space<hbm>>, %arg3: memref<32x21x112xi32, #tpu.memory_space<hbm>>, %arg4: memref<32x21x112x16xf32, #tpu.memory_space<hbm>>, %arg5: memref<21x112xi32, #tpu.memory_space<vmem>>, %arg6: memref<21x112x16xf32, #tpu.memory_space<vmem>>, %arg7: memref<!tpu.dma_semaphore, #tpu.memory_space<semaphore_mem>>) attributes {dimension_semantics = [#tpu.dimension_semantics<core_parallel>, #tpu.dimension_semantics<subcore_parallel>], iteration_bounds = array<i64: 2, 16>, scalar_prefetch = 0 : i64, scratch_operands = 3 : i64, tpu.core_type = #tpu.core_type<sc_vector_subcore>, window_params = [{transform_indices = #map}, {transform_indices = #map1}, {transform_indices = #map2}]} {
    %mul3A = arith.constant 2 : i32
    %mul3A_0 = arith.muli %arg1, %mul3A : i32
    %add3A = arith.addi %mul3A_0, %arg0 : i32
    "tpu.region"() ({
      %run_scoped3A_544 = tpu.sem_alloc : memref<!tpu.dma_semaphore, #tpu.memory_space<semaphore_mem>>
      %dma_start3A_545 = arith.constant 0 : i32
      %dma_start3A_546 = arith.constant 0 : i32
      %dma_start3A_547 = tpu.memref_slice %arg3[%add3A, %dma_start3A_545, %dma_start3A_546] : memref<32x21x112xi32, #tpu.memory_space<hbm>> -> memref<1x21x112xi32, #tpu.memory_space<hbm>>
      %dma_start3A_548 = tpu.memref_squeeze %dma_start3A_547 : memref<1x21x112xi32, #tpu.memory_space<hbm>> -> memref<21x112xi32, #tpu.memory_space<hbm>>
      %dma_start3A_549 = arith.constant 0 : i32
      %dma_start3A_550 = arith.constant 0 : i32
      %dma_start3A_551 = tpu.memref_slice %arg3[%add3A, %dma_start3A_549, %dma_start3A_550] : memref<32x21x112xi32, #tpu.memory_space<hbm>> -> memref<1x21x112xi32, #tpu.memory_space<hbm>>
      %dma_start3A_552 = tpu.memref_squeeze %dma_start3A_551 : memref<1x21x112xi32, #tpu.memory_space<hbm>> -> memref<21x112xi32, #tpu.memory_space<hbm>>
      tpu.enqueue_dma source(%dma_start3A_552 : memref<21x112xi32, #tpu.memory_space<hbm>>) target(%arg5 : memref<21x112xi32, #tpu.memory_space<vmem>>) target_semaphore(%run_scoped3A_544 : memref<!tpu.dma_semaphore, #tpu.memory_space<semaphore_mem>>)
      %dma_wait3A_553 = arith.constant 0 : i32
      %dma_wait3A_554 = arith.constant 0 : i32
      %dma_wait3A_555 = tpu.memref_slice %arg3[%add3A, %dma_wait3A_553, %dma_wait3A_554] : memref<32x21x112xi32, #tpu.memory_space<hbm>> -> memref<1x21x112xi32, #tpu.memory_space<hbm>>
      %dma_wait3A_556 = tpu.memref_squeeze %dma_wait3A_555 : memref<1x21x112xi32, #tpu.memory_space<hbm>> -> memref<21x112xi32, #tpu.memory_space<hbm>>
      %dma_wait3A_557 = arith.constant 0 : i32
      %dma_wait3A_558 = arith.constant 0 : i32
      %dma_wait3A_559 = tpu.memref_slice %arg3[%add3A, %dma_wait3A_557, %dma_wait3A_558] : memref<32x21x112xi32, #tpu.memory_space<hbm>> -> memref<1x21x112xi32, #tpu.memory_space<hbm>>
      %dma_wait3A_560 = tpu.memref_squeeze %dma_wait3A_559 : memref<1x21x112xi32, #tpu.memory_space<hbm>> -> memref<21x112xi32, #tpu.memory_space<hbm>>
      tpu.wait_dma2 semaphore(%run_scoped3A_544 : memref<!tpu.dma_semaphore, #tpu.memory_space<semaphore_mem>>) src(%dma_wait3A_560 : memref<21x112xi32, #tpu.memory_space<hbm>>) dst(%arg5 : memref<21x112xi32, #tpu.memory_space<vmem>>)
      tpu.yield
    }) : () -> ()
    %dma_start3A = arith.constant 0 : i32
    %dma_start3A_1 = arith.constant 0 : i32
    %dma_start3A_2 = arith.constant 0 : i32
    %dma_start3A_3 = arith.constant 0 : i32
    %dma_start3A_4 = tpu.memref_slice %arg6[%dma_start3A_1, %dma_start3A_2, %dma_start3A_3] : memref<21x112x16xf32, #tpu.memory_space<vmem>> -> memref<1x112x16xf32, #tpu.memory_space<vmem>>
    %dma_start3A_5 = tpu.memref_squeeze %dma_start3A_4 : memref<1x112x16xf32, #tpu.memory_space<vmem>> -> memref<112x16xf32, #tpu.memory_space<vmem>>
    %dma_start3A_6 = arith.constant 0 : i32
    %dma_start3A_7 = tpu.memref_slice %arg5[%dma_start3A, %dma_start3A_6] : memref<21x112xi32, #tpu.memory_space<vmem>> -> memref<1x112xi32, #tpu.memory_space<vmem>>
    %dma_start3A_8 = tpu.memref_squeeze %dma_start3A_7 : memref<1x112xi32, #tpu.memory_space<vmem>> -> memref<112xi32, #tpu.memory_space<vmem>>
    %dma_start3A_9 = arith.constant 0 : i32
    %dma_start3A_10 = arith.constant 0 : i32
    %dma_start3A_11 = tpu.memref_slice %arg2[%dma_start3A_9, %dma_start3A_10] : memref<75264x16xf32, #tpu.memory_space<hbm>> -> memref<75264x16xf32, #tpu.memory_space<hbm>>
    tpu.enqueue_indirect_dma source(%dma_start3A_11 : memref<75264x16xf32, #tpu.memory_space<hbm>>) target(%dma_start3A_5 : memref<112x16xf32, #tpu.memory_space<vmem>>) offsets(%dma_start3A_8 : memref<112xi32, #tpu.memory_space<vmem>>) semaphore(%arg7 : memref<!tpu.dma_semaphore, #tpu.memory_space<semaphore_mem>>)
    %dma_start3A_12 = arith.constant 1 : i32
    %dma_start3A_13 = arith.constant 1 : i32
    %dma_start3A_14 = arith.constant 0 : i32
    %dma_start3A_15 = arith.constant 0 : i32
    %dma_start3A_16 = tpu.memref_slice %arg6[%dma_start3A_13, %dma_start3A_14, %dma_start3A_15] : memref<21x112x16xf32, #tpu.memory_space<vmem>> -> memref<1x112x16xf32, #tpu.memory_space<vmem>>
    %dma_start3A_17 = tpu.memref_squeeze %dma_start3A_16 : memref<1x112x16xf32, #tpu.memory_space<vmem>> -> memref<112x16xf32, #tpu.memory_space<vmem>>
    %dma_start3A_18 = arith.constant 0 : i32
    %dma_start3A_19 = tpu.memref_slice %arg5[%dma_start3A_12, %dma_start3A_18] : memref<21x112xi32, #tpu.memory_space<vmem>> -> memref<1x112xi32, #tpu.memory_space<vmem>>
    %dma_start3A_20 = tpu.memref_squeeze %dma_start3A_19 : memref<1x112xi32, #tpu.memory_space<vmem>> -> memref<112xi32, #tpu.memory_space<vmem>>
    %dma_start3A_21 = arith.constant 0 : i32
    %dma_start3A_22 = arith.constant 0 : i32
    %dma_start3A_23 = tpu.memref_slice %arg2[%dma_start3A_21, %dma_start3A_22] : memref<75264x16xf32, #tpu.memory_space<hbm>> -> memref<75264x16xf32, #tpu.memory_space<hbm>>
    tpu.enqueue_indirect_dma source(%dma_start3A_23 : memref<75264x16xf32, #tpu.memory_space<hbm>>) target(%dma_start3A_17 : memref<112x16xf32, #tpu.memory_space<vmem>>) offsets(%dma_start3A_20 : memref<112xi32, #tpu.memory_space<vmem>>) semaphore(%arg7 : memref<!tpu.dma_semaphore, #tpu.memory_space<semaphore_mem>>)
    %dma_start3A_24 = arith.constant 2 : i32
    %dma_start3A_25 = arith.constant 2 : i32
    %dma_start3A_26 = arith.constant 0 : i32
    %dma_start3A_27 = arith.constant 0 : i32
    %dma_start3A_28 = tpu.memref_slice %arg6[%dma_start3A_25, %dma_start3A_26, %dma_start3A_27] : memref<21x112x16xf32, #tpu.memory_space<vmem>> -> memref<1x112x16xf32, #tpu.memory_space<vmem>>
    %dma_start3A_29 = tpu.memref_squeeze %dma_start3A_28 : memref<1x112x16xf32, #tpu.memory_space<vmem>> -> memref<112x16xf32, #tpu.memory_space<vmem>>
    %dma_start3A_30 = arith.constant 0 : i32
    %dma_start3A_31 = tpu.memref_slice %arg5[%dma_start3A_24, %dma_start3A_30] : memref<21x112xi32, #tpu.memory_space<vmem>> -> memref<1x112xi32, #tpu.memory_space<vmem>>
    %dma_start3A_32 = tpu.memref_squeeze %dma_start3A_31 : memref<1x112xi32, #tpu.memory_space<vmem>> -> memref<112xi32, #tpu.memory_space<vmem>>
    %dma_start3A_33 = arith.constant 0 : i32
    %dma_start3A_34 = arith.constant 0 : i32
    %dma_start3A_35 = tpu.memref_slice %arg2[%dma_start3A_33, %dma_start3A_34] : memref<75264x16xf32, #tpu.memory_space<hbm>> -> memref<75264x16xf32, #tpu.memory_space<hbm>>
    tpu.enqueue_indirect_dma source(%dma_start3A_35 : memref<75264x16xf32, #tpu.memory_space<hbm>>) target(%dma_start3A_29 : memref<112x16xf32, #tpu.memory_space<vmem>>) offsets(%dma_start3A_32 : memref<112xi32, #tpu.memory_space<vmem>>) semaphore(%arg7 : memref<!tpu.dma_semaphore, #tpu.memory_space<semaphore_mem>>)
    %dma_start3A_36 = arith.constant 3 : i32
    %dma_start3A_37 = arith.constant 3 : i32
    %dma_start3A_38 = arith.constant 0 : i32
    %dma_start3A_39 = arith.constant 0 : i32
    %dma_start3A_40 = tpu.memref_slice %arg6[%dma_start3A_37, %dma_start3A_38, %dma_start3A_39] : memref<21x112x16xf32, #tpu.memory_space<vmem>> -> memref<1x112x16xf32, #tpu.memory_space<vmem>>
    %dma_start3A_41 = tpu.memref_squeeze %dma_start3A_40 : memref<1x112x16xf32, #tpu.memory_space<vmem>> -> memref<112x16xf32, #tpu.memory_space<vmem>>
    %dma_start3A_42 = arith.constant 0 : i32
    %dma_start3A_43 = tpu.memref_slice %arg5[%dma_start3A_36, %dma_start3A_42] : memref<21x112xi32, #tpu.memory_space<vmem>> -> memref<1x112xi32, #tpu.memory_space<vmem>>
    %dma_start3A_44 = tpu.memref_squeeze %dma_start3A_43 : memref<1x112xi32, #tpu.memory_space<vmem>> -> memref<112xi32, #tpu.memory_space<vmem>>
    %dma_start3A_45 = arith.constant 0 : i32
    %dma_start3A_46 = arith.constant 0 : i32
    %dma_start3A_47 = tpu.memref_slice %arg2[%dma_start3A_45, %dma_start3A_46] : memref<75264x16xf32, #tpu.memory_space<hbm>> -> memref<75264x16xf32, #tpu.memory_space<hbm>>
    tpu.enqueue_indirect_dma source(%dma_start3A_47 : memref<75264x16xf32, #tpu.memory_space<hbm>>) target(%dma_start3A_41 : memref<112x16xf32, #tpu.memory_space<vmem>>) offsets(%dma_start3A_44 : memref<112xi32, #tpu.memory_space<vmem>>) semaphore(%arg7 : memref<!tpu.dma_semaphore, #tpu.memory_space<semaphore_mem>>)
    %dma_start3A_48 = arith.constant 4 : i32
    %dma_start3A_49 = arith.constant 4 : i32
    %dma_start3A_50 = arith.constant 0 : i32
    %dma_start3A_51 = arith.constant 0 : i32
    %dma_start3A_52 = tpu.memref_slice %arg6[%dma_start3A_49, %dma_start3A_50, %dma_start3A_51] : memref<21x112x16xf32, #tpu.memory_space<vmem>> -> memref<1x112x16xf32, #tpu.memory_space<vmem>>
    %dma_start3A_53 = tpu.memref_squeeze %dma_start3A_52 : memref<1x112x16xf32, #tpu.memory_space<vmem>> -> memref<112x16xf32, #tpu.memory_space<vmem>>
    %dma_start3A_54 = arith.constant 0 : i32
    %dma_start3A_55 = tpu.memref_slice %arg5[%dma_start3A_48, %dma_start3A_54] : memref<21x112xi32, #tpu.memory_space<vmem>> -> memref<1x112xi32, #tpu.memory_space<vmem>>
    %dma_start3A_56 = tpu.memref_squeeze %dma_start3A_55 : memref<1x112xi32, #tpu.memory_space<vmem>> -> memref<112xi32, #tpu.memory_space<vmem>>
    %dma_start3A_57 = arith.constant 0 : i32
    %dma_start3A_58 = arith.constant 0 : i32
    %dma_start3A_59 = tpu.memref_slice %arg2[%dma_start3A_57, %dma_start3A_58] : memref<75264x16xf32, #tpu.memory_space<hbm>> -> memref<75264x16xf32, #tpu.memory_space<hbm>>
    tpu.enqueue_indirect_dma source(%dma_start3A_59 : memref<75264x16xf32, #tpu.memory_space<hbm>>) target(%dma_start3A_53 : memref<112x16xf32, #tpu.memory_space<vmem>>) offsets(%dma_start3A_56 : memref<112xi32, #tpu.memory_space<vmem>>) semaphore(%arg7 : memref<!tpu.dma_semaphore, #tpu.memory_space<semaphore_mem>>)
    %dma_start3A_60 = arith.constant 5 : i32
    %dma_start3A_61 = arith.constant 5 : i32
    %dma_start3A_62 = arith.constant 0 : i32
    %dma_start3A_63 = arith.constant 0 : i32
    %dma_start3A_64 = tpu.memref_slice %arg6[%dma_start3A_61, %dma_start3A_62, %dma_start3A_63] : memref<21x112x16xf32, #tpu.memory_space<vmem>> -> memref<1x112x16xf32, #tpu.memory_space<vmem>>
    %dma_start3A_65 = tpu.memref_squeeze %dma_start3A_64 : memref<1x112x16xf32, #tpu.memory_space<vmem>> -> memref<112x16xf32, #tpu.memory_space<vmem>>
    %dma_start3A_66 = arith.constant 0 : i32
    %dma_start3A_67 = tpu.memref_slice %arg5[%dma_start3A_60, %dma_start3A_66] : memref<21x112xi32, #tpu.memory_space<vmem>> -> memref<1x112xi32, #tpu.memory_space<vmem>>
    %dma_start3A_68 = tpu.memref_squeeze %dma_start3A_67 : memref<1x112xi32, #tpu.memory_space<vmem>> -> memref<112xi32, #tpu.memory_space<vmem>>
    %dma_start3A_69 = arith.constant 0 : i32
    %dma_start3A_70 = arith.constant 0 : i32
    %dma_start3A_71 = tpu.memref_slice %arg2[%dma_start3A_69, %dma_start3A_70] : memref<75264x16xf32, #tpu.memory_space<hbm>> -> memref<75264x16xf32, #tpu.memory_space<hbm>>
    tpu.enqueue_indirect_dma source(%dma_start3A_71 : memref<75264x16xf32, #tpu.memory_space<hbm>>) target(%dma_start3A_65 : memref<112x16xf32, #tpu.memory_space<vmem>>) offsets(%dma_start3A_68 : memref<112xi32, #tpu.memory_space<vmem>>) semaphore(%arg7 : memref<!tpu.dma_semaphore, #tpu.memory_space<semaphore_mem>>)
    %dma_start3A_72 = arith.constant 6 : i32
    %dma_start3A_73 = arith.constant 6 : i32
    %dma_start3A_74 = arith.constant 0 : i32
    %dma_start3A_75 = arith.constant 0 : i32
    %dma_start3A_76 = tpu.memref_slice %arg6[%dma_start3A_73, %dma_start3A_74, %dma_start3A_75] : memref<21x112x16xf32, #tpu.memory_space<vmem>> -> memref<1x112x16xf32, #tpu.memory_space<vmem>>
    %dma_start3A_77 = tpu.memref_squeeze %dma_start3A_76 : memref<1x112x16xf32, #tpu.memory_space<vmem>> -> memref<112x16xf32, #tpu.memory_space<vmem>>
    %dma_start3A_78 = arith.constant 0 : i32
    %dma_start3A_79 = tpu.memref_slice %arg5[%dma_start3A_72, %dma_start3A_78] : memref<21x112xi32, #tpu.memory_space<vmem>> -> memref<1x112xi32, #tpu.memory_space<vmem>>
    %dma_start3A_80 = tpu.memref_squeeze %dma_start3A_79 : memref<1x112xi32, #tpu.memory_space<vmem>> -> memref<112xi32, #tpu.memory_space<vmem>>
    %dma_start3A_81 = arith.constant 0 : i32
    %dma_start3A_82 = arith.constant 0 : i32
    %dma_start3A_83 = tpu.memref_slice %arg2[%dma_start3A_81, %dma_start3A_82] : memref<75264x16xf32, #tpu.memory_space<hbm>> -> memref<75264x16xf32, #tpu.memory_space<hbm>>
    tpu.enqueue_indirect_dma source(%dma_start3A_83 : memref<75264x16xf32, #tpu.memory_space<hbm>>) target(%dma_start3A_77 : memref<112x16xf32, #tpu.memory_space<vmem>>) offsets(%dma_start3A_80 : memref<112xi32, #tpu.memory_space<vmem>>) semaphore(%arg7 : memref<!tpu.dma_semaphore, #tpu.memory_space<semaphore_mem>>)
    %dma_start3A_84 = arith.constant 7 : i32
    %dma_start3A_85 = arith.constant 7 : i32
    %dma_start3A_86 = arith.constant 0 : i32
    %dma_start3A_87 = arith.constant 0 : i32
    %dma_start3A_88 = tpu.memref_slice %arg6[%dma_start3A_85, %dma_start3A_86, %dma_start3A_87] : memref<21x112x16xf32, #tpu.memory_space<vmem>> -> memref<1x112x16xf32, #tpu.memory_space<vmem>>
    %dma_start3A_89 = tpu.memref_squeeze %dma_start3A_88 : memref<1x112x16xf32, #tpu.memory_space<vmem>> -> memref<112x16xf32, #tpu.memory_space<vmem>>
    %dma_start3A_90 = arith.constant 0 : i32
    %dma_start3A_91 = tpu.memref_slice %arg5[%dma_start3A_84, %dma_start3A_90] : memref<21x112xi32, #tpu.memory_space<vmem>> -> memref<1x112xi32, #tpu.memory_space<vmem>>
    %dma_start3A_92 = tpu.memref_squeeze %dma_start3A_91 : memref<1x112xi32, #tpu.memory_space<vmem>> -> memref<112xi32, #tpu.memory_space<vmem>>
    %dma_start3A_93 = arith.constant 0 : i32
    %dma_start3A_94 = arith.constant 0 : i32
    %dma_start3A_95 = tpu.memref_slice %arg2[%dma_start3A_93, %dma_start3A_94] : memref<75264x16xf32, #tpu.memory_space<hbm>> -> memref<75264x16xf32, #tpu.memory_space<hbm>>
    tpu.enqueue_indirect_dma source(%dma_start3A_95 : memref<75264x16xf32, #tpu.memory_space<hbm>>) target(%dma_start3A_89 : memref<112x16xf32, #tpu.memory_space<vmem>>) offsets(%dma_start3A_92 : memref<112xi32, #tpu.memory_space<vmem>>) semaphore(%arg7 : memref<!tpu.dma_semaphore, #tpu.memory_space<semaphore_mem>>)
    %dma_start3A_96 = arith.constant 8 : i32
    %dma_start3A_97 = arith.constant 8 : i32
    %dma_start3A_98 = arith.constant 0 : i32
    %dma_start3A_99 = arith.constant 0 : i32
    %dma_start3A_100 = tpu.memref_slice %arg6[%dma_start3A_97, %dma_start3A_98, %dma_start3A_99] : memref<21x112x16xf32, #tpu.memory_space<vmem>> -> memref<1x112x16xf32, #tpu.memory_space<vmem>>
    %dma_start3A_101 = tpu.memref_squeeze %dma_start3A_100 : memref<1x112x16xf32, #tpu.memory_space<vmem>> -> memref<112x16xf32, #tpu.memory_space<vmem>>
    %dma_start3A_102 = arith.constant 0 : i32
    %dma_start3A_103 = tpu.memref_slice %arg5[%dma_start3A_96, %dma_start3A_102] : memref<21x112xi32, #tpu.memory_space<vmem>> -> memref<1x112xi32, #tpu.memory_space<vmem>>
    %dma_start3A_104 = tpu.memref_squeeze %dma_start3A_103 : memref<1x112xi32, #tpu.memory_space<vmem>> -> memref<112xi32, #tpu.memory_space<vmem>>
    %dma_start3A_105 = arith.constant 0 : i32
    %dma_start3A_106 = arith.constant 0 : i32
    %dma_start3A_107 = tpu.memref_slice %arg2[%dma_start3A_105, %dma_start3A_106] : memref<75264x16xf32, #tpu.memory_space<hbm>> -> memref<75264x16xf32, #tpu.memory_space<hbm>>
    tpu.enqueue_indirect_dma source(%dma_start3A_107 : memref<75264x16xf32, #tpu.memory_space<hbm>>) target(%dma_start3A_101 : memref<112x16xf32, #tpu.memory_space<vmem>>) offsets(%dma_start3A_104 : memref<112xi32, #tpu.memory_space<vmem>>) semaphore(%arg7 : memref<!tpu.dma_semaphore, #tpu.memory_space<semaphore_mem>>)
    %dma_start3A_108 = arith.constant 9 : i32
    %dma_start3A_109 = arith.constant 9 : i32
    %dma_start3A_110 = arith.constant 0 : i32
    %dma_start3A_111 = arith.constant 0 : i32
    %dma_start3A_112 = tpu.memref_slice %arg6[%dma_start3A_109, %dma_start3A_110, %dma_start3A_111] : memref<21x112x16xf32, #tpu.memory_space<vmem>> -> memref<1x112x16xf32, #tpu.memory_space<vmem>>
    %dma_start3A_113 = tpu.memref_squeeze %dma_start3A_112 : memref<1x112x16xf32, #tpu.memory_space<vmem>> -> memref<112x16xf32, #tpu.memory_space<vmem>>
    %dma_start3A_114 = arith.constant 0 : i32
    %dma_start3A_115 = tpu.memref_slice %arg5[%dma_start3A_108, %dma_start3A_114] : memref<21x112xi32, #tpu.memory_space<vmem>> -> memref<1x112xi32, #tpu.memory_space<vmem>>
    %dma_start3A_116 = tpu.memref_squeeze %dma_start3A_115 : memref<1x112xi32, #tpu.memory_space<vmem>> -> memref<112xi32, #tpu.memory_space<vmem>>
    %dma_start3A_117 = arith.constant 0 : i32
    %dma_start3A_118 = arith.constant 0 : i32
    %dma_start3A_119 = tpu.memref_slice %arg2[%dma_start3A_117, %dma_start3A_118] : memref<75264x16xf32, #tpu.memory_space<hbm>> -> memref<75264x16xf32, #tpu.memory_space<hbm>>
    tpu.enqueue_indirect_dma source(%dma_start3A_119 : memref<75264x16xf32, #tpu.memory_space<hbm>>) target(%dma_start3A_113 : memref<112x16xf32, #tpu.memory_space<vmem>>) offsets(%dma_start3A_116 : memref<112xi32, #tpu.memory_space<vmem>>) semaphore(%arg7 : memref<!tpu.dma_semaphore, #tpu.memory_space<semaphore_mem>>)
    %dma_start3A_120 = arith.constant 10 : i32
    %dma_start3A_121 = arith.constant 10 : i32
    %dma_start3A_122 = arith.constant 0 : i32
    %dma_start3A_123 = arith.constant 0 : i32
    %dma_start3A_124 = tpu.memref_slice %arg6[%dma_start3A_121, %dma_start3A_122, %dma_start3A_123] : memref<21x112x16xf32, #tpu.memory_space<vmem>> -> memref<1x112x16xf32, #tpu.memory_space<vmem>>
    %dma_start3A_125 = tpu.memref_squeeze %dma_start3A_124 : memref<1x112x16xf32, #tpu.memory_space<vmem>> -> memref<112x16xf32, #tpu.memory_space<vmem>>
    %dma_start3A_126 = arith.constant 0 : i32
    %dma_start3A_127 = tpu.memref_slice %arg5[%dma_start3A_120, %dma_start3A_126] : memref<21x112xi32, #tpu.memory_space<vmem>> -> memref<1x112xi32, #tpu.memory_space<vmem>>
    %dma_start3A_128 = tpu.memref_squeeze %dma_start3A_127 : memref<1x112xi32, #tpu.memory_space<vmem>> -> memref<112xi32, #tpu.memory_space<vmem>>
    %dma_start3A_129 = arith.constant 0 : i32
    %dma_start3A_130 = arith.constant 0 : i32
    %dma_start3A_131 = tpu.memref_slice %arg2[%dma_start3A_129, %dma_start3A_130] : memref<75264x16xf32, #tpu.memory_space<hbm>> -> memref<75264x16xf32, #tpu.memory_space<hbm>>
    tpu.enqueue_indirect_dma source(%dma_start3A_131 : memref<75264x16xf32, #tpu.memory_space<hbm>>) target(%dma_start3A_125 : memref<112x16xf32, #tpu.memory_space<vmem>>) offsets(%dma_start3A_128 : memref<112xi32, #tpu.memory_space<vmem>>) semaphore(%arg7 : memref<!tpu.dma_semaphore, #tpu.memory_space<semaphore_mem>>)
    %dma_start3A_132 = arith.constant 11 : i32
    %dma_start3A_133 = arith.constant 11 : i32
    %dma_start3A_134 = arith.constant 0 : i32
    %dma_start3A_135 = arith.constant 0 : i32
    %dma_start3A_136 = tpu.memref_slice %arg6[%dma_start3A_133, %dma_start3A_134, %dma_start3A_135] : memref<21x112x16xf32, #tpu.memory_space<vmem>> -> memref<1x112x16xf32, #tpu.memory_space<vmem>>
    %dma_start3A_137 = tpu.memref_squeeze %dma_start3A_136 : memref<1x112x16xf32, #tpu.memory_space<vmem>> -> memref<112x16xf32, #tpu.memory_space<vmem>>
    %dma_start3A_138 = arith.constant 0 : i32
    %dma_start3A_139 = tpu.memref_slice %arg5[%dma_start3A_132, %dma_start3A_138] : memref<21x112xi32, #tpu.memory_space<vmem>> -> memref<1x112xi32, #tpu.memory_space<vmem>>
    %dma_start3A_140 = tpu.memref_squeeze %dma_start3A_139 : memref<1x112xi32, #tpu.memory_space<vmem>> -> memref<112xi32, #tpu.memory_space<vmem>>
    %dma_start3A_141 = arith.constant 0 : i32
    %dma_start3A_142 = arith.constant 0 : i32
    %dma_start3A_143 = tpu.memref_slice %arg2[%dma_start3A_141, %dma_start3A_142] : memref<75264x16xf32, #tpu.memory_space<hbm>> -> memref<75264x16xf32, #tpu.memory_space<hbm>>
    tpu.enqueue_indirect_dma source(%dma_start3A_143 : memref<75264x16xf32, #tpu.memory_space<hbm>>) target(%dma_start3A_137 : memref<112x16xf32, #tpu.memory_space<vmem>>) offsets(%dma_start3A_140 : memref<112xi32, #tpu.memory_space<vmem>>) semaphore(%arg7 : memref<!tpu.dma_semaphore, #tpu.memory_space<semaphore_mem>>)
    %dma_start3A_144 = arith.constant 12 : i32
    %dma_start3A_145 = arith.constant 12 : i32
    %dma_start3A_146 = arith.constant 0 : i32
    %dma_start3A_147 = arith.constant 0 : i32
    %dma_start3A_148 = tpu.memref_slice %arg6[%dma_start3A_145, %dma_start3A_146, %dma_start3A_147] : memref<21x112x16xf32, #tpu.memory_space<vmem>> -> memref<1x112x16xf32, #tpu.memory_space<vmem>>
    %dma_start3A_149 = tpu.memref_squeeze %dma_start3A_148 : memref<1x112x16xf32, #tpu.memory_space<vmem>> -> memref<112x16xf32, #tpu.memory_space<vmem>>
    %dma_start3A_150 = arith.constant 0 : i32
    %dma_start3A_151 = tpu.memref_slice %arg5[%dma_start3A_144, %dma_start3A_150] : memref<21x112xi32, #tpu.memory_space<vmem>> -> memref<1x112xi32, #tpu.memory_space<vmem>>
    %dma_start3A_152 = tpu.memref_squeeze %dma_start3A_151 : memref<1x112xi32, #tpu.memory_space<vmem>> -> memref<112xi32, #tpu.memory_space<vmem>>
    %dma_start3A_153 = arith.constant 0 : i32
    %dma_start3A_154 = arith.constant 0 : i32
    %dma_start3A_155 = tpu.memref_slice %arg2[%dma_start3A_153, %dma_start3A_154] : memref<75264x16xf32, #tpu.memory_space<hbm>> -> memref<75264x16xf32, #tpu.memory_space<hbm>>
    tpu.enqueue_indirect_dma source(%dma_start3A_155 : memref<75264x16xf32, #tpu.memory_space<hbm>>) target(%dma_start3A_149 : memref<112x16xf32, #tpu.memory_space<vmem>>) offsets(%dma_start3A_152 : memref<112xi32, #tpu.memory_space<vmem>>) semaphore(%arg7 : memref<!tpu.dma_semaphore, #tpu.memory_space<semaphore_mem>>)
    %dma_start3A_156 = arith.constant 13 : i32
    %dma_start3A_157 = arith.constant 13 : i32
    %dma_start3A_158 = arith.constant 0 : i32
    %dma_start3A_159 = arith.constant 0 : i32
    %dma_start3A_160 = tpu.memref_slice %arg6[%dma_start3A_157, %dma_start3A_158, %dma_start3A_159] : memref<21x112x16xf32, #tpu.memory_space<vmem>> -> memref<1x112x16xf32, #tpu.memory_space<vmem>>
    %dma_start3A_161 = tpu.memref_squeeze %dma_start3A_160 : memref<1x112x16xf32, #tpu.memory_space<vmem>> -> memref<112x16xf32, #tpu.memory_space<vmem>>
    %dma_start3A_162 = arith.constant 0 : i32
    %dma_start3A_163 = tpu.memref_slice %arg5[%dma_start3A_156, %dma_start3A_162] : memref<21x112xi32, #tpu.memory_space<vmem>> -> memref<1x112xi32, #tpu.memory_space<vmem>>
    %dma_start3A_164 = tpu.memref_squeeze %dma_start3A_163 : memref<1x112xi32, #tpu.memory_space<vmem>> -> memref<112xi32, #tpu.memory_space<vmem>>
    %dma_start3A_165 = arith.constant 0 : i32
    %dma_start3A_166 = arith.constant 0 : i32
    %dma_start3A_167 = tpu.memref_slice %arg2[%dma_start3A_165, %dma_start3A_166] : memref<75264x16xf32, #tpu.memory_space<hbm>> -> memref<75264x16xf32, #tpu.memory_space<hbm>>
    tpu.enqueue_indirect_dma source(%dma_start3A_167 : memref<75264x16xf32, #tpu.memory_space<hbm>>) target(%dma_start3A_161 : memref<112x16xf32, #tpu.memory_space<vmem>>) offsets(%dma_start3A_164 : memref<112xi32, #tpu.memory_space<vmem>>) semaphore(%arg7 : memref<!tpu.dma_semaphore, #tpu.memory_space<semaphore_mem>>)
    %dma_start3A_168 = arith.constant 14 : i32
    %dma_start3A_169 = arith.constant 14 : i32
    %dma_start3A_170 = arith.constant 0 : i32
    %dma_start3A_171 = arith.constant 0 : i32
    %dma_start3A_172 = tpu.memref_slice %arg6[%dma_start3A_169, %dma_start3A_170, %dma_start3A_171] : memref<21x112x16xf32, #tpu.memory_space<vmem>> -> memref<1x112x16xf32, #tpu.memory_space<vmem>>
    %dma_start3A_173 = tpu.memref_squeeze %dma_start3A_172 : memref<1x112x16xf32, #tpu.memory_space<vmem>> -> memref<112x16xf32, #tpu.memory_space<vmem>>
    %dma_start3A_174 = arith.constant 0 : i32
    %dma_start3A_175 = tpu.memref_slice %arg5[%dma_start3A_168, %dma_start3A_174] : memref<21x112xi32, #tpu.memory_space<vmem>> -> memref<1x112xi32, #tpu.memory_space<vmem>>
    %dma_start3A_176 = tpu.memref_squeeze %dma_start3A_175 : memref<1x112xi32, #tpu.memory_space<vmem>> -> memref<112xi32, #tpu.memory_space<vmem>>
    %dma_start3A_177 = arith.constant 0 : i32
    %dma_start3A_178 = arith.constant 0 : i32
    %dma_start3A_179 = tpu.memref_slice %arg2[%dma_start3A_177, %dma_start3A_178] : memref<75264x16xf32, #tpu.memory_space<hbm>> -> memref<75264x16xf32, #tpu.memory_space<hbm>>
    tpu.enqueue_indirect_dma source(%dma_start3A_179 : memref<75264x16xf32, #tpu.memory_space<hbm>>) target(%dma_start3A_173 : memref<112x16xf32, #tpu.memory_space<vmem>>) offsets(%dma_start3A_176 : memref<112xi32, #tpu.memory_space<vmem>>) semaphore(%arg7 : memref<!tpu.dma_semaphore, #tpu.memory_space<semaphore_mem>>)
    %dma_start3A_180 = arith.constant 15 : i32
    %dma_start3A_181 = arith.constant 15 : i32
    %dma_start3A_182 = arith.constant 0 : i32
    %dma_start3A_183 = arith.constant 0 : i32
    %dma_start3A_184 = tpu.memref_slice %arg6[%dma_start3A_181, %dma_start3A_182, %dma_start3A_183] : memref<21x112x16xf32, #tpu.memory_space<vmem>> -> memref<1x112x16xf32, #tpu.memory_space<vmem>>
    %dma_start3A_185 = tpu.memref_squeeze %dma_start3A_184 : memref<1x112x16xf32, #tpu.memory_space<vmem>> -> memref<112x16xf32, #tpu.memory_space<vmem>>
    %dma_start3A_186 = arith.constant 0 : i32
    %dma_start3A_187 = tpu.memref_slice %arg5[%dma_start3A_180, %dma_start3A_186] : memref<21x112xi32, #tpu.memory_space<vmem>> -> memref<1x112xi32, #tpu.memory_space<vmem>>
    %dma_start3A_188 = tpu.memref_squeeze %dma_start3A_187 : memref<1x112xi32, #tpu.memory_space<vmem>> -> memref<112xi32, #tpu.memory_space<vmem>>
    %dma_start3A_189 = arith.constant 0 : i32
    %dma_start3A_190 = arith.constant 0 : i32
    %dma_start3A_191 = tpu.memref_slice %arg2[%dma_start3A_189, %dma_start3A_190] : memref<75264x16xf32, #tpu.memory_space<hbm>> -> memref<75264x16xf32, #tpu.memory_space<hbm>>
    tpu.enqueue_indirect_dma source(%dma_start3A_191 : memref<75264x16xf32, #tpu.memory_space<hbm>>) target(%dma_start3A_185 : memref<112x16xf32, #tpu.memory_space<vmem>>) offsets(%dma_start3A_188 : memref<112xi32, #tpu.memory_space<vmem>>) semaphore(%arg7 : memref<!tpu.dma_semaphore, #tpu.memory_space<semaphore_mem>>)
    %dma_start3A_192 = arith.constant 16 : i32
    %dma_start3A_193 = arith.constant 16 : i32
    %dma_start3A_194 = arith.constant 0 : i32
    %dma_start3A_195 = arith.constant 0 : i32
    %dma_start3A_196 = tpu.memref_slice %arg6[%dma_start3A_193, %dma_start3A_194, %dma_start3A_195] : memref<21x112x16xf32, #tpu.memory_space<vmem>> -> memref<1x112x16xf32, #tpu.memory_space<vmem>>
    %dma_start3A_197 = tpu.memref_squeeze %dma_start3A_196 : memref<1x112x16xf32, #tpu.memory_space<vmem>> -> memref<112x16xf32, #tpu.memory_space<vmem>>
    %dma_start3A_198 = arith.constant 0 : i32
    %dma_start3A_199 = tpu.memref_slice %arg5[%dma_start3A_192, %dma_start3A_198] : memref<21x112xi32, #tpu.memory_space<vmem>> -> memref<1x112xi32, #tpu.memory_space<vmem>>
    %dma_start3A_200 = tpu.memref_squeeze %dma_start3A_199 : memref<1x112xi32, #tpu.memory_space<vmem>> -> memref<112xi32, #tpu.memory_space<vmem>>
    %dma_start3A_201 = arith.constant 0 : i32
    %dma_start3A_202 = arith.constant 0 : i32
    %dma_start3A_203 = tpu.memref_slice %arg2[%dma_start3A_201, %dma_start3A_202] : memref<75264x16xf32, #tpu.memory_space<hbm>> -> memref<75264x16xf32, #tpu.memory_space<hbm>>
    tpu.enqueue_indirect_dma source(%dma_start3A_203 : memref<75264x16xf32, #tpu.memory_space<hbm>>) target(%dma_start3A_197 : memref<112x16xf32, #tpu.memory_space<vmem>>) offsets(%dma_start3A_200 : memref<112xi32, #tpu.memory_space<vmem>>) semaphore(%arg7 : memref<!tpu.dma_semaphore, #tpu.memory_space<semaphore_mem>>)
    %dma_start3A_204 = arith.constant 17 : i32
    %dma_start3A_205 = arith.constant 17 : i32
    %dma_start3A_206 = arith.constant 0 : i32
    %dma_start3A_207 = arith.constant 0 : i32
    %dma_start3A_208 = tpu.memref_slice %arg6[%dma_start3A_205, %dma_start3A_206, %dma_start3A_207] : memref<21x112x16xf32, #tpu.memory_space<vmem>> -> memref<1x112x16xf32, #tpu.memory_space<vmem>>
    %dma_start3A_209 = tpu.memref_squeeze %dma_start3A_208 : memref<1x112x16xf32, #tpu.memory_space<vmem>> -> memref<112x16xf32, #tpu.memory_space<vmem>>
    %dma_start3A_210 = arith.constant 0 : i32
    %dma_start3A_211 = tpu.memref_slice %arg5[%dma_start3A_204, %dma_start3A_210] : memref<21x112xi32, #tpu.memory_space<vmem>> -> memref<1x112xi32, #tpu.memory_space<vmem>>
    %dma_start3A_212 = tpu.memref_squeeze %dma_start3A_211 : memref<1x112xi32, #tpu.memory_space<vmem>> -> memref<112xi32, #tpu.memory_space<vmem>>
    %dma_start3A_213 = arith.constant 0 : i32
    %dma_start3A_214 = arith.constant 0 : i32
    %dma_start3A_215 = tpu.memref_slice %arg2[%dma_start3A_213, %dma_start3A_214] : memref<75264x16xf32, #tpu.memory_space<hbm>> -> memref<75264x16xf32, #tpu.memory_space<hbm>>
    tpu.enqueue_indirect_dma source(%dma_start3A_215 : memref<75264x16xf32, #tpu.memory_space<hbm>>) target(%dma_start3A_209 : memref<112x16xf32, #tpu.memory_space<vmem>>) offsets(%dma_start3A_212 : memref<112xi32, #tpu.memory_space<vmem>>) semaphore(%arg7 : memref<!tpu.dma_semaphore, #tpu.memory_space<semaphore_mem>>)
    %dma_start3A_216 = arith.constant 18 : i32
    %dma_start3A_217 = arith.constant 18 : i32
    %dma_start3A_218 = arith.constant 0 : i32
    %dma_start3A_219 = arith.constant 0 : i32
    %dma_start3A_220 = tpu.memref_slice %arg6[%dma_start3A_217, %dma_start3A_218, %dma_start3A_219] : memref<21x112x16xf32, #tpu.memory_space<vmem>> -> memref<1x112x16xf32, #tpu.memory_space<vmem>>
    %dma_start3A_221 = tpu.memref_squeeze %dma_start3A_220 : memref<1x112x16xf32, #tpu.memory_space<vmem>> -> memref<112x16xf32, #tpu.memory_space<vmem>>
    %dma_start3A_222 = arith.constant 0 : i32
    %dma_start3A_223 = tpu.memref_slice %arg5[%dma_start3A_216, %dma_start3A_222] : memref<21x112xi32, #tpu.memory_space<vmem>> -> memref<1x112xi32, #tpu.memory_space<vmem>>
    %dma_start3A_224 = tpu.memref_squeeze %dma_start3A_223 : memref<1x112xi32, #tpu.memory_space<vmem>> -> memref<112xi32, #tpu.memory_space<vmem>>
    %dma_start3A_225 = arith.constant 0 : i32
    %dma_start3A_226 = arith.constant 0 : i32
    %dma_start3A_227 = tpu.memref_slice %arg2[%dma_start3A_225, %dma_start3A_226] : memref<75264x16xf32, #tpu.memory_space<hbm>> -> memref<75264x16xf32, #tpu.memory_space<hbm>>
    tpu.enqueue_indirect_dma source(%dma_start3A_227 : memref<75264x16xf32, #tpu.memory_space<hbm>>) target(%dma_start3A_221 : memref<112x16xf32, #tpu.memory_space<vmem>>) offsets(%dma_start3A_224 : memref<112xi32, #tpu.memory_space<vmem>>) semaphore(%arg7 : memref<!tpu.dma_semaphore, #tpu.memory_space<semaphore_mem>>)
    %dma_start3A_228 = arith.constant 19 : i32
    %dma_start3A_229 = arith.constant 19 : i32
    %dma_start3A_230 = arith.constant 0 : i32
    %dma_start3A_231 = arith.constant 0 : i32
    %dma_start3A_232 = tpu.memref_slice %arg6[%dma_start3A_229, %dma_start3A_230, %dma_start3A_231] : memref<21x112x16xf32, #tpu.memory_space<vmem>> -> memref<1x112x16xf32, #tpu.memory_space<vmem>>
    %dma_start3A_233 = tpu.memref_squeeze %dma_start3A_232 : memref<1x112x16xf32, #tpu.memory_space<vmem>> -> memref<112x16xf32, #tpu.memory_space<vmem>>
    %dma_start3A_234 = arith.constant 0 : i32
    %dma_start3A_235 = tpu.memref_slice %arg5[%dma_start3A_228, %dma_start3A_234] : memref<21x112xi32, #tpu.memory_space<vmem>> -> memref<1x112xi32, #tpu.memory_space<vmem>>
    %dma_start3A_236 = tpu.memref_squeeze %dma_start3A_235 : memref<1x112xi32, #tpu.memory_space<vmem>> -> memref<112xi32, #tpu.memory_space<vmem>>
    %dma_start3A_237 = arith.constant 0 : i32
    %dma_start3A_238 = arith.constant 0 : i32
    %dma_start3A_239 = tpu.memref_slice %arg2[%dma_start3A_237, %dma_start3A_238] : memref<75264x16xf32, #tpu.memory_space<hbm>> -> memref<75264x16xf32, #tpu.memory_space<hbm>>
    tpu.enqueue_indirect_dma source(%dma_start3A_239 : memref<75264x16xf32, #tpu.memory_space<hbm>>) target(%dma_start3A_233 : memref<112x16xf32, #tpu.memory_space<vmem>>) offsets(%dma_start3A_236 : memref<112xi32, #tpu.memory_space<vmem>>) semaphore(%arg7 : memref<!tpu.dma_semaphore, #tpu.memory_space<semaphore_mem>>)
    %dma_start3A_240 = arith.constant 20 : i32
    %dma_start3A_241 = arith.constant 20 : i32
    %dma_start3A_242 = arith.constant 0 : i32
    %dma_start3A_243 = arith.constant 0 : i32
    %dma_start3A_244 = tpu.memref_slice %arg6[%dma_start3A_241, %dma_start3A_242, %dma_start3A_243] : memref<21x112x16xf32, #tpu.memory_space<vmem>> -> memref<1x112x16xf32, #tpu.memory_space<vmem>>
    %dma_start3A_245 = tpu.memref_squeeze %dma_start3A_244 : memref<1x112x16xf32, #tpu.memory_space<vmem>> -> memref<112x16xf32, #tpu.memory_space<vmem>>
    %dma_start3A_246 = arith.constant 0 : i32
    %dma_start3A_247 = tpu.memref_slice %arg5[%dma_start3A_240, %dma_start3A_246] : memref<21x112xi32, #tpu.memory_space<vmem>> -> memref<1x112xi32, #tpu.memory_space<vmem>>
    %dma_start3A_248 = tpu.memref_squeeze %dma_start3A_247 : memref<1x112xi32, #tpu.memory_space<vmem>> -> memref<112xi32, #tpu.memory_space<vmem>>
    %dma_start3A_249 = arith.constant 0 : i32
    %dma_start3A_250 = arith.constant 0 : i32
    %dma_start3A_251 = tpu.memref_slice %arg2[%dma_start3A_249, %dma_start3A_250] : memref<75264x16xf32, #tpu.memory_space<hbm>> -> memref<75264x16xf32, #tpu.memory_space<hbm>>
    tpu.enqueue_indirect_dma source(%dma_start3A_251 : memref<75264x16xf32, #tpu.memory_space<hbm>>) target(%dma_start3A_245 : memref<112x16xf32, #tpu.memory_space<vmem>>) offsets(%dma_start3A_248 : memref<112xi32, #tpu.memory_space<vmem>>) semaphore(%arg7 : memref<!tpu.dma_semaphore, #tpu.memory_space<semaphore_mem>>)
    %dma_wait3A = arith.constant 0 : i32
    %dma_wait3A_252 = arith.constant 0 : i32
    %dma_wait3A_253 = arith.constant 0 : i32
    %dma_wait3A_254 = arith.constant 0 : i32
    %dma_wait3A_255 = tpu.memref_slice %arg6[%dma_wait3A_252, %dma_wait3A_253, %dma_wait3A_254] : memref<21x112x16xf32, #tpu.memory_space<vmem>> -> memref<1x112x16xf32, #tpu.memory_space<vmem>>
    %dma_wait3A_256 = tpu.memref_squeeze %dma_wait3A_255 : memref<1x112x16xf32, #tpu.memory_space<vmem>> -> memref<112x16xf32, #tpu.memory_space<vmem>>
    %dma_wait3A_257 = arith.constant 0 : i32
    %dma_wait3A_258 = tpu.memref_slice %arg5[%dma_wait3A, %dma_wait3A_257] : memref<21x112xi32, #tpu.memory_space<vmem>> -> memref<1x112xi32, #tpu.memory_space<vmem>>
    %dma_wait3A_259 = tpu.memref_squeeze %dma_wait3A_258 : memref<1x112xi32, #tpu.memory_space<vmem>> -> memref<112xi32, #tpu.memory_space<vmem>>
    %dma_wait3A_260 = arith.constant 0 : i32
    %dma_wait3A_261 = arith.constant 0 : i32
    %dma_wait3A_262 = tpu.memref_slice %arg2[%dma_wait3A_260, %dma_wait3A_261] : memref<75264x16xf32, #tpu.memory_space<hbm>> -> memref<75264x16xf32, #tpu.memory_space<hbm>>
    tpu.wait_indirect_dma semaphore(%arg7 : memref<!tpu.dma_semaphore, #tpu.memory_space<semaphore_mem>>) src(%dma_wait3A_262 : memref<75264x16xf32, #tpu.memory_space<hbm>>) dst(%dma_wait3A_256 : memref<112x16xf32, #tpu.memory_space<vmem>>)
    %run_scoped3A = arith.constant 0 : i32
    %run_scoped3A_263 = arith.constant 0 : i32
    "tpu.region"() ({
      %run_scoped3A_544 = tpu.sem_alloc : memref<!tpu.dma_semaphore, #tpu.memory_space<semaphore_mem>>
      %dma_start3A_545 = arith.constant 0 : i32
      %dma_start3A_546 = arith.constant 0 : i32
      %dma_start3A_547 = tpu.memref_slice %arg6[%run_scoped3A, %dma_start3A_545, %dma_start3A_546] : memref<21x112x16xf32, #tpu.memory_space<vmem>> -> memref<1x112x16xf32, #tpu.memory_space<vmem>>
      %dma_start3A_548 = tpu.memref_squeeze %dma_start3A_547 : memref<1x112x16xf32, #tpu.memory_space<vmem>> -> memref<112x16xf32, #tpu.memory_space<vmem>>
      %dma_start3A_549 = arith.constant 0 : i32
      %dma_start3A_550 = arith.constant 0 : i32
      %dma_start3A_551 = tpu.memref_slice %arg4[%add3A, %run_scoped3A_263, %dma_start3A_549, %dma_start3A_550] : memref<32x21x112x16xf32, #tpu.memory_space<hbm>> -> memref<1x1x112x16xf32, #tpu.memory_space<hbm>>
      %dma_start3A_552 = tpu.memref_squeeze %dma_start3A_551 : memref<1x1x112x16xf32, #tpu.memory_space<hbm>> -> memref<112x16xf32, #tpu.memory_space<hbm>>
      %dma_start3A_553 = arith.constant 0 : i32
      %dma_start3A_554 = arith.constant 0 : i32
      %dma_start3A_555 = tpu.memref_slice %arg4[%add3A, %run_scoped3A_263, %dma_start3A_553, %dma_start3A_554] : memref<32x21x112x16xf32, #tpu.memory_space<hbm>> -> memref<1x1x112x16xf32, #tpu.memory_space<hbm>>
      %dma_start3A_556 = tpu.memref_squeeze %dma_start3A_555 : memref<1x1x112x16xf32, #tpu.memory_space<hbm>> -> memref<112x16xf32, #tpu.memory_space<hbm>>
      %dma_start3A_557 = arith.constant 0 : i32
      %dma_start3A_558 = arith.constant 0 : i32
      %dma_start3A_559 = tpu.memref_slice %arg6[%run_scoped3A, %dma_start3A_557, %dma_start3A_558] : memref<21x112x16xf32, #tpu.memory_space<vmem>> -> memref<1x112x16xf32, #tpu.memory_space<vmem>>
      %dma_start3A_560 = tpu.memref_squeeze %dma_start3A_559 : memref<1x112x16xf32, #tpu.memory_space<vmem>> -> memref<112x16xf32, #tpu.memory_space<vmem>>
      tpu.enqueue_dma source(%dma_start3A_560 : memref<112x16xf32, #tpu.memory_space<vmem>>) target(%dma_start3A_556 : memref<112x16xf32, #tpu.memory_space<hbm>>) target_semaphore(%run_scoped3A_544 : memref<!tpu.dma_semaphore, #tpu.memory_space<semaphore_mem>>)
      %dma_wait3A_561 = arith.constant 0 : i32
      %dma_wait3A_562 = arith.constant 0 : i32
      %dma_wait3A_563 = tpu.memref_slice %arg6[%run_scoped3A, %dma_wait3A_561, %dma_wait3A_562] : memref<21x112x16xf32, #tpu.memory_space<vmem>> -> memref<1x112x16xf32, #tpu.memory_space<vmem>>
      %dma_wait3A_564 = tpu.memref_squeeze %dma_wait3A_563 : memref<1x112x16xf32, #tpu.memory_space<vmem>> -> memref<112x16xf32, #tpu.memory_space<vmem>>
      %dma_wait3A_565 = arith.constant 0 : i32
      %dma_wait3A_566 = arith.constant 0 : i32
      %dma_wait3A_567 = tpu.memref_slice %arg4[%add3A, %run_scoped3A_263, %dma_wait3A_565, %dma_wait3A_566] : memref<32x21x112x16xf32, #tpu.memory_space<hbm>> -> memref<1x1x112x16xf32, #tpu.memory_space<hbm>>
      %dma_wait3A_568 = tpu.memref_squeeze %dma_wait3A_567 : memref<1x1x112x16xf32, #tpu.memory_space<hbm>> -> memref<112x16xf32, #tpu.memory_space<hbm>>
      %dma_wait3A_569 = arith.constant 0 : i32
      %dma_wait3A_570 = arith.constant 0 : i32
      %dma_wait3A_571 = tpu.memref_slice %arg4[%add3A, %run_scoped3A_263, %dma_wait3A_569, %dma_wait3A_570] : memref<32x21x112x16xf32, #tpu.memory_space<hbm>> -> memref<1x1x112x16xf32, #tpu.memory_space<hbm>>
      %dma_wait3A_572 = tpu.memref_squeeze %dma_wait3A_571 : memref<1x1x112x16xf32, #tpu.memory_space<hbm>> -> memref<112x16xf32, #tpu.memory_space<hbm>>
      %dma_wait3A_573 = arith.constant 0 : i32
      %dma_wait3A_574 = arith.constant 0 : i32
      %dma_wait3A_575 = tpu.memref_slice %arg6[%run_scoped3A, %dma_wait3A_573, %dma_wait3A_574] : memref<21x112x16xf32, #tpu.memory_space<vmem>> -> memref<1x112x16xf32, #tpu.memory_space<vmem>>
      %dma_wait3A_576 = tpu.memref_squeeze %dma_wait3A_575 : memref<1x112x16xf32, #tpu.memory_space<vmem>> -> memref<112x16xf32, #tpu.memory_space<vmem>>
      tpu.wait_dma2 semaphore(%run_scoped3A_544 : memref<!tpu.dma_semaphore, #tpu.memory_space<semaphore_mem>>) src(%dma_wait3A_576 : memref<112x16xf32, #tpu.memory_space<vmem>>) dst(%dma_wait3A_572 : memref<112x16xf32, #tpu.memory_space<hbm>>)
      tpu.yield
    }) : () -> ()
    %dma_wait3A_264 = arith.constant 1 : i32
    %dma_wait3A_265 = arith.constant 1 : i32
    %dma_wait3A_266 = arith.constant 0 : i32
    %dma_wait3A_267 = arith.constant 0 : i32
    %dma_wait3A_268 = tpu.memref_slice %arg6[%dma_wait3A_265, %dma_wait3A_266, %dma_wait3A_267] : memref<21x112x16xf32, #tpu.memory_space<vmem>> -> memref<1x112x16xf32, #tpu.memory_space<vmem>>
    %dma_wait3A_269 = tpu.memref_squeeze %dma_wait3A_268 : memref<1x112x16xf32, #tpu.memory_space<vmem>> -> memref<112x16xf32, #tpu.memory_space<vmem>>
    %dma_wait3A_270 = arith.constant 0 : i32
    %dma_wait3A_271 = tpu.memref_slice %arg5[%dma_wait3A_264, %dma_wait3A_270] : memref<21x112xi32, #tpu.memory_space<vmem>> -> memref<1x112xi32, #tpu.memory_space<vmem>>
    %dma_wait3A_272 = tpu.memref_squeeze %dma_wait3A_271 : memref<1x112xi32, #tpu.memory_space<vmem>> -> memref<112xi32, #tpu.memory_space<vmem>>
    %dma_wait3A_273 = arith.constant 0 : i32
    %dma_wait3A_274 = arith.constant 0 : i32
    %dma_wait3A_275 = tpu.memref_slice %arg2[%dma_wait3A_273, %dma_wait3A_274] : memref<75264x16xf32, #tpu.memory_space<hbm>> -> memref<75264x16xf32, #tpu.memory_space<hbm>>
    tpu.wait_indirect_dma semaphore(%arg7 : memref<!tpu.dma_semaphore, #tpu.memory_space<semaphore_mem>>) src(%dma_wait3A_275 : memref<75264x16xf32, #tpu.memory_space<hbm>>) dst(%dma_wait3A_269 : memref<112x16xf32, #tpu.memory_space<vmem>>)
    %run_scoped3A_276 = arith.constant 1 : i32
    %run_scoped3A_277 = arith.constant 1 : i32
    "tpu.region"() ({
      %run_scoped3A_544 = tpu.sem_alloc : memref<!tpu.dma_semaphore, #tpu.memory_space<semaphore_mem>>
      %dma_start3A_545 = arith.constant 0 : i32
      %dma_start3A_546 = arith.constant 0 : i32
      %dma_start3A_547 = tpu.memref_slice %arg6[%run_scoped3A_276, %dma_start3A_545, %dma_start3A_546] : memref<21x112x16xf32, #tpu.memory_space<vmem>> -> memref<1x112x16xf32, #tpu.memory_space<vmem>>
      %dma_start3A_548 = tpu.memref_squeeze %dma_start3A_547 : memref<1x112x16xf32, #tpu.memory_space<vmem>> -> memref<112x16xf32, #tpu.memory_space<vmem>>
      %dma_start3A_549 = arith.constant 0 : i32
      %dma_start3A_550 = arith.constant 0 : i32
      %dma_start3A_551 = tpu.memref_slice %arg4[%add3A, %run_scoped3A_277, %dma_start3A_549, %dma_start3A_550] : memref<32x21x112x16xf32, #tpu.memory_space<hbm>> -> memref<1x1x112x16xf32, #tpu.memory_space<hbm>>
      %dma_start3A_552 = tpu.memref_squeeze %dma_start3A_551 : memref<1x1x112x16xf32, #tpu.memory_space<hbm>> -> memref<112x16xf32, #tpu.memory_space<hbm>>
      %dma_start3A_553 = arith.constant 0 : i32
      %dma_start3A_554 = arith.constant 0 : i32
      %dma_start3A_555 = tpu.memref_slice %arg4[%add3A, %run_scoped3A_277, %dma_start3A_553, %dma_start3A_554] : memref<32x21x112x16xf32, #tpu.memory_space<hbm>> -> memref<1x1x112x16xf32, #tpu.memory_space<hbm>>
      %dma_start3A_556 = tpu.memref_squeeze %dma_start3A_555 : memref<1x1x112x16xf32, #tpu.memory_space<hbm>> -> memref<112x16xf32, #tpu.memory_space<hbm>>
      %dma_start3A_557 = arith.constant 0 : i32
      %dma_start3A_558 = arith.constant 0 : i32
      %dma_start3A_559 = tpu.memref_slice %arg6[%run_scoped3A_276, %dma_start3A_557, %dma_start3A_558] : memref<21x112x16xf32, #tpu.memory_space<vmem>> -> memref<1x112x16xf32, #tpu.memory_space<vmem>>
      %dma_start3A_560 = tpu.memref_squeeze %dma_start3A_559 : memref<1x112x16xf32, #tpu.memory_space<vmem>> -> memref<112x16xf32, #tpu.memory_space<vmem>>
      tpu.enqueue_dma source(%dma_start3A_560 : memref<112x16xf32, #tpu.memory_space<vmem>>) target(%dma_start3A_556 : memref<112x16xf32, #tpu.memory_space<hbm>>) target_semaphore(%run_scoped3A_544 : memref<!tpu.dma_semaphore, #tpu.memory_space<semaphore_mem>>)
      %dma_wait3A_561 = arith.constant 0 : i32
      %dma_wait3A_562 = arith.constant 0 : i32
      %dma_wait3A_563 = tpu.memref_slice %arg6[%run_scoped3A_276, %dma_wait3A_561, %dma_wait3A_562] : memref<21x112x16xf32, #tpu.memory_space<vmem>> -> memref<1x112x16xf32, #tpu.memory_space<vmem>>
      %dma_wait3A_564 = tpu.memref_squeeze %dma_wait3A_563 : memref<1x112x16xf32, #tpu.memory_space<vmem>> -> memref<112x16xf32, #tpu.memory_space<vmem>>
      %dma_wait3A_565 = arith.constant 0 : i32
      %dma_wait3A_566 = arith.constant 0 : i32
      %dma_wait3A_567 = tpu.memref_slice %arg4[%add3A, %run_scoped3A_277, %dma_wait3A_565, %dma_wait3A_566] : memref<32x21x112x16xf32, #tpu.memory_space<hbm>> -> memref<1x1x112x16xf32, #tpu.memory_space<hbm>>
      %dma_wait3A_568 = tpu.memref_squeeze %dma_wait3A_567 : memref<1x1x112x16xf32, #tpu.memory_space<hbm>> -> memref<112x16xf32, #tpu.memory_space<hbm>>
      %dma_wait3A_569 = arith.constant 0 : i32
      %dma_wait3A_570 = arith.constant 0 : i32
      %dma_wait3A_571 = tpu.memref_slice %arg4[%add3A, %run_scoped3A_277, %dma_wait3A_569, %dma_wait3A_570] : memref<32x21x112x16xf32, #tpu.memory_space<hbm>> -> memref<1x1x112x16xf32, #tpu.memory_space<hbm>>
      %dma_wait3A_572 = tpu.memref_squeeze %dma_wait3A_571 : memref<1x1x112x16xf32, #tpu.memory_space<hbm>> -> memref<112x16xf32, #tpu.memory_space<hbm>>
      %dma_wait3A_573 = arith.constant 0 : i32
      %dma_wait3A_574 = arith.constant 0 : i32
      %dma_wait3A_575 = tpu.memref_slice %arg6[%run_scoped3A_276, %dma_wait3A_573, %dma_wait3A_574] : memref<21x112x16xf32, #tpu.memory_space<vmem>> -> memref<1x112x16xf32, #tpu.memory_space<vmem>>
      %dma_wait3A_576 = tpu.memref_squeeze %dma_wait3A_575 : memref<1x112x16xf32, #tpu.memory_space<vmem>> -> memref<112x16xf32, #tpu.memory_space<vmem>>
      tpu.wait_dma2 semaphore(%run_scoped3A_544 : memref<!tpu.dma_semaphore, #tpu.memory_space<semaphore_mem>>) src(%dma_wait3A_576 : memref<112x16xf32, #tpu.memory_space<vmem>>) dst(%dma_wait3A_572 : memref<112x16xf32, #tpu.memory_space<hbm>>)
      tpu.yield
    }) : () -> ()
    %dma_wait3A_278 = arith.constant 2 : i32
    %dma_wait3A_279 = arith.constant 2 : i32
    %dma_wait3A_280 = arith.constant 0 : i32
    %dma_wait3A_281 = arith.constant 0 : i32
    %dma_wait3A_282 = tpu.memref_slice %arg6[%dma_wait3A_279, %dma_wait3A_280, %dma_wait3A_281] : memref<21x112x16xf32, #tpu.memory_space<vmem>> -> memref<1x112x16xf32, #tpu.memory_space<vmem>>
    %dma_wait3A_283 = tpu.memref_squeeze %dma_wait3A_282 : memref<1x112x16xf32, #tpu.memory_space<vmem>> -> memref<112x16xf32, #tpu.memory_space<vmem>>
    %dma_wait3A_284 = arith.constant 0 : i32
    %dma_wait3A_285 = tpu.memref_slice %arg5[%dma_wait3A_278, %dma_wait3A_284] : memref<21x112xi32, #tpu.memory_space<vmem>> -> memref<1x112xi32, #tpu.memory_space<vmem>>
    %dma_wait3A_286 = tpu.memref_squeeze %dma_wait3A_285 : memref<1x112xi32, #tpu.memory_space<vmem>> -> memref<112xi32, #tpu.memory_space<vmem>>
    %dma_wait3A_287 = arith.constant 0 : i32
    %dma_wait3A_288 = arith.constant 0 : i32
    %dma_wait3A_289 = tpu.memref_slice %arg2[%dma_wait3A_287, %dma_wait3A_288] : memref<75264x16xf32, #tpu.memory_space<hbm>> -> memref<75264x16xf32, #tpu.memory_space<hbm>>
    tpu.wait_indirect_dma semaphore(%arg7 : memref<!tpu.dma_semaphore, #tpu.memory_space<semaphore_mem>>) src(%dma_wait3A_289 : memref<75264x16xf32, #tpu.memory_space<hbm>>) dst(%dma_wait3A_283 : memref<112x16xf32, #tpu.memory_space<vmem>>)
    %run_scoped3A_290 = arith.constant 2 : i32
    %run_scoped3A_291 = arith.constant 2 : i32
    "tpu.region"() ({
      %run_scoped3A_544 = tpu.sem_alloc : memref<!tpu.dma_semaphore, #tpu.memory_space<semaphore_mem>>
      %dma_start3A_545 = arith.constant 0 : i32
      %dma_start3A_546 = arith.constant 0 : i32
      %dma_start3A_547 = tpu.memref_slice %arg6[%run_scoped3A_290, %dma_start3A_545, %dma_start3A_546] : memref<21x112x16xf32, #tpu.memory_space<vmem>> -> memref<1x112x16xf32, #tpu.memory_space<vmem>>
      %dma_start3A_548 = tpu.memref_squeeze %dma_start3A_547 : memref<1x112x16xf32, #tpu.memory_space<vmem>> -> memref<112x16xf32, #tpu.memory_space<vmem>>
      %dma_start3A_549 = arith.constant 0 : i32
      %dma_start3A_550 = arith.constant 0 : i32
      %dma_start3A_551 = tpu.memref_slice %arg4[%add3A, %run_scoped3A_291, %dma_start3A_549, %dma_start3A_550] : memref<32x21x112x16xf32, #tpu.memory_space<hbm>> -> memref<1x1x112x16xf32, #tpu.memory_space<hbm>>
      %dma_start3A_552 = tpu.memref_squeeze %dma_start3A_551 : memref<1x1x112x16xf32, #tpu.memory_space<hbm>> -> memref<112x16xf32, #tpu.memory_space<hbm>>
      %dma_start3A_553 = arith.constant 0 : i32
      %dma_start3A_554 = arith.constant 0 : i32
      %dma_start3A_555 = tpu.memref_slice %arg4[%add3A, %run_scoped3A_291, %dma_start3A_553, %dma_start3A_554] : memref<32x21x112x16xf32, #tpu.memory_space<hbm>> -> memref<1x1x112x16xf32, #tpu.memory_space<hbm>>
      %dma_start3A_556 = tpu.memref_squeeze %dma_start3A_555 : memref<1x1x112x16xf32, #tpu.memory_space<hbm>> -> memref<112x16xf32, #tpu.memory_space<hbm>>
      %dma_start3A_557 = arith.constant 0 : i32
      %dma_start3A_558 = arith.constant 0 : i32
      %dma_start3A_559 = tpu.memref_slice %arg6[%run_scoped3A_290, %dma_start3A_557, %dma_start3A_558] : memref<21x112x16xf32, #tpu.memory_space<vmem>> -> memref<1x112x16xf32, #tpu.memory_space<vmem>>
      %dma_start3A_560 = tpu.memref_squeeze %dma_start3A_559 : memref<1x112x16xf32, #tpu.memory_space<vmem>> -> memref<112x16xf32, #tpu.memory_space<vmem>>
      tpu.enqueue_dma source(%dma_start3A_560 : memref<112x16xf32, #tpu.memory_space<vmem>>) target(%dma_start3A_556 : memref<112x16xf32, #tpu.memory_space<hbm>>) target_semaphore(%run_scoped3A_544 : memref<!tpu.dma_semaphore, #tpu.memory_space<semaphore_mem>>)
      %dma_wait3A_561 = arith.constant 0 : i32
      %dma_wait3A_562 = arith.constant 0 : i32
      %dma_wait3A_563 = tpu.memref_slice %arg6[%run_scoped3A_290, %dma_wait3A_561, %dma_wait3A_562] : memref<21x112x16xf32, #tpu.memory_space<vmem>> -> memref<1x112x16xf32, #tpu.memory_space<vmem>>
      %dma_wait3A_564 = tpu.memref_squeeze %dma_wait3A_563 : memref<1x112x16xf32, #tpu.memory_space<vmem>> -> memref<112x16xf32, #tpu.memory_space<vmem>>
      %dma_wait3A_565 = arith.constant 0 : i32
      %dma_wait3A_566 = arith.constant 0 : i32
      %dma_wait3A_567 = tpu.memref_slice %arg4[%add3A, %run_scoped3A_291, %dma_wait3A_565, %dma_wait3A_566] : memref<32x21x112x16xf32, #tpu.memory_space<hbm>> -> memref<1x1x112x16xf32, #tpu.memory_space<hbm>>
      %dma_wait3A_568 = tpu.memref_squeeze %dma_wait3A_567 : memref<1x1x112x16xf32, #tpu.memory_space<hbm>> -> memref<112x16xf32, #tpu.memory_space<hbm>>
      %dma_wait3A_569 = arith.constant 0 : i32
      %dma_wait3A_570 = arith.constant 0 : i32
      %dma_wait3A_571 = tpu.memref_slice %arg4[%add3A, %run_scoped3A_291, %dma_wait3A_569, %dma_wait3A_570] : memref<32x21x112x16xf32, #tpu.memory_space<hbm>> -> memref<1x1x112x16xf32, #tpu.memory_space<hbm>>
      %dma_wait3A_572 = tpu.memref_squeeze %dma_wait3A_571 : memref<1x1x112x16xf32, #tpu.memory_space<hbm>> -> memref<112x16xf32, #tpu.memory_space<hbm>>
      %dma_wait3A_573 = arith.constant 0 : i32
      %dma_wait3A_574 = arith.constant 0 : i32
      %dma_wait3A_575 = tpu.memref_slice %arg6[%run_scoped3A_290, %dma_wait3A_573, %dma_wait3A_574] : memref<21x112x16xf32, #tpu.memory_space<vmem>> -> memref<1x112x16xf32, #tpu.memory_space<vmem>>
      %dma_wait3A_576 = tpu.memref_squeeze %dma_wait3A_575 : memref<1x112x16xf32, #tpu.memory_space<vmem>> -> memref<112x16xf32, #tpu.memory_space<vmem>>
      tpu.wait_dma2 semaphore(%run_scoped3A_544 : memref<!tpu.dma_semaphore, #tpu.memory_space<semaphore_mem>>) src(%dma_wait3A_576 : memref<112x16xf32, #tpu.memory_space<vmem>>) dst(%dma_wait3A_572 : memref<112x16xf32, #tpu.memory_space<hbm>>)
      tpu.yield
    }) : () -> ()
    %dma_wait3A_292 = arith.constant 3 : i32
    %dma_wait3A_293 = arith.constant 3 : i32
    %dma_wait3A_294 = arith.constant 0 : i32
    %dma_wait3A_295 = arith.constant 0 : i32
    %dma_wait3A_296 = tpu.memref_slice %arg6[%dma_wait3A_293, %dma_wait3A_294, %dma_wait3A_295] : memref<21x112x16xf32, #tpu.memory_space<vmem>> -> memref<1x112x16xf32, #tpu.memory_space<vmem>>
    %dma_wait3A_297 = tpu.memref_squeeze %dma_wait3A_296 : memref<1x112x16xf32, #tpu.memory_space<vmem>> -> memref<112x16xf32, #tpu.memory_space<vmem>>
    %dma_wait3A_298 = arith.constant 0 : i32
    %dma_wait3A_299 = tpu.memref_slice %arg5[%dma_wait3A_292, %dma_wait3A_298] : memref<21x112xi32, #tpu.memory_space<vmem>> -> memref<1x112xi32, #tpu.memory_space<vmem>>
    %dma_wait3A_300 = tpu.memref_squeeze %dma_wait3A_299 : memref<1x112xi32, #tpu.memory_space<vmem>> -> memref<112xi32, #tpu.memory_space<vmem>>
    %dma_wait3A_301 = arith.constant 0 : i32
    %dma_wait3A_302 = arith.constant 0 : i32
    %dma_wait3A_303 = tpu.memref_slice %arg2[%dma_wait3A_301, %dma_wait3A_302] : memref<75264x16xf32, #tpu.memory_space<hbm>> -> memref<75264x16xf32, #tpu.memory_space<hbm>>
    tpu.wait_indirect_dma semaphore(%arg7 : memref<!tpu.dma_semaphore, #tpu.memory_space<semaphore_mem>>) src(%dma_wait3A_303 : memref<75264x16xf32, #tpu.memory_space<hbm>>) dst(%dma_wait3A_297 : memref<112x16xf32, #tpu.memory_space<vmem>>)
    %run_scoped3A_304 = arith.constant 3 : i32
    %run_scoped3A_305 = arith.constant 3 : i32
    "tpu.region"() ({
      %run_scoped3A_544 = tpu.sem_alloc : memref<!tpu.dma_semaphore, #tpu.memory_space<semaphore_mem>>
      %dma_start3A_545 = arith.constant 0 : i32
      %dma_start3A_546 = arith.constant 0 : i32
      %dma_start3A_547 = tpu.memref_slice %arg6[%run_scoped3A_304, %dma_start3A_545, %dma_start3A_546] : memref<21x112x16xf32, #tpu.memory_space<vmem>> -> memref<1x112x16xf32, #tpu.memory_space<vmem>>
      %dma_start3A_548 = tpu.memref_squeeze %dma_start3A_547 : memref<1x112x16xf32, #tpu.memory_space<vmem>> -> memref<112x16xf32, #tpu.memory_space<vmem>>
      %dma_start3A_549 = arith.constant 0 : i32
      %dma_start3A_550 = arith.constant 0 : i32
      %dma_start3A_551 = tpu.memref_slice %arg4[%add3A, %run_scoped3A_305, %dma_start3A_549, %dma_start3A_550] : memref<32x21x112x16xf32, #tpu.memory_space<hbm>> -> memref<1x1x112x16xf32, #tpu.memory_space<hbm>>
      %dma_start3A_552 = tpu.memref_squeeze %dma_start3A_551 : memref<1x1x112x16xf32, #tpu.memory_space<hbm>> -> memref<112x16xf32, #tpu.memory_space<hbm>>
      %dma_start3A_553 = arith.constant 0 : i32
      %dma_start3A_554 = arith.constant 0 : i32
      %dma_start3A_555 = tpu.memref_slice %arg4[%add3A, %run_scoped3A_305, %dma_start3A_553, %dma_start3A_554] : memref<32x21x112x16xf32, #tpu.memory_space<hbm>> -> memref<1x1x112x16xf32, #tpu.memory_space<hbm>>
      %dma_start3A_556 = tpu.memref_squeeze %dma_start3A_555 : memref<1x1x112x16xf32, #tpu.memory_space<hbm>> -> memref<112x16xf32, #tpu.memory_space<hbm>>
      %dma_start3A_557 = arith.constant 0 : i32
      %dma_start3A_558 = arith.constant 0 : i32
      %dma_start3A_559 = tpu.memref_slice %arg6[%run_scoped3A_304, %dma_start3A_557, %dma_start3A_558] : memref<21x112x16xf32, #tpu.memory_space<vmem>> -> memref<1x112x16xf32, #tpu.memory_space<vmem>>
      %dma_start3A_560 = tpu.memref_squeeze %dma_start3A_559 : memref<1x112x16xf32, #tpu.memory_space<vmem>> -> memref<112x16xf32, #tpu.memory_space<vmem>>
      tpu.enqueue_dma source(%dma_start3A_560 : memref<112x16xf32, #tpu.memory_space<vmem>>) target(%dma_start3A_556 : memref<112x16xf32, #tpu.memory_space<hbm>>) target_semaphore(%run_scoped3A_544 : memref<!tpu.dma_semaphore, #tpu.memory_space<semaphore_mem>>)
      %dma_wait3A_561 = arith.constant 0 : i32
      %dma_wait3A_562 = arith.constant 0 : i32
      %dma_wait3A_563 = tpu.memref_slice %arg6[%run_scoped3A_304, %dma_wait3A_561, %dma_wait3A_562] : memref<21x112x16xf32, #tpu.memory_space<vmem>> -> memref<1x112x16xf32, #tpu.memory_space<vmem>>
      %dma_wait3A_564 = tpu.memref_squeeze %dma_wait3A_563 : memref<1x112x16xf32, #tpu.memory_space<vmem>> -> memref<112x16xf32, #tpu.memory_space<vmem>>
      %dma_wait3A_565 = arith.constant 0 : i32
      %dma_wait3A_566 = arith.constant 0 : i32
      %dma_wait3A_567 = tpu.memref_slice %arg4[%add3A, %run_scoped3A_305, %dma_wait3A_565, %dma_wait3A_566] : memref<32x21x112x16xf32, #tpu.memory_space<hbm>> -> memref<1x1x112x16xf32, #tpu.memory_space<hbm>>
      %dma_wait3A_568 = tpu.memref_squeeze %dma_wait3A_567 : memref<1x1x112x16xf32, #tpu.memory_space<hbm>> -> memref<112x16xf32, #tpu.memory_space<hbm>>
      %dma_wait3A_569 = arith.constant 0 : i32
      %dma_wait3A_570 = arith.constant 0 : i32
      %dma_wait3A_571 = tpu.memref_slice %arg4[%add3A, %run_scoped3A_305, %dma_wait3A_569, %dma_wait3A_570] : memref<32x21x112x16xf32, #tpu.memory_space<hbm>> -> memref<1x1x112x16xf32, #tpu.memory_space<hbm>>
      %dma_wait3A_572 = tpu.memref_squeeze %dma_wait3A_571 : memref<1x1x112x16xf32, #tpu.memory_space<hbm>> -> memref<112x16xf32, #tpu.memory_space<hbm>>
      %dma_wait3A_573 = arith.constant 0 : i32
      %dma_wait3A_574 = arith.constant 0 : i32
      %dma_wait3A_575 = tpu.memref_slice %arg6[%run_scoped3A_304, %dma_wait3A_573, %dma_wait3A_574] : memref<21x112x16xf32, #tpu.memory_space<vmem>> -> memref<1x112x16xf32, #tpu.memory_space<vmem>>
      %dma_wait3A_576 = tpu.memref_squeeze %dma_wait3A_575 : memref<1x112x16xf32, #tpu.memory_space<vmem>> -> memref<112x16xf32, #tpu.memory_space<vmem>>
      tpu.wait_dma2 semaphore(%run_scoped3A_544 : memref<!tpu.dma_semaphore, #tpu.memory_space<semaphore_mem>>) src(%dma_wait3A_576 : memref<112x16xf32, #tpu.memory_space<vmem>>) dst(%dma_wait3A_572 : memref<112x16xf32, #tpu.memory_space<hbm>>)
      tpu.yield
    }) : () -> ()
    %dma_wait3A_306 = arith.constant 4 : i32
    %dma_wait3A_307 = arith.constant 4 : i32
    %dma_wait3A_308 = arith.constant 0 : i32
    %dma_wait3A_309 = arith.constant 0 : i32
    %dma_wait3A_310 = tpu.memref_slice %arg6[%dma_wait3A_307, %dma_wait3A_308, %dma_wait3A_309] : memref<21x112x16xf32, #tpu.memory_space<vmem>> -> memref<1x112x16xf32, #tpu.memory_space<vmem>>
    %dma_wait3A_311 = tpu.memref_squeeze %dma_wait3A_310 : memref<1x112x16xf32, #tpu.memory_space<vmem>> -> memref<112x16xf32, #tpu.memory_space<vmem>>
    %dma_wait3A_312 = arith.constant 0 : i32
    %dma_wait3A_313 = tpu.memref_slice %arg5[%dma_wait3A_306, %dma_wait3A_312] : memref<21x112xi32, #tpu.memory_space<vmem>> -> memref<1x112xi32, #tpu.memory_space<vmem>>
    %dma_wait3A_314 = tpu.memref_squeeze %dma_wait3A_313 : memref<1x112xi32, #tpu.memory_space<vmem>> -> memref<112xi32, #tpu.memory_space<vmem>>
    %dma_wait3A_315 = arith.constant 0 : i32
    %dma_wait3A_316 = arith.constant 0 : i32
    %dma_wait3A_317 = tpu.memref_slice %arg2[%dma_wait3A_315, %dma_wait3A_316] : memref<75264x16xf32, #tpu.memory_space<hbm>> -> memref<75264x16xf32, #tpu.memory_space<hbm>>
    tpu.wait_indirect_dma semaphore(%arg7 : memref<!tpu.dma_semaphore, #tpu.memory_space<semaphore_mem>>) src(%dma_wait3A_317 : memref<75264x16xf32, #tpu.memory_space<hbm>>) dst(%dma_wait3A_311 : memref<112x16xf32, #tpu.memory_space<vmem>>)
    %run_scoped3A_318 = arith.constant 4 : i32
    %run_scoped3A_319 = arith.constant 4 : i32
    "tpu.region"() ({
      %run_scoped3A_544 = tpu.sem_alloc : memref<!tpu.dma_semaphore, #tpu.memory_space<semaphore_mem>>
      %dma_start3A_545 = arith.constant 0 : i32
      %dma_start3A_546 = arith.constant 0 : i32
      %dma_start3A_547 = tpu.memref_slice %arg6[%run_scoped3A_318, %dma_start3A_545, %dma_start3A_546] : memref<21x112x16xf32, #tpu.memory_space<vmem>> -> memref<1x112x16xf32, #tpu.memory_space<vmem>>
      %dma_start3A_548 = tpu.memref_squeeze %dma_start3A_547 : memref<1x112x16xf32, #tpu.memory_space<vmem>> -> memref<112x16xf32, #tpu.memory_space<vmem>>
      %dma_start3A_549 = arith.constant 0 : i32
      %dma_start3A_550 = arith.constant 0 : i32
      %dma_start3A_551 = tpu.memref_slice %arg4[%add3A, %run_scoped3A_319, %dma_start3A_549, %dma_start3A_550] : memref<32x21x112x16xf32, #tpu.memory_space<hbm>> -> memref<1x1x112x16xf32, #tpu.memory_space<hbm>>
      %dma_start3A_552 = tpu.memref_squeeze %dma_start3A_551 : memref<1x1x112x16xf32, #tpu.memory_space<hbm>> -> memref<112x16xf32, #tpu.memory_space<hbm>>
      %dma_start3A_553 = arith.constant 0 : i32
      %dma_start3A_554 = arith.constant 0 : i32
      %dma_start3A_555 = tpu.memref_slice %arg4[%add3A, %run_scoped3A_319, %dma_start3A_553, %dma_start3A_554] : memref<32x21x112x16xf32, #tpu.memory_space<hbm>> -> memref<1x1x112x16xf32, #tpu.memory_space<hbm>>
      %dma_start3A_556 = tpu.memref_squeeze %dma_start3A_555 : memref<1x1x112x16xf32, #tpu.memory_space<hbm>> -> memref<112x16xf32, #tpu.memory_space<hbm>>
      %dma_start3A_557 = arith.constant 0 : i32
      %dma_start3A_558 = arith.constant 0 : i32
      %dma_start3A_559 = tpu.memref_slice %arg6[%run_scoped3A_318, %dma_start3A_557, %dma_start3A_558] : memref<21x112x16xf32, #tpu.memory_space<vmem>> -> memref<1x112x16xf32, #tpu.memory_space<vmem>>
      %dma_start3A_560 = tpu.memref_squeeze %dma_start3A_559 : memref<1x112x16xf32, #tpu.memory_space<vmem>> -> memref<112x16xf32, #tpu.memory_space<vmem>>
      tpu.enqueue_dma source(%dma_start3A_560 : memref<112x16xf32, #tpu.memory_space<vmem>>) target(%dma_start3A_556 : memref<112x16xf32, #tpu.memory_space<hbm>>) target_semaphore(%run_scoped3A_544 : memref<!tpu.dma_semaphore, #tpu.memory_space<semaphore_mem>>)
      %dma_wait3A_561 = arith.constant 0 : i32
      %dma_wait3A_562 = arith.constant 0 : i32
      %dma_wait3A_563 = tpu.memref_slice %arg6[%run_scoped3A_318, %dma_wait3A_561, %dma_wait3A_562] : memref<21x112x16xf32, #tpu.memory_space<vmem>> -> memref<1x112x16xf32, #tpu.memory_space<vmem>>
      %dma_wait3A_564 = tpu.memref_squeeze %dma_wait3A_563 : memref<1x112x16xf32, #tpu.memory_space<vmem>> -> memref<112x16xf32, #tpu.memory_space<vmem>>
      %dma_wait3A_565 = arith.constant 0 : i32
      %dma_wait3A_566 = arith.constant 0 : i32
      %dma_wait3A_567 = tpu.memref_slice %arg4[%add3A, %run_scoped3A_319, %dma_wait3A_565, %dma_wait3A_566] : memref<32x21x112x16xf32, #tpu.memory_space<hbm>> -> memref<1x1x112x16xf32, #tpu.memory_space<hbm>>
      %dma_wait3A_568 = tpu.memref_squeeze %dma_wait3A_567 : memref<1x1x112x16xf32, #tpu.memory_space<hbm>> -> memref<112x16xf32, #tpu.memory_space<hbm>>
      %dma_wait3A_569 = arith.constant 0 : i32
      %dma_wait3A_570 = arith.constant 0 : i32
      %dma_wait3A_571 = tpu.memref_slice %arg4[%add3A, %run_scoped3A_319, %dma_wait3A_569, %dma_wait3A_570] : memref<32x21x112x16xf32, #tpu.memory_space<hbm>> -> memref<1x1x112x16xf32, #tpu.memory_space<hbm>>
      %dma_wait3A_572 = tpu.memref_squeeze %dma_wait3A_571 : memref<1x1x112x16xf32, #tpu.memory_space<hbm>> -> memref<112x16xf32, #tpu.memory_space<hbm>>
      %dma_wait3A_573 = arith.constant 0 : i32
      %dma_wait3A_574 = arith.constant 0 : i32
      %dma_wait3A_575 = tpu.memref_slice %arg6[%run_scoped3A_318, %dma_wait3A_573, %dma_wait3A_574] : memref<21x112x16xf32, #tpu.memory_space<vmem>> -> memref<1x112x16xf32, #tpu.memory_space<vmem>>
      %dma_wait3A_576 = tpu.memref_squeeze %dma_wait3A_575 : memref<1x112x16xf32, #tpu.memory_space<vmem>> -> memref<112x16xf32, #tpu.memory_space<vmem>>
      tpu.wait_dma2 semaphore(%run_scoped3A_544 : memref<!tpu.dma_semaphore, #tpu.memory_space<semaphore_mem>>) src(%dma_wait3A_576 : memref<112x16xf32, #tpu.memory_space<vmem>>) dst(%dma_wait3A_572 : memref<112x16xf32, #tpu.memory_space<hbm>>)
      tpu.yield
    }) : () -> ()
    %dma_wait3A_320 = arith.constant 5 : i32
    %dma_wait3A_321 = arith.constant 5 : i32
    %dma_wait3A_322 = arith.constant 0 : i32
    %dma_wait3A_323 = arith.constant 0 : i32
    %dma_wait3A_324 = tpu.memref_slice %arg6[%dma_wait3A_321, %dma_wait3A_322, %dma_wait3A_323] : memref<21x112x16xf32, #tpu.memory_space<vmem>> -> memref<1x112x16xf32, #tpu.memory_space<vmem>>
    %dma_wait3A_325 = tpu.memref_squeeze %dma_wait3A_324 : memref<1x112x16xf32, #tpu.memory_space<vmem>> -> memref<112x16xf32, #tpu.memory_space<vmem>>
    %dma_wait3A_326 = arith.constant 0 : i32
    %dma_wait3A_327 = tpu.memref_slice %arg5[%dma_wait3A_320, %dma_wait3A_326] : memref<21x112xi32, #tpu.memory_space<vmem>> -> memref<1x112xi32, #tpu.memory_space<vmem>>
    %dma_wait3A_328 = tpu.memref_squeeze %dma_wait3A_327 : memref<1x112xi32, #tpu.memory_space<vmem>> -> memref<112xi32, #tpu.memory_space<vmem>>
    %dma_wait3A_329 = arith.constant 0 : i32
    %dma_wait3A_330 = arith.constant 0 : i32
    %dma_wait3A_331 = tpu.memref_slice %arg2[%dma_wait3A_329, %dma_wait3A_330] : memref<75264x16xf32, #tpu.memory_space<hbm>> -> memref<75264x16xf32, #tpu.memory_space<hbm>>
    tpu.wait_indirect_dma semaphore(%arg7 : memref<!tpu.dma_semaphore, #tpu.memory_space<semaphore_mem>>) src(%dma_wait3A_331 : memref<75264x16xf32, #tpu.memory_space<hbm>>) dst(%dma_wait3A_325 : memref<112x16xf32, #tpu.memory_space<vmem>>)
    %run_scoped3A_332 = arith.constant 5 : i32
    %run_scoped3A_333 = arith.constant 5 : i32
    "tpu.region"() ({
      %run_scoped3A_544 = tpu.sem_alloc : memref<!tpu.dma_semaphore, #tpu.memory_space<semaphore_mem>>
      %dma_start3A_545 = arith.constant 0 : i32
      %dma_start3A_546 = arith.constant 0 : i32
      %dma_start3A_547 = tpu.memref_slice %arg6[%run_scoped3A_332, %dma_start3A_545, %dma_start3A_546] : memref<21x112x16xf32, #tpu.memory_space<vmem>> -> memref<1x112x16xf32, #tpu.memory_space<vmem>>
      %dma_start3A_548 = tpu.memref_squeeze %dma_start3A_547 : memref<1x112x16xf32, #tpu.memory_space<vmem>> -> memref<112x16xf32, #tpu.memory_space<vmem>>
      %dma_start3A_549 = arith.constant 0 : i32
      %dma_start3A_550 = arith.constant 0 : i32
      %dma_start3A_551 = tpu.memref_slice %arg4[%add3A, %run_scoped3A_333, %dma_start3A_549, %dma_start3A_550] : memref<32x21x112x16xf32, #tpu.memory_space<hbm>> -> memref<1x1x112x16xf32, #tpu.memory_space<hbm>>
      %dma_start3A_552 = tpu.memref_squeeze %dma_start3A_551 : memref<1x1x112x16xf32, #tpu.memory_space<hbm>> -> memref<112x16xf32, #tpu.memory_space<hbm>>
      %dma_start3A_553 = arith.constant 0 : i32
      %dma_start3A_554 = arith.constant 0 : i32
      %dma_start3A_555 = tpu.memref_slice %arg4[%add3A, %run_scoped3A_333, %dma_start3A_553, %dma_start3A_554] : memref<32x21x112x16xf32, #tpu.memory_space<hbm>> -> memref<1x1x112x16xf32, #tpu.memory_space<hbm>>
      %dma_start3A_556 = tpu.memref_squeeze %dma_start3A_555 : memref<1x1x112x16xf32, #tpu.memory_space<hbm>> -> memref<112x16xf32, #tpu.memory_space<hbm>>
      %dma_start3A_557 = arith.constant 0 : i32
      %dma_start3A_558 = arith.constant 0 : i32
      %dma_start3A_559 = tpu.memref_slice %arg6[%run_scoped3A_332, %dma_start3A_557, %dma_start3A_558] : memref<21x112x16xf32, #tpu.memory_space<vmem>> -> memref<1x112x16xf32, #tpu.memory_space<vmem>>
      %dma_start3A_560 = tpu.memref_squeeze %dma_start3A_559 : memref<1x112x16xf32, #tpu.memory_space<vmem>> -> memref<112x16xf32, #tpu.memory_space<vmem>>
      tpu.enqueue_dma source(%dma_start3A_560 : memref<112x16xf32, #tpu.memory_space<vmem>>) target(%dma_start3A_556 : memref<112x16xf32, #tpu.memory_space<hbm>>) target_semaphore(%run_scoped3A_544 : memref<!tpu.dma_semaphore, #tpu.memory_space<semaphore_mem>>)
      %dma_wait3A_561 = arith.constant 0 : i32
      %dma_wait3A_562 = arith.constant 0 : i32
      %dma_wait3A_563 = tpu.memref_slice %arg6[%run_scoped3A_332, %dma_wait3A_561, %dma_wait3A_562] : memref<21x112x16xf32, #tpu.memory_space<vmem>> -> memref<1x112x16xf32, #tpu.memory_space<vmem>>
      %dma_wait3A_564 = tpu.memref_squeeze %dma_wait3A_563 : memref<1x112x16xf32, #tpu.memory_space<vmem>> -> memref<112x16xf32, #tpu.memory_space<vmem>>
      %dma_wait3A_565 = arith.constant 0 : i32
      %dma_wait3A_566 = arith.constant 0 : i32
      %dma_wait3A_567 = tpu.memref_slice %arg4[%add3A, %run_scoped3A_333, %dma_wait3A_565, %dma_wait3A_566] : memref<32x21x112x16xf32, #tpu.memory_space<hbm>> -> memref<1x1x112x16xf32, #tpu.memory_space<hbm>>
      %dma_wait3A_568 = tpu.memref_squeeze %dma_wait3A_567 : memref<1x1x112x16xf32, #tpu.memory_space<hbm>> -> memref<112x16xf32, #tpu.memory_space<hbm>>
      %dma_wait3A_569 = arith.constant 0 : i32
      %dma_wait3A_570 = arith.constant 0 : i32
      %dma_wait3A_571 = tpu.memref_slice %arg4[%add3A, %run_scoped3A_333, %dma_wait3A_569, %dma_wait3A_570] : memref<32x21x112x16xf32, #tpu.memory_space<hbm>> -> memref<1x1x112x16xf32, #tpu.memory_space<hbm>>
      %dma_wait3A_572 = tpu.memref_squeeze %dma_wait3A_571 : memref<1x1x112x16xf32, #tpu.memory_space<hbm>> -> memref<112x16xf32, #tpu.memory_space<hbm>>
      %dma_wait3A_573 = arith.constant 0 : i32
      %dma_wait3A_574 = arith.constant 0 : i32
      %dma_wait3A_575 = tpu.memref_slice %arg6[%run_scoped3A_332, %dma_wait3A_573, %dma_wait3A_574] : memref<21x112x16xf32, #tpu.memory_space<vmem>> -> memref<1x112x16xf32, #tpu.memory_space<vmem>>
      %dma_wait3A_576 = tpu.memref_squeeze %dma_wait3A_575 : memref<1x112x16xf32, #tpu.memory_space<vmem>> -> memref<112x16xf32, #tpu.memory_space<vmem>>
      tpu.wait_dma2 semaphore(%run_scoped3A_544 : memref<!tpu.dma_semaphore, #tpu.memory_space<semaphore_mem>>) src(%dma_wait3A_576 : memref<112x16xf32, #tpu.memory_space<vmem>>) dst(%dma_wait3A_572 : memref<112x16xf32, #tpu.memory_space<hbm>>)
      tpu.yield
    }) : () -> ()
    %dma_wait3A_334 = arith.constant 6 : i32
    %dma_wait3A_335 = arith.constant 6 : i32
    %dma_wait3A_336 = arith.constant 0 : i32
    %dma_wait3A_337 = arith.constant 0 : i32
    %dma_wait3A_338 = tpu.memref_slice %arg6[%dma_wait3A_335, %dma_wait3A_336, %dma_wait3A_337] : memref<21x112x16xf32, #tpu.memory_space<vmem>> -> memref<1x112x16xf32, #tpu.memory_space<vmem>>
    %dma_wait3A_339 = tpu.memref_squeeze %dma_wait3A_338 : memref<1x112x16xf32, #tpu.memory_space<vmem>> -> memref<112x16xf32, #tpu.memory_space<vmem>>
    %dma_wait3A_340 = arith.constant 0 : i32
    %dma_wait3A_341 = tpu.memref_slice %arg5[%dma_wait3A_334, %dma_wait3A_340] : memref<21x112xi32, #tpu.memory_space<vmem>> -> memref<1x112xi32, #tpu.memory_space<vmem>>
    %dma_wait3A_342 = tpu.memref_squeeze %dma_wait3A_341 : memref<1x112xi32, #tpu.memory_space<vmem>> -> memref<112xi32, #tpu.memory_space<vmem>>
    %dma_wait3A_343 = arith.constant 0 : i32
    %dma_wait3A_344 = arith.constant 0 : i32
    %dma_wait3A_345 = tpu.memref_slice %arg2[%dma_wait3A_343, %dma_wait3A_344] : memref<75264x16xf32, #tpu.memory_space<hbm>> -> memref<75264x16xf32, #tpu.memory_space<hbm>>
    tpu.wait_indirect_dma semaphore(%arg7 : memref<!tpu.dma_semaphore, #tpu.memory_space<semaphore_mem>>) src(%dma_wait3A_345 : memref<75264x16xf32, #tpu.memory_space<hbm>>) dst(%dma_wait3A_339 : memref<112x16xf32, #tpu.memory_space<vmem>>)
    %run_scoped3A_346 = arith.constant 6 : i32
    %run_scoped3A_347 = arith.constant 6 : i32
    "tpu.region"() ({
      %run_scoped3A_544 = tpu.sem_alloc : memref<!tpu.dma_semaphore, #tpu.memory_space<semaphore_mem>>
      %dma_start3A_545 = arith.constant 0 : i32
      %dma_start3A_546 = arith.constant 0 : i32
      %dma_start3A_547 = tpu.memref_slice %arg6[%run_scoped3A_346, %dma_start3A_545, %dma_start3A_546] : memref<21x112x16xf32, #tpu.memory_space<vmem>> -> memref<1x112x16xf32, #tpu.memory_space<vmem>>
      %dma_start3A_548 = tpu.memref_squeeze %dma_start3A_547 : memref<1x112x16xf32, #tpu.memory_space<vmem>> -> memref<112x16xf32, #tpu.memory_space<vmem>>
      %dma_start3A_549 = arith.constant 0 : i32
      %dma_start3A_550 = arith.constant 0 : i32
      %dma_start3A_551 = tpu.memref_slice %arg4[%add3A, %run_scoped3A_347, %dma_start3A_549, %dma_start3A_550] : memref<32x21x112x16xf32, #tpu.memory_space<hbm>> -> memref<1x1x112x16xf32, #tpu.memory_space<hbm>>
      %dma_start3A_552 = tpu.memref_squeeze %dma_start3A_551 : memref<1x1x112x16xf32, #tpu.memory_space<hbm>> -> memref<112x16xf32, #tpu.memory_space<hbm>>
      %dma_start3A_553 = arith.constant 0 : i32
      %dma_start3A_554 = arith.constant 0 : i32
      %dma_start3A_555 = tpu.memref_slice %arg4[%add3A, %run_scoped3A_347, %dma_start3A_553, %dma_start3A_554] : memref<32x21x112x16xf32, #tpu.memory_space<hbm>> -> memref<1x1x112x16xf32, #tpu.memory_space<hbm>>
      %dma_start3A_556 = tpu.memref_squeeze %dma_start3A_555 : memref<1x1x112x16xf32, #tpu.memory_space<hbm>> -> memref<112x16xf32, #tpu.memory_space<hbm>>
      %dma_start3A_557 = arith.constant 0 : i32
      %dma_start3A_558 = arith.constant 0 : i32
      %dma_start3A_559 = tpu.memref_slice %arg6[%run_scoped3A_346, %dma_start3A_557, %dma_start3A_558] : memref<21x112x16xf32, #tpu.memory_space<vmem>> -> memref<1x112x16xf32, #tpu.memory_space<vmem>>
      %dma_start3A_560 = tpu.memref_squeeze %dma_start3A_559 : memref<1x112x16xf32, #tpu.memory_space<vmem>> -> memref<112x16xf32, #tpu.memory_space<vmem>>
      tpu.enqueue_dma source(%dma_start3A_560 : memref<112x16xf32, #tpu.memory_space<vmem>>) target(%dma_start3A_556 : memref<112x16xf32, #tpu.memory_space<hbm>>) target_semaphore(%run_scoped3A_544 : memref<!tpu.dma_semaphore, #tpu.memory_space<semaphore_mem>>)
      %dma_wait3A_561 = arith.constant 0 : i32
      %dma_wait3A_562 = arith.constant 0 : i32
      %dma_wait3A_563 = tpu.memref_slice %arg6[%run_scoped3A_346, %dma_wait3A_561, %dma_wait3A_562] : memref<21x112x16xf32, #tpu.memory_space<vmem>> -> memref<1x112x16xf32, #tpu.memory_space<vmem>>
      %dma_wait3A_564 = tpu.memref_squeeze %dma_wait3A_563 : memref<1x112x16xf32, #tpu.memory_space<vmem>> -> memref<112x16xf32, #tpu.memory_space<vmem>>
      %dma_wait3A_565 = arith.constant 0 : i32
      %dma_wait3A_566 = arith.constant 0 : i32
      %dma_wait3A_567 = tpu.memref_slice %arg4[%add3A, %run_scoped3A_347, %dma_wait3A_565, %dma_wait3A_566] : memref<32x21x112x16xf32, #tpu.memory_space<hbm>> -> memref<1x1x112x16xf32, #tpu.memory_space<hbm>>
      %dma_wait3A_568 = tpu.memref_squeeze %dma_wait3A_567 : memref<1x1x112x16xf32, #tpu.memory_space<hbm>> -> memref<112x16xf32, #tpu.memory_space<hbm>>
      %dma_wait3A_569 = arith.constant 0 : i32
      %dma_wait3A_570 = arith.constant 0 : i32
      %dma_wait3A_571 = tpu.memref_slice %arg4[%add3A, %run_scoped3A_347, %dma_wait3A_569, %dma_wait3A_570] : memref<32x21x112x16xf32, #tpu.memory_space<hbm>> -> memref<1x1x112x16xf32, #tpu.memory_space<hbm>>
      %dma_wait3A_572 = tpu.memref_squeeze %dma_wait3A_571 : memref<1x1x112x16xf32, #tpu.memory_space<hbm>> -> memref<112x16xf32, #tpu.memory_space<hbm>>
      %dma_wait3A_573 = arith.constant 0 : i32
      %dma_wait3A_574 = arith.constant 0 : i32
      %dma_wait3A_575 = tpu.memref_slice %arg6[%run_scoped3A_346, %dma_wait3A_573, %dma_wait3A_574] : memref<21x112x16xf32, #tpu.memory_space<vmem>> -> memref<1x112x16xf32, #tpu.memory_space<vmem>>
      %dma_wait3A_576 = tpu.memref_squeeze %dma_wait3A_575 : memref<1x112x16xf32, #tpu.memory_space<vmem>> -> memref<112x16xf32, #tpu.memory_space<vmem>>
      tpu.wait_dma2 semaphore(%run_scoped3A_544 : memref<!tpu.dma_semaphore, #tpu.memory_space<semaphore_mem>>) src(%dma_wait3A_576 : memref<112x16xf32, #tpu.memory_space<vmem>>) dst(%dma_wait3A_572 : memref<112x16xf32, #tpu.memory_space<hbm>>)
      tpu.yield
    }) : () -> ()
    %dma_wait3A_348 = arith.constant 7 : i32
    %dma_wait3A_349 = arith.constant 7 : i32
    %dma_wait3A_350 = arith.constant 0 : i32
    %dma_wait3A_351 = arith.constant 0 : i32
    %dma_wait3A_352 = tpu.memref_slice %arg6[%dma_wait3A_349, %dma_wait3A_350, %dma_wait3A_351] : memref<21x112x16xf32, #tpu.memory_space<vmem>> -> memref<1x112x16xf32, #tpu.memory_space<vmem>>
    %dma_wait3A_353 = tpu.memref_squeeze %dma_wait3A_352 : memref<1x112x16xf32, #tpu.memory_space<vmem>> -> memref<112x16xf32, #tpu.memory_space<vmem>>
    %dma_wait3A_354 = arith.constant 0 : i32
    %dma_wait3A_355 = tpu.memref_slice %arg5[%dma_wait3A_348, %dma_wait3A_354] : memref<21x112xi32, #tpu.memory_space<vmem>> -> memref<1x112xi32, #tpu.memory_space<vmem>>
    %dma_wait3A_356 = tpu.memref_squeeze %dma_wait3A_355 : memref<1x112xi32, #tpu.memory_space<vmem>> -> memref<112xi32, #tpu.memory_space<vmem>>
    %dma_wait3A_357 = arith.constant 0 : i32
    %dma_wait3A_358 = arith.constant 0 : i32
    %dma_wait3A_359 = tpu.memref_slice %arg2[%dma_wait3A_357, %dma_wait3A_358] : memref<75264x16xf32, #tpu.memory_space<hbm>> -> memref<75264x16xf32, #tpu.memory_space<hbm>>
    tpu.wait_indirect_dma semaphore(%arg7 : memref<!tpu.dma_semaphore, #tpu.memory_space<semaphore_mem>>) src(%dma_wait3A_359 : memref<75264x16xf32, #tpu.memory_space<hbm>>) dst(%dma_wait3A_353 : memref<112x16xf32, #tpu.memory_space<vmem>>)
    %run_scoped3A_360 = arith.constant 7 : i32
    %run_scoped3A_361 = arith.constant 7 : i32
    "tpu.region"() ({
      %run_scoped3A_544 = tpu.sem_alloc : memref<!tpu.dma_semaphore, #tpu.memory_space<semaphore_mem>>
      %dma_start3A_545 = arith.constant 0 : i32
      %dma_start3A_546 = arith.constant 0 : i32
      %dma_start3A_547 = tpu.memref_slice %arg6[%run_scoped3A_360, %dma_start3A_545, %dma_start3A_546] : memref<21x112x16xf32, #tpu.memory_space<vmem>> -> memref<1x112x16xf32, #tpu.memory_space<vmem>>
      %dma_start3A_548 = tpu.memref_squeeze %dma_start3A_547 : memref<1x112x16xf32, #tpu.memory_space<vmem>> -> memref<112x16xf32, #tpu.memory_space<vmem>>
      %dma_start3A_549 = arith.constant 0 : i32
      %dma_start3A_550 = arith.constant 0 : i32
      %dma_start3A_551 = tpu.memref_slice %arg4[%add3A, %run_scoped3A_361, %dma_start3A_549, %dma_start3A_550] : memref<32x21x112x16xf32, #tpu.memory_space<hbm>> -> memref<1x1x112x16xf32, #tpu.memory_space<hbm>>
      %dma_start3A_552 = tpu.memref_squeeze %dma_start3A_551 : memref<1x1x112x16xf32, #tpu.memory_space<hbm>> -> memref<112x16xf32, #tpu.memory_space<hbm>>
      %dma_start3A_553 = arith.constant 0 : i32
      %dma_start3A_554 = arith.constant 0 : i32
      %dma_start3A_555 = tpu.memref_slice %arg4[%add3A, %run_scoped3A_361, %dma_start3A_553, %dma_start3A_554] : memref<32x21x112x16xf32, #tpu.memory_space<hbm>> -> memref<1x1x112x16xf32, #tpu.memory_space<hbm>>
      %dma_start3A_556 = tpu.memref_squeeze %dma_start3A_555 : memref<1x1x112x16xf32, #tpu.memory_space<hbm>> -> memref<112x16xf32, #tpu.memory_space<hbm>>
      %dma_start3A_557 = arith.constant 0 : i32
      %dma_start3A_558 = arith.constant 0 : i32
      %dma_start3A_559 = tpu.memref_slice %arg6[%run_scoped3A_360, %dma_start3A_557, %dma_start3A_558] : memref<21x112x16xf32, #tpu.memory_space<vmem>> -> memref<1x112x16xf32, #tpu.memory_space<vmem>>
      %dma_start3A_560 = tpu.memref_squeeze %dma_start3A_559 : memref<1x112x16xf32, #tpu.memory_space<vmem>> -> memref<112x16xf32, #tpu.memory_space<vmem>>
      tpu.enqueue_dma source(%dma_start3A_560 : memref<112x16xf32, #tpu.memory_space<vmem>>) target(%dma_start3A_556 : memref<112x16xf32, #tpu.memory_space<hbm>>) target_semaphore(%run_scoped3A_544 : memref<!tpu.dma_semaphore, #tpu.memory_space<semaphore_mem>>)
      %dma_wait3A_561 = arith.constant 0 : i32
      %dma_wait3A_562 = arith.constant 0 : i32
      %dma_wait3A_563 = tpu.memref_slice %arg6[%run_scoped3A_360, %dma_wait3A_561, %dma_wait3A_562] : memref<21x112x16xf32, #tpu.memory_space<vmem>> -> memref<1x112x16xf32, #tpu.memory_space<vmem>>
      %dma_wait3A_564 = tpu.memref_squeeze %dma_wait3A_563 : memref<1x112x16xf32, #tpu.memory_space<vmem>> -> memref<112x16xf32, #tpu.memory_space<vmem>>
      %dma_wait3A_565 = arith.constant 0 : i32
      %dma_wait3A_566 = arith.constant 0 : i32
      %dma_wait3A_567 = tpu.memref_slice %arg4[%add3A, %run_scoped3A_361, %dma_wait3A_565, %dma_wait3A_566] : memref<32x21x112x16xf32, #tpu.memory_space<hbm>> -> memref<1x1x112x16xf32, #tpu.memory_space<hbm>>
      %dma_wait3A_568 = tpu.memref_squeeze %dma_wait3A_567 : memref<1x1x112x16xf32, #tpu.memory_space<hbm>> -> memref<112x16xf32, #tpu.memory_space<hbm>>
      %dma_wait3A_569 = arith.constant 0 : i32
      %dma_wait3A_570 = arith.constant 0 : i32
      %dma_wait3A_571 = tpu.memref_slice %arg4[%add3A, %run_scoped3A_361, %dma_wait3A_569, %dma_wait3A_570] : memref<32x21x112x16xf32, #tpu.memory_space<hbm>> -> memref<1x1x112x16xf32, #tpu.memory_space<hbm>>
      %dma_wait3A_572 = tpu.memref_squeeze %dma_wait3A_571 : memref<1x1x112x16xf32, #tpu.memory_space<hbm>> -> memref<112x16xf32, #tpu.memory_space<hbm>>
      %dma_wait3A_573 = arith.constant 0 : i32
      %dma_wait3A_574 = arith.constant 0 : i32
      %dma_wait3A_575 = tpu.memref_slice %arg6[%run_scoped3A_360, %dma_wait3A_573, %dma_wait3A_574] : memref<21x112x16xf32, #tpu.memory_space<vmem>> -> memref<1x112x16xf32, #tpu.memory_space<vmem>>
      %dma_wait3A_576 = tpu.memref_squeeze %dma_wait3A_575 : memref<1x112x16xf32, #tpu.memory_space<vmem>> -> memref<112x16xf32, #tpu.memory_space<vmem>>
      tpu.wait_dma2 semaphore(%run_scoped3A_544 : memref<!tpu.dma_semaphore, #tpu.memory_space<semaphore_mem>>) src(%dma_wait3A_576 : memref<112x16xf32, #tpu.memory_space<vmem>>) dst(%dma_wait3A_572 : memref<112x16xf32, #tpu.memory_space<hbm>>)
      tpu.yield
    }) : () -> ()
    %dma_wait3A_362 = arith.constant 8 : i32
    %dma_wait3A_363 = arith.constant 8 : i32
    %dma_wait3A_364 = arith.constant 0 : i32
    %dma_wait3A_365 = arith.constant 0 : i32
    %dma_wait3A_366 = tpu.memref_slice %arg6[%dma_wait3A_363, %dma_wait3A_364, %dma_wait3A_365] : memref<21x112x16xf32, #tpu.memory_space<vmem>> -> memref<1x112x16xf32, #tpu.memory_space<vmem>>
    %dma_wait3A_367 = tpu.memref_squeeze %dma_wait3A_366 : memref<1x112x16xf32, #tpu.memory_space<vmem>> -> memref<112x16xf32, #tpu.memory_space<vmem>>
    %dma_wait3A_368 = arith.constant 0 : i32
    %dma_wait3A_369 = tpu.memref_slice %arg5[%dma_wait3A_362, %dma_wait3A_368] : memref<21x112xi32, #tpu.memory_space<vmem>> -> memref<1x112xi32, #tpu.memory_space<vmem>>
    %dma_wait3A_370 = tpu.memref_squeeze %dma_wait3A_369 : memref<1x112xi32, #tpu.memory_space<vmem>> -> memref<112xi32, #tpu.memory_space<vmem>>
    %dma_wait3A_371 = arith.constant 0 : i32
    %dma_wait3A_372 = arith.constant 0 : i32
    %dma_wait3A_373 = tpu.memref_slice %arg2[%dma_wait3A_371, %dma_wait3A_372] : memref<75264x16xf32, #tpu.memory_space<hbm>> -> memref<75264x16xf32, #tpu.memory_space<hbm>>
    tpu.wait_indirect_dma semaphore(%arg7 : memref<!tpu.dma_semaphore, #tpu.memory_space<semaphore_mem>>) src(%dma_wait3A_373 : memref<75264x16xf32, #tpu.memory_space<hbm>>) dst(%dma_wait3A_367 : memref<112x16xf32, #tpu.memory_space<vmem>>)
    %run_scoped3A_374 = arith.constant 8 : i32
    %run_scoped3A_375 = arith.constant 8 : i32
    "tpu.region"() ({
      %run_scoped3A_544 = tpu.sem_alloc : memref<!tpu.dma_semaphore, #tpu.memory_space<semaphore_mem>>
      %dma_start3A_545 = arith.constant 0 : i32
      %dma_start3A_546 = arith.constant 0 : i32
      %dma_start3A_547 = tpu.memref_slice %arg6[%run_scoped3A_374, %dma_start3A_545, %dma_start3A_546] : memref<21x112x16xf32, #tpu.memory_space<vmem>> -> memref<1x112x16xf32, #tpu.memory_space<vmem>>
      %dma_start3A_548 = tpu.memref_squeeze %dma_start3A_547 : memref<1x112x16xf32, #tpu.memory_space<vmem>> -> memref<112x16xf32, #tpu.memory_space<vmem>>
      %dma_start3A_549 = arith.constant 0 : i32
      %dma_start3A_550 = arith.constant 0 : i32
      %dma_start3A_551 = tpu.memref_slice %arg4[%add3A, %run_scoped3A_375, %dma_start3A_549, %dma_start3A_550] : memref<32x21x112x16xf32, #tpu.memory_space<hbm>> -> memref<1x1x112x16xf32, #tpu.memory_space<hbm>>
      %dma_start3A_552 = tpu.memref_squeeze %dma_start3A_551 : memref<1x1x112x16xf32, #tpu.memory_space<hbm>> -> memref<112x16xf32, #tpu.memory_space<hbm>>
      %dma_start3A_553 = arith.constant 0 : i32
      %dma_start3A_554 = arith.constant 0 : i32
      %dma_start3A_555 = tpu.memref_slice %arg4[%add3A, %run_scoped3A_375, %dma_start3A_553, %dma_start3A_554] : memref<32x21x112x16xf32, #tpu.memory_space<hbm>> -> memref<1x1x112x16xf32, #tpu.memory_space<hbm>>
      %dma_start3A_556 = tpu.memref_squeeze %dma_start3A_555 : memref<1x1x112x16xf32, #tpu.memory_space<hbm>> -> memref<112x16xf32, #tpu.memory_space<hbm>>
      %dma_start3A_557 = arith.constant 0 : i32
      %dma_start3A_558 = arith.constant 0 : i32
      %dma_start3A_559 = tpu.memref_slice %arg6[%run_scoped3A_374, %dma_start3A_557, %dma_start3A_558] : memref<21x112x16xf32, #tpu.memory_space<vmem>> -> memref<1x112x16xf32, #tpu.memory_space<vmem>>
      %dma_start3A_560 = tpu.memref_squeeze %dma_start3A_559 : memref<1x112x16xf32, #tpu.memory_space<vmem>> -> memref<112x16xf32, #tpu.memory_space<vmem>>
      tpu.enqueue_dma source(%dma_start3A_560 : memref<112x16xf32, #tpu.memory_space<vmem>>) target(%dma_start3A_556 : memref<112x16xf32, #tpu.memory_space<hbm>>) target_semaphore(%run_scoped3A_544 : memref<!tpu.dma_semaphore, #tpu.memory_space<semaphore_mem>>)
      %dma_wait3A_561 = arith.constant 0 : i32
      %dma_wait3A_562 = arith.constant 0 : i32
      %dma_wait3A_563 = tpu.memref_slice %arg6[%run_scoped3A_374, %dma_wait3A_561, %dma_wait3A_562] : memref<21x112x16xf32, #tpu.memory_space<vmem>> -> memref<1x112x16xf32, #tpu.memory_space<vmem>>
      %dma_wait3A_564 = tpu.memref_squeeze %dma_wait3A_563 : memref<1x112x16xf32, #tpu.memory_space<vmem>> -> memref<112x16xf32, #tpu.memory_space<vmem>>
      %dma_wait3A_565 = arith.constant 0 : i32
      %dma_wait3A_566 = arith.constant 0 : i32
      %dma_wait3A_567 = tpu.memref_slice %arg4[%add3A, %run_scoped3A_375, %dma_wait3A_565, %dma_wait3A_566] : memref<32x21x112x16xf32, #tpu.memory_space<hbm>> -> memref<1x1x112x16xf32, #tpu.memory_space<hbm>>
      %dma_wait3A_568 = tpu.memref_squeeze %dma_wait3A_567 : memref<1x1x112x16xf32, #tpu.memory_space<hbm>> -> memref<112x16xf32, #tpu.memory_space<hbm>>
      %dma_wait3A_569 = arith.constant 0 : i32
      %dma_wait3A_570 = arith.constant 0 : i32
      %dma_wait3A_571 = tpu.memref_slice %arg4[%add3A, %run_scoped3A_375, %dma_wait3A_569, %dma_wait3A_570] : memref<32x21x112x16xf32, #tpu.memory_space<hbm>> -> memref<1x1x112x16xf32, #tpu.memory_space<hbm>>
      %dma_wait3A_572 = tpu.memref_squeeze %dma_wait3A_571 : memref<1x1x112x16xf32, #tpu.memory_space<hbm>> -> memref<112x16xf32, #tpu.memory_space<hbm>>
      %dma_wait3A_573 = arith.constant 0 : i32
      %dma_wait3A_574 = arith.constant 0 : i32
      %dma_wait3A_575 = tpu.memref_slice %arg6[%run_scoped3A_374, %dma_wait3A_573, %dma_wait3A_574] : memref<21x112x16xf32, #tpu.memory_space<vmem>> -> memref<1x112x16xf32, #tpu.memory_space<vmem>>
      %dma_wait3A_576 = tpu.memref_squeeze %dma_wait3A_575 : memref<1x112x16xf32, #tpu.memory_space<vmem>> -> memref<112x16xf32, #tpu.memory_space<vmem>>
      tpu.wait_dma2 semaphore(%run_scoped3A_544 : memref<!tpu.dma_semaphore, #tpu.memory_space<semaphore_mem>>) src(%dma_wait3A_576 : memref<112x16xf32, #tpu.memory_space<vmem>>) dst(%dma_wait3A_572 : memref<112x16xf32, #tpu.memory_space<hbm>>)
      tpu.yield
    }) : () -> ()
    %dma_wait3A_376 = arith.constant 9 : i32
    %dma_wait3A_377 = arith.constant 9 : i32
    %dma_wait3A_378 = arith.constant 0 : i32
    %dma_wait3A_379 = arith.constant 0 : i32
    %dma_wait3A_380 = tpu.memref_slice %arg6[%dma_wait3A_377, %dma_wait3A_378, %dma_wait3A_379] : memref<21x112x16xf32, #tpu.memory_space<vmem>> -> memref<1x112x16xf32, #tpu.memory_space<vmem>>
    %dma_wait3A_381 = tpu.memref_squeeze %dma_wait3A_380 : memref<1x112x16xf32, #tpu.memory_space<vmem>> -> memref<112x16xf32, #tpu.memory_space<vmem>>
    %dma_wait3A_382 = arith.constant 0 : i32
    %dma_wait3A_383 = tpu.memref_slice %arg5[%dma_wait3A_376, %dma_wait3A_382] : memref<21x112xi32, #tpu.memory_space<vmem>> -> memref<1x112xi32, #tpu.memory_space<vmem>>
    %dma_wait3A_384 = tpu.memref_squeeze %dma_wait3A_383 : memref<1x112xi32, #tpu.memory_space<vmem>> -> memref<112xi32, #tpu.memory_space<vmem>>
    %dma_wait3A_385 = arith.constant 0 : i32
    %dma_wait3A_386 = arith.constant 0 : i32
    %dma_wait3A_387 = tpu.memref_slice %arg2[%dma_wait3A_385, %dma_wait3A_386] : memref<75264x16xf32, #tpu.memory_space<hbm>> -> memref<75264x16xf32, #tpu.memory_space<hbm>>
    tpu.wait_indirect_dma semaphore(%arg7 : memref<!tpu.dma_semaphore, #tpu.memory_space<semaphore_mem>>) src(%dma_wait3A_387 : memref<75264x16xf32, #tpu.memory_space<hbm>>) dst(%dma_wait3A_381 : memref<112x16xf32, #tpu.memory_space<vmem>>)
    %run_scoped3A_388 = arith.constant 9 : i32
    %run_scoped3A_389 = arith.constant 9 : i32
    "tpu.region"() ({
      %run_scoped3A_544 = tpu.sem_alloc : memref<!tpu.dma_semaphore, #tpu.memory_space<semaphore_mem>>
      %dma_start3A_545 = arith.constant 0 : i32
      %dma_start3A_546 = arith.constant 0 : i32
      %dma_start3A_547 = tpu.memref_slice %arg6[%run_scoped3A_388, %dma_start3A_545, %dma_start3A_546] : memref<21x112x16xf32, #tpu.memory_space<vmem>> -> memref<1x112x16xf32, #tpu.memory_space<vmem>>
      %dma_start3A_548 = tpu.memref_squeeze %dma_start3A_547 : memref<1x112x16xf32, #tpu.memory_space<vmem>> -> memref<112x16xf32, #tpu.memory_space<vmem>>
      %dma_start3A_549 = arith.constant 0 : i32
      %dma_start3A_550 = arith.constant 0 : i32
      %dma_start3A_551 = tpu.memref_slice %arg4[%add3A, %run_scoped3A_389, %dma_start3A_549, %dma_start3A_550] : memref<32x21x112x16xf32, #tpu.memory_space<hbm>> -> memref<1x1x112x16xf32, #tpu.memory_space<hbm>>
      %dma_start3A_552 = tpu.memref_squeeze %dma_start3A_551 : memref<1x1x112x16xf32, #tpu.memory_space<hbm>> -> memref<112x16xf32, #tpu.memory_space<hbm>>
      %dma_start3A_553 = arith.constant 0 : i32
      %dma_start3A_554 = arith.constant 0 : i32
      %dma_start3A_555 = tpu.memref_slice %arg4[%add3A, %run_scoped3A_389, %dma_start3A_553, %dma_start3A_554] : memref<32x21x112x16xf32, #tpu.memory_space<hbm>> -> memref<1x1x112x16xf32, #tpu.memory_space<hbm>>
      %dma_start3A_556 = tpu.memref_squeeze %dma_start3A_555 : memref<1x1x112x16xf32, #tpu.memory_space<hbm>> -> memref<112x16xf32, #tpu.memory_space<hbm>>
      %dma_start3A_557 = arith.constant 0 : i32
      %dma_start3A_558 = arith.constant 0 : i32
      %dma_start3A_559 = tpu.memref_slice %arg6[%run_scoped3A_388, %dma_start3A_557, %dma_start3A_558] : memref<21x112x16xf32, #tpu.memory_space<vmem>> -> memref<1x112x16xf32, #tpu.memory_space<vmem>>
      %dma_start3A_560 = tpu.memref_squeeze %dma_start3A_559 : memref<1x112x16xf32, #tpu.memory_space<vmem>> -> memref<112x16xf32, #tpu.memory_space<vmem>>
      tpu.enqueue_dma source(%dma_start3A_560 : memref<112x16xf32, #tpu.memory_space<vmem>>) target(%dma_start3A_556 : memref<112x16xf32, #tpu.memory_space<hbm>>) target_semaphore(%run_scoped3A_544 : memref<!tpu.dma_semaphore, #tpu.memory_space<semaphore_mem>>)
      %dma_wait3A_561 = arith.constant 0 : i32
      %dma_wait3A_562 = arith.constant 0 : i32
      %dma_wait3A_563 = tpu.memref_slice %arg6[%run_scoped3A_388, %dma_wait3A_561, %dma_wait3A_562] : memref<21x112x16xf32, #tpu.memory_space<vmem>> -> memref<1x112x16xf32, #tpu.memory_space<vmem>>
      %dma_wait3A_564 = tpu.memref_squeeze %dma_wait3A_563 : memref<1x112x16xf32, #tpu.memory_space<vmem>> -> memref<112x16xf32, #tpu.memory_space<vmem>>
      %dma_wait3A_565 = arith.constant 0 : i32
      %dma_wait3A_566 = arith.constant 0 : i32
      %dma_wait3A_567 = tpu.memref_slice %arg4[%add3A, %run_scoped3A_389, %dma_wait3A_565, %dma_wait3A_566] : memref<32x21x112x16xf32, #tpu.memory_space<hbm>> -> memref<1x1x112x16xf32, #tpu.memory_space<hbm>>
      %dma_wait3A_568 = tpu.memref_squeeze %dma_wait3A_567 : memref<1x1x112x16xf32, #tpu.memory_space<hbm>> -> memref<112x16xf32, #tpu.memory_space<hbm>>
      %dma_wait3A_569 = arith.constant 0 : i32
      %dma_wait3A_570 = arith.constant 0 : i32
      %dma_wait3A_571 = tpu.memref_slice %arg4[%add3A, %run_scoped3A_389, %dma_wait3A_569, %dma_wait3A_570] : memref<32x21x112x16xf32, #tpu.memory_space<hbm>> -> memref<1x1x112x16xf32, #tpu.memory_space<hbm>>
      %dma_wait3A_572 = tpu.memref_squeeze %dma_wait3A_571 : memref<1x1x112x16xf32, #tpu.memory_space<hbm>> -> memref<112x16xf32, #tpu.memory_space<hbm>>
      %dma_wait3A_573 = arith.constant 0 : i32
      %dma_wait3A_574 = arith.constant 0 : i32
      %dma_wait3A_575 = tpu.memref_slice %arg6[%run_scoped3A_388, %dma_wait3A_573, %dma_wait3A_574] : memref<21x112x16xf32, #tpu.memory_space<vmem>> -> memref<1x112x16xf32, #tpu.memory_space<vmem>>
      %dma_wait3A_576 = tpu.memref_squeeze %dma_wait3A_575 : memref<1x112x16xf32, #tpu.memory_space<vmem>> -> memref<112x16xf32, #tpu.memory_space<vmem>>
      tpu.wait_dma2 semaphore(%run_scoped3A_544 : memref<!tpu.dma_semaphore, #tpu.memory_space<semaphore_mem>>) src(%dma_wait3A_576 : memref<112x16xf32, #tpu.memory_space<vmem>>) dst(%dma_wait3A_572 : memref<112x16xf32, #tpu.memory_space<hbm>>)
      tpu.yield
    }) : () -> ()
    %dma_wait3A_390 = arith.constant 10 : i32
    %dma_wait3A_391 = arith.constant 10 : i32
    %dma_wait3A_392 = arith.constant 0 : i32
    %dma_wait3A_393 = arith.constant 0 : i32
    %dma_wait3A_394 = tpu.memref_slice %arg6[%dma_wait3A_391, %dma_wait3A_392, %dma_wait3A_393] : memref<21x112x16xf32, #tpu.memory_space<vmem>> -> memref<1x112x16xf32, #tpu.memory_space<vmem>>
    %dma_wait3A_395 = tpu.memref_squeeze %dma_wait3A_394 : memref<1x112x16xf32, #tpu.memory_space<vmem>> -> memref<112x16xf32, #tpu.memory_space<vmem>>
    %dma_wait3A_396 = arith.constant 0 : i32
    %dma_wait3A_397 = tpu.memref_slice %arg5[%dma_wait3A_390, %dma_wait3A_396] : memref<21x112xi32, #tpu.memory_space<vmem>> -> memref<1x112xi32, #tpu.memory_space<vmem>>
    %dma_wait3A_398 = tpu.memref_squeeze %dma_wait3A_397 : memref<1x112xi32, #tpu.memory_space<vmem>> -> memref<112xi32, #tpu.memory_space<vmem>>
    %dma_wait3A_399 = arith.constant 0 : i32
    %dma_wait3A_400 = arith.constant 0 : i32
    %dma_wait3A_401 = tpu.memref_slice %arg2[%dma_wait3A_399, %dma_wait3A_400] : memref<75264x16xf32, #tpu.memory_space<hbm>> -> memref<75264x16xf32, #tpu.memory_space<hbm>>
    tpu.wait_indirect_dma semaphore(%arg7 : memref<!tpu.dma_semaphore, #tpu.memory_space<semaphore_mem>>) src(%dma_wait3A_401 : memref<75264x16xf32, #tpu.memory_space<hbm>>) dst(%dma_wait3A_395 : memref<112x16xf32, #tpu.memory_space<vmem>>)
    %run_scoped3A_402 = arith.constant 10 : i32
    %run_scoped3A_403 = arith.constant 10 : i32
    "tpu.region"() ({
      %run_scoped3A_544 = tpu.sem_alloc : memref<!tpu.dma_semaphore, #tpu.memory_space<semaphore_mem>>
      %dma_start3A_545 = arith.constant 0 : i32
      %dma_start3A_546 = arith.constant 0 : i32
      %dma_start3A_547 = tpu.memref_slice %arg6[%run_scoped3A_402, %dma_start3A_545, %dma_start3A_546] : memref<21x112x16xf32, #tpu.memory_space<vmem>> -> memref<1x112x16xf32, #tpu.memory_space<vmem>>
      %dma_start3A_548 = tpu.memref_squeeze %dma_start3A_547 : memref<1x112x16xf32, #tpu.memory_space<vmem>> -> memref<112x16xf32, #tpu.memory_space<vmem>>
      %dma_start3A_549 = arith.constant 0 : i32
      %dma_start3A_550 = arith.constant 0 : i32
      %dma_start3A_551 = tpu.memref_slice %arg4[%add3A, %run_scoped3A_403, %dma_start3A_549, %dma_start3A_550] : memref<32x21x112x16xf32, #tpu.memory_space<hbm>> -> memref<1x1x112x16xf32, #tpu.memory_space<hbm>>
      %dma_start3A_552 = tpu.memref_squeeze %dma_start3A_551 : memref<1x1x112x16xf32, #tpu.memory_space<hbm>> -> memref<112x16xf32, #tpu.memory_space<hbm>>
      %dma_start3A_553 = arith.constant 0 : i32
      %dma_start3A_554 = arith.constant 0 : i32
      %dma_start3A_555 = tpu.memref_slice %arg4[%add3A, %run_scoped3A_403, %dma_start3A_553, %dma_start3A_554] : memref<32x21x112x16xf32, #tpu.memory_space<hbm>> -> memref<1x1x112x16xf32, #tpu.memory_space<hbm>>
      %dma_start3A_556 = tpu.memref_squeeze %dma_start3A_555 : memref<1x1x112x16xf32, #tpu.memory_space<hbm>> -> memref<112x16xf32, #tpu.memory_space<hbm>>
      %dma_start3A_557 = arith.constant 0 : i32
      %dma_start3A_558 = arith.constant 0 : i32
      %dma_start3A_559 = tpu.memref_slice %arg6[%run_scoped3A_402, %dma_start3A_557, %dma_start3A_558] : memref<21x112x16xf32, #tpu.memory_space<vmem>> -> memref<1x112x16xf32, #tpu.memory_space<vmem>>
      %dma_start3A_560 = tpu.memref_squeeze %dma_start3A_559 : memref<1x112x16xf32, #tpu.memory_space<vmem>> -> memref<112x16xf32, #tpu.memory_space<vmem>>
      tpu.enqueue_dma source(%dma_start3A_560 : memref<112x16xf32, #tpu.memory_space<vmem>>) target(%dma_start3A_556 : memref<112x16xf32, #tpu.memory_space<hbm>>) target_semaphore(%run_scoped3A_544 : memref<!tpu.dma_semaphore, #tpu.memory_space<semaphore_mem>>)
      %dma_wait3A_561 = arith.constant 0 : i32
      %dma_wait3A_562 = arith.constant 0 : i32
      %dma_wait3A_563 = tpu.memref_slice %arg6[%run_scoped3A_402, %dma_wait3A_561, %dma_wait3A_562] : memref<21x112x16xf32, #tpu.memory_space<vmem>> -> memref<1x112x16xf32, #tpu.memory_space<vmem>>
      %dma_wait3A_564 = tpu.memref_squeeze %dma_wait3A_563 : memref<1x112x16xf32, #tpu.memory_space<vmem>> -> memref<112x16xf32, #tpu.memory_space<vmem>>
      %dma_wait3A_565 = arith.constant 0 : i32
      %dma_wait3A_566 = arith.constant 0 : i32
      %dma_wait3A_567 = tpu.memref_slice %arg4[%add3A, %run_scoped3A_403, %dma_wait3A_565, %dma_wait3A_566] : memref<32x21x112x16xf32, #tpu.memory_space<hbm>> -> memref<1x1x112x16xf32, #tpu.memory_space<hbm>>
      %dma_wait3A_568 = tpu.memref_squeeze %dma_wait3A_567 : memref<1x1x112x16xf32, #tpu.memory_space<hbm>> -> memref<112x16xf32, #tpu.memory_space<hbm>>
      %dma_wait3A_569 = arith.constant 0 : i32
      %dma_wait3A_570 = arith.constant 0 : i32
      %dma_wait3A_571 = tpu.memref_slice %arg4[%add3A, %run_scoped3A_403, %dma_wait3A_569, %dma_wait3A_570] : memref<32x21x112x16xf32, #tpu.memory_space<hbm>> -> memref<1x1x112x16xf32, #tpu.memory_space<hbm>>
      %dma_wait3A_572 = tpu.memref_squeeze %dma_wait3A_571 : memref<1x1x112x16xf32, #tpu.memory_space<hbm>> -> memref<112x16xf32, #tpu.memory_space<hbm>>
      %dma_wait3A_573 = arith.constant 0 : i32
      %dma_wait3A_574 = arith.constant 0 : i32
      %dma_wait3A_575 = tpu.memref_slice %arg6[%run_scoped3A_402, %dma_wait3A_573, %dma_wait3A_574] : memref<21x112x16xf32, #tpu.memory_space<vmem>> -> memref<1x112x16xf32, #tpu.memory_space<vmem>>
      %dma_wait3A_576 = tpu.memref_squeeze %dma_wait3A_575 : memref<1x112x16xf32, #tpu.memory_space<vmem>> -> memref<112x16xf32, #tpu.memory_space<vmem>>
      tpu.wait_dma2 semaphore(%run_scoped3A_544 : memref<!tpu.dma_semaphore, #tpu.memory_space<semaphore_mem>>) src(%dma_wait3A_576 : memref<112x16xf32, #tpu.memory_space<vmem>>) dst(%dma_wait3A_572 : memref<112x16xf32, #tpu.memory_space<hbm>>)
      tpu.yield
    }) : () -> ()
    %dma_wait3A_404 = arith.constant 11 : i32
    %dma_wait3A_405 = arith.constant 11 : i32
    %dma_wait3A_406 = arith.constant 0 : i32
    %dma_wait3A_407 = arith.constant 0 : i32
    %dma_wait3A_408 = tpu.memref_slice %arg6[%dma_wait3A_405, %dma_wait3A_406, %dma_wait3A_407] : memref<21x112x16xf32, #tpu.memory_space<vmem>> -> memref<1x112x16xf32, #tpu.memory_space<vmem>>
    %dma_wait3A_409 = tpu.memref_squeeze %dma_wait3A_408 : memref<1x112x16xf32, #tpu.memory_space<vmem>> -> memref<112x16xf32, #tpu.memory_space<vmem>>
    %dma_wait3A_410 = arith.constant 0 : i32
    %dma_wait3A_411 = tpu.memref_slice %arg5[%dma_wait3A_404, %dma_wait3A_410] : memref<21x112xi32, #tpu.memory_space<vmem>> -> memref<1x112xi32, #tpu.memory_space<vmem>>
    %dma_wait3A_412 = tpu.memref_squeeze %dma_wait3A_411 : memref<1x112xi32, #tpu.memory_space<vmem>> -> memref<112xi32, #tpu.memory_space<vmem>>
    %dma_wait3A_413 = arith.constant 0 : i32
    %dma_wait3A_414 = arith.constant 0 : i32
    %dma_wait3A_415 = tpu.memref_slice %arg2[%dma_wait3A_413, %dma_wait3A_414] : memref<75264x16xf32, #tpu.memory_space<hbm>> -> memref<75264x16xf32, #tpu.memory_space<hbm>>
    tpu.wait_indirect_dma semaphore(%arg7 : memref<!tpu.dma_semaphore, #tpu.memory_space<semaphore_mem>>) src(%dma_wait3A_415 : memref<75264x16xf32, #tpu.memory_space<hbm>>) dst(%dma_wait3A_409 : memref<112x16xf32, #tpu.memory_space<vmem>>)
    %run_scoped3A_416 = arith.constant 11 : i32
    %run_scoped3A_417 = arith.constant 11 : i32
    "tpu.region"() ({
      %run_scoped3A_544 = tpu.sem_alloc : memref<!tpu.dma_semaphore, #tpu.memory_space<semaphore_mem>>
      %dma_start3A_545 = arith.constant 0 : i32
      %dma_start3A_546 = arith.constant 0 : i32
      %dma_start3A_547 = tpu.memref_slice %arg6[%run_scoped3A_416, %dma_start3A_545, %dma_start3A_546] : memref<21x112x16xf32, #tpu.memory_space<vmem>> -> memref<1x112x16xf32, #tpu.memory_space<vmem>>
      %dma_start3A_548 = tpu.memref_squeeze %dma_start3A_547 : memref<1x112x16xf32, #tpu.memory_space<vmem>> -> memref<112x16xf32, #tpu.memory_space<vmem>>
      %dma_start3A_549 = arith.constant 0 : i32
      %dma_start3A_550 = arith.constant 0 : i32
      %dma_start3A_551 = tpu.memref_slice %arg4[%add3A, %run_scoped3A_417, %dma_start3A_549, %dma_start3A_550] : memref<32x21x112x16xf32, #tpu.memory_space<hbm>> -> memref<1x1x112x16xf32, #tpu.memory_space<hbm>>
      %dma_start3A_552 = tpu.memref_squeeze %dma_start3A_551 : memref<1x1x112x16xf32, #tpu.memory_space<hbm>> -> memref<112x16xf32, #tpu.memory_space<hbm>>
      %dma_start3A_553 = arith.constant 0 : i32
      %dma_start3A_554 = arith.constant 0 : i32
      %dma_start3A_555 = tpu.memref_slice %arg4[%add3A, %run_scoped3A_417, %dma_start3A_553, %dma_start3A_554] : memref<32x21x112x16xf32, #tpu.memory_space<hbm>> -> memref<1x1x112x16xf32, #tpu.memory_space<hbm>>
      %dma_start3A_556 = tpu.memref_squeeze %dma_start3A_555 : memref<1x1x112x16xf32, #tpu.memory_space<hbm>> -> memref<112x16xf32, #tpu.memory_space<hbm>>
      %dma_start3A_557 = arith.constant 0 : i32
      %dma_start3A_558 = arith.constant 0 : i32
      %dma_start3A_559 = tpu.memref_slice %arg6[%run_scoped3A_416, %dma_start3A_557, %dma_start3A_558] : memref<21x112x16xf32, #tpu.memory_space<vmem>> -> memref<1x112x16xf32, #tpu.memory_space<vmem>>
      %dma_start3A_560 = tpu.memref_squeeze %dma_start3A_559 : memref<1x112x16xf32, #tpu.memory_space<vmem>> -> memref<112x16xf32, #tpu.memory_space<vmem>>
      tpu.enqueue_dma source(%dma_start3A_560 : memref<112x16xf32, #tpu.memory_space<vmem>>) target(%dma_start3A_556 : memref<112x16xf32, #tpu.memory_space<hbm>>) target_semaphore(%run_scoped3A_544 : memref<!tpu.dma_semaphore, #tpu.memory_space<semaphore_mem>>)
      %dma_wait3A_561 = arith.constant 0 : i32
      %dma_wait3A_562 = arith.constant 0 : i32
      %dma_wait3A_563 = tpu.memref_slice %arg6[%run_scoped3A_416, %dma_wait3A_561, %dma_wait3A_562] : memref<21x112x16xf32, #tpu.memory_space<vmem>> -> memref<1x112x16xf32, #tpu.memory_space<vmem>>
      %dma_wait3A_564 = tpu.memref_squeeze %dma_wait3A_563 : memref<1x112x16xf32, #tpu.memory_space<vmem>> -> memref<112x16xf32, #tpu.memory_space<vmem>>
      %dma_wait3A_565 = arith.constant 0 : i32
      %dma_wait3A_566 = arith.constant 0 : i32
      %dma_wait3A_567 = tpu.memref_slice %arg4[%add3A, %run_scoped3A_417, %dma_wait3A_565, %dma_wait3A_566] : memref<32x21x112x16xf32, #tpu.memory_space<hbm>> -> memref<1x1x112x16xf32, #tpu.memory_space<hbm>>
      %dma_wait3A_568 = tpu.memref_squeeze %dma_wait3A_567 : memref<1x1x112x16xf32, #tpu.memory_space<hbm>> -> memref<112x16xf32, #tpu.memory_space<hbm>>
      %dma_wait3A_569 = arith.constant 0 : i32
      %dma_wait3A_570 = arith.constant 0 : i32
      %dma_wait3A_571 = tpu.memref_slice %arg4[%add3A, %run_scoped3A_417, %dma_wait3A_569, %dma_wait3A_570] : memref<32x21x112x16xf32, #tpu.memory_space<hbm>> -> memref<1x1x112x16xf32, #tpu.memory_space<hbm>>
      %dma_wait3A_572 = tpu.memref_squeeze %dma_wait3A_571 : memref<1x1x112x16xf32, #tpu.memory_space<hbm>> -> memref<112x16xf32, #tpu.memory_space<hbm>>
      %dma_wait3A_573 = arith.constant 0 : i32
      %dma_wait3A_574 = arith.constant 0 : i32
      %dma_wait3A_575 = tpu.memref_slice %arg6[%run_scoped3A_416, %dma_wait3A_573, %dma_wait3A_574] : memref<21x112x16xf32, #tpu.memory_space<vmem>> -> memref<1x112x16xf32, #tpu.memory_space<vmem>>
      %dma_wait3A_576 = tpu.memref_squeeze %dma_wait3A_575 : memref<1x112x16xf32, #tpu.memory_space<vmem>> -> memref<112x16xf32, #tpu.memory_space<vmem>>
      tpu.wait_dma2 semaphore(%run_scoped3A_544 : memref<!tpu.dma_semaphore, #tpu.memory_space<semaphore_mem>>) src(%dma_wait3A_576 : memref<112x16xf32, #tpu.memory_space<vmem>>) dst(%dma_wait3A_572 : memref<112x16xf32, #tpu.memory_space<hbm>>)
      tpu.yield
    }) : () -> ()
    %dma_wait3A_418 = arith.constant 12 : i32
    %dma_wait3A_419 = arith.constant 12 : i32
    %dma_wait3A_420 = arith.constant 0 : i32
    %dma_wait3A_421 = arith.constant 0 : i32
    %dma_wait3A_422 = tpu.memref_slice %arg6[%dma_wait3A_419, %dma_wait3A_420, %dma_wait3A_421] : memref<21x112x16xf32, #tpu.memory_space<vmem>> -> memref<1x112x16xf32, #tpu.memory_space<vmem>>
    %dma_wait3A_423 = tpu.memref_squeeze %dma_wait3A_422 : memref<1x112x16xf32, #tpu.memory_space<vmem>> -> memref<112x16xf32, #tpu.memory_space<vmem>>
    %dma_wait3A_424 = arith.constant 0 : i32
    %dma_wait3A_425 = tpu.memref_slice %arg5[%dma_wait3A_418, %dma_wait3A_424] : memref<21x112xi32, #tpu.memory_space<vmem>> -> memref<1x112xi32, #tpu.memory_space<vmem>>
    %dma_wait3A_426 = tpu.memref_squeeze %dma_wait3A_425 : memref<1x112xi32, #tpu.memory_space<vmem>> -> memref<112xi32, #tpu.memory_space<vmem>>
    %dma_wait3A_427 = arith.constant 0 : i32
    %dma_wait3A_428 = arith.constant 0 : i32
    %dma_wait3A_429 = tpu.memref_slice %arg2[%dma_wait3A_427, %dma_wait3A_428] : memref<75264x16xf32, #tpu.memory_space<hbm>> -> memref<75264x16xf32, #tpu.memory_space<hbm>>
    tpu.wait_indirect_dma semaphore(%arg7 : memref<!tpu.dma_semaphore, #tpu.memory_space<semaphore_mem>>) src(%dma_wait3A_429 : memref<75264x16xf32, #tpu.memory_space<hbm>>) dst(%dma_wait3A_423 : memref<112x16xf32, #tpu.memory_space<vmem>>)
    %run_scoped3A_430 = arith.constant 12 : i32
    %run_scoped3A_431 = arith.constant 12 : i32
    "tpu.region"() ({
      %run_scoped3A_544 = tpu.sem_alloc : memref<!tpu.dma_semaphore, #tpu.memory_space<semaphore_mem>>
      %dma_start3A_545 = arith.constant 0 : i32
      %dma_start3A_546 = arith.constant 0 : i32
      %dma_start3A_547 = tpu.memref_slice %arg6[%run_scoped3A_430, %dma_start3A_545, %dma_start3A_546] : memref<21x112x16xf32, #tpu.memory_space<vmem>> -> memref<1x112x16xf32, #tpu.memory_space<vmem>>
      %dma_start3A_548 = tpu.memref_squeeze %dma_start3A_547 : memref<1x112x16xf32, #tpu.memory_space<vmem>> -> memref<112x16xf32, #tpu.memory_space<vmem>>
      %dma_start3A_549 = arith.constant 0 : i32
      %dma_start3A_550 = arith.constant 0 : i32
      %dma_start3A_551 = tpu.memref_slice %arg4[%add3A, %run_scoped3A_431, %dma_start3A_549, %dma_start3A_550] : memref<32x21x112x16xf32, #tpu.memory_space<hbm>> -> memref<1x1x112x16xf32, #tpu.memory_space<hbm>>
      %dma_start3A_552 = tpu.memref_squeeze %dma_start3A_551 : memref<1x1x112x16xf32, #tpu.memory_space<hbm>> -> memref<112x16xf32, #tpu.memory_space<hbm>>
      %dma_start3A_553 = arith.constant 0 : i32
      %dma_start3A_554 = arith.constant 0 : i32
      %dma_start3A_555 = tpu.memref_slice %arg4[%add3A, %run_scoped3A_431, %dma_start3A_553, %dma_start3A_554] : memref<32x21x112x16xf32, #tpu.memory_space<hbm>> -> memref<1x1x112x16xf32, #tpu.memory_space<hbm>>
      %dma_start3A_556 = tpu.memref_squeeze %dma_start3A_555 : memref<1x1x112x16xf32, #tpu.memory_space<hbm>> -> memref<112x16xf32, #tpu.memory_space<hbm>>
      %dma_start3A_557 = arith.constant 0 : i32
      %dma_start3A_558 = arith.constant 0 : i32
      %dma_start3A_559 = tpu.memref_slice %arg6[%run_scoped3A_430, %dma_start3A_557, %dma_start3A_558] : memref<21x112x16xf32, #tpu.memory_space<vmem>> -> memref<1x112x16xf32, #tpu.memory_space<vmem>>
      %dma_start3A_560 = tpu.memref_squeeze %dma_start3A_559 : memref<1x112x16xf32, #tpu.memory_space<vmem>> -> memref<112x16xf32, #tpu.memory_space<vmem>>
      tpu.enqueue_dma source(%dma_start3A_560 : memref<112x16xf32, #tpu.memory_space<vmem>>) target(%dma_start3A_556 : memref<112x16xf32, #tpu.memory_space<hbm>>) target_semaphore(%run_scoped3A_544 : memref<!tpu.dma_semaphore, #tpu.memory_space<semaphore_mem>>)
      %dma_wait3A_561 = arith.constant 0 : i32
      %dma_wait3A_562 = arith.constant 0 : i32
      %dma_wait3A_563 = tpu.memref_slice %arg6[%run_scoped3A_430, %dma_wait3A_561, %dma_wait3A_562] : memref<21x112x16xf32, #tpu.memory_space<vmem>> -> memref<1x112x16xf32, #tpu.memory_space<vmem>>
      %dma_wait3A_564 = tpu.memref_squeeze %dma_wait3A_563 : memref<1x112x16xf32, #tpu.memory_space<vmem>> -> memref<112x16xf32, #tpu.memory_space<vmem>>
      %dma_wait3A_565 = arith.constant 0 : i32
      %dma_wait3A_566 = arith.constant 0 : i32
      %dma_wait3A_567 = tpu.memref_slice %arg4[%add3A, %run_scoped3A_431, %dma_wait3A_565, %dma_wait3A_566] : memref<32x21x112x16xf32, #tpu.memory_space<hbm>> -> memref<1x1x112x16xf32, #tpu.memory_space<hbm>>
      %dma_wait3A_568 = tpu.memref_squeeze %dma_wait3A_567 : memref<1x1x112x16xf32, #tpu.memory_space<hbm>> -> memref<112x16xf32, #tpu.memory_space<hbm>>
      %dma_wait3A_569 = arith.constant 0 : i32
      %dma_wait3A_570 = arith.constant 0 : i32
      %dma_wait3A_571 = tpu.memref_slice %arg4[%add3A, %run_scoped3A_431, %dma_wait3A_569, %dma_wait3A_570] : memref<32x21x112x16xf32, #tpu.memory_space<hbm>> -> memref<1x1x112x16xf32, #tpu.memory_space<hbm>>
      %dma_wait3A_572 = tpu.memref_squeeze %dma_wait3A_571 : memref<1x1x112x16xf32, #tpu.memory_space<hbm>> -> memref<112x16xf32, #tpu.memory_space<hbm>>
      %dma_wait3A_573 = arith.constant 0 : i32
      %dma_wait3A_574 = arith.constant 0 : i32
      %dma_wait3A_575 = tpu.memref_slice %arg6[%run_scoped3A_430, %dma_wait3A_573, %dma_wait3A_574] : memref<21x112x16xf32, #tpu.memory_space<vmem>> -> memref<1x112x16xf32, #tpu.memory_space<vmem>>
      %dma_wait3A_576 = tpu.memref_squeeze %dma_wait3A_575 : memref<1x112x16xf32, #tpu.memory_space<vmem>> -> memref<112x16xf32, #tpu.memory_space<vmem>>
      tpu.wait_dma2 semaphore(%run_scoped3A_544 : memref<!tpu.dma_semaphore, #tpu.memory_space<semaphore_mem>>) src(%dma_wait3A_576 : memref<112x16xf32, #tpu.memory_space<vmem>>) dst(%dma_wait3A_572 : memref<112x16xf32, #tpu.memory_space<hbm>>)
      tpu.yield
    }) : () -> ()
    %dma_wait3A_432 = arith.constant 13 : i32
    %dma_wait3A_433 = arith.constant 13 : i32
    %dma_wait3A_434 = arith.constant 0 : i32
    %dma_wait3A_435 = arith.constant 0 : i32
    %dma_wait3A_436 = tpu.memref_slice %arg6[%dma_wait3A_433, %dma_wait3A_434, %dma_wait3A_435] : memref<21x112x16xf32, #tpu.memory_space<vmem>> -> memref<1x112x16xf32, #tpu.memory_space<vmem>>
    %dma_wait3A_437 = tpu.memref_squeeze %dma_wait3A_436 : memref<1x112x16xf32, #tpu.memory_space<vmem>> -> memref<112x16xf32, #tpu.memory_space<vmem>>
    %dma_wait3A_438 = arith.constant 0 : i32
    %dma_wait3A_439 = tpu.memref_slice %arg5[%dma_wait3A_432, %dma_wait3A_438] : memref<21x112xi32, #tpu.memory_space<vmem>> -> memref<1x112xi32, #tpu.memory_space<vmem>>
    %dma_wait3A_440 = tpu.memref_squeeze %dma_wait3A_439 : memref<1x112xi32, #tpu.memory_space<vmem>> -> memref<112xi32, #tpu.memory_space<vmem>>
    %dma_wait3A_441 = arith.constant 0 : i32
    %dma_wait3A_442 = arith.constant 0 : i32
    %dma_wait3A_443 = tpu.memref_slice %arg2[%dma_wait3A_441, %dma_wait3A_442] : memref<75264x16xf32, #tpu.memory_space<hbm>> -> memref<75264x16xf32, #tpu.memory_space<hbm>>
    tpu.wait_indirect_dma semaphore(%arg7 : memref<!tpu.dma_semaphore, #tpu.memory_space<semaphore_mem>>) src(%dma_wait3A_443 : memref<75264x16xf32, #tpu.memory_space<hbm>>) dst(%dma_wait3A_437 : memref<112x16xf32, #tpu.memory_space<vmem>>)
    %run_scoped3A_444 = arith.constant 13 : i32
    %run_scoped3A_445 = arith.constant 13 : i32
    "tpu.region"() ({
      %run_scoped3A_544 = tpu.sem_alloc : memref<!tpu.dma_semaphore, #tpu.memory_space<semaphore_mem>>
      %dma_start3A_545 = arith.constant 0 : i32
      %dma_start3A_546 = arith.constant 0 : i32
      %dma_start3A_547 = tpu.memref_slice %arg6[%run_scoped3A_444, %dma_start3A_545, %dma_start3A_546] : memref<21x112x16xf32, #tpu.memory_space<vmem>> -> memref<1x112x16xf32, #tpu.memory_space<vmem>>
      %dma_start3A_548 = tpu.memref_squeeze %dma_start3A_547 : memref<1x112x16xf32, #tpu.memory_space<vmem>> -> memref<112x16xf32, #tpu.memory_space<vmem>>
      %dma_start3A_549 = arith.constant 0 : i32
      %dma_start3A_550 = arith.constant 0 : i32
      %dma_start3A_551 = tpu.memref_slice %arg4[%add3A, %run_scoped3A_445, %dma_start3A_549, %dma_start3A_550] : memref<32x21x112x16xf32, #tpu.memory_space<hbm>> -> memref<1x1x112x16xf32, #tpu.memory_space<hbm>>
      %dma_start3A_552 = tpu.memref_squeeze %dma_start3A_551 : memref<1x1x112x16xf32, #tpu.memory_space<hbm>> -> memref<112x16xf32, #tpu.memory_space<hbm>>
      %dma_start3A_553 = arith.constant 0 : i32
      %dma_start3A_554 = arith.constant 0 : i32
      %dma_start3A_555 = tpu.memref_slice %arg4[%add3A, %run_scoped3A_445, %dma_start3A_553, %dma_start3A_554] : memref<32x21x112x16xf32, #tpu.memory_space<hbm>> -> memref<1x1x112x16xf32, #tpu.memory_space<hbm>>
      %dma_start3A_556 = tpu.memref_squeeze %dma_start3A_555 : memref<1x1x112x16xf32, #tpu.memory_space<hbm>> -> memref<112x16xf32, #tpu.memory_space<hbm>>
      %dma_start3A_557 = arith.constant 0 : i32
      %dma_start3A_558 = arith.constant 0 : i32
      %dma_start3A_559 = tpu.memref_slice %arg6[%run_scoped3A_444, %dma_start3A_557, %dma_start3A_558] : memref<21x112x16xf32, #tpu.memory_space<vmem>> -> memref<1x112x16xf32, #tpu.memory_space<vmem>>
      %dma_start3A_560 = tpu.memref_squeeze %dma_start3A_559 : memref<1x112x16xf32, #tpu.memory_space<vmem>> -> memref<112x16xf32, #tpu.memory_space<vmem>>
      tpu.enqueue_dma source(%dma_start3A_560 : memref<112x16xf32, #tpu.memory_space<vmem>>) target(%dma_start3A_556 : memref<112x16xf32, #tpu.memory_space<hbm>>) target_semaphore(%run_scoped3A_544 : memref<!tpu.dma_semaphore, #tpu.memory_space<semaphore_mem>>)
      %dma_wait3A_561 = arith.constant 0 : i32
      %dma_wait3A_562 = arith.constant 0 : i32
      %dma_wait3A_563 = tpu.memref_slice %arg6[%run_scoped3A_444, %dma_wait3A_561, %dma_wait3A_562] : memref<21x112x16xf32, #tpu.memory_space<vmem>> -> memref<1x112x16xf32, #tpu.memory_space<vmem>>
      %dma_wait3A_564 = tpu.memref_squeeze %dma_wait3A_563 : memref<1x112x16xf32, #tpu.memory_space<vmem>> -> memref<112x16xf32, #tpu.memory_space<vmem>>
      %dma_wait3A_565 = arith.constant 0 : i32
      %dma_wait3A_566 = arith.constant 0 : i32
      %dma_wait3A_567 = tpu.memref_slice %arg4[%add3A, %run_scoped3A_445, %dma_wait3A_565, %dma_wait3A_566] : memref<32x21x112x16xf32, #tpu.memory_space<hbm>> -> memref<1x1x112x16xf32, #tpu.memory_space<hbm>>
      %dma_wait3A_568 = tpu.memref_squeeze %dma_wait3A_567 : memref<1x1x112x16xf32, #tpu.memory_space<hbm>> -> memref<112x16xf32, #tpu.memory_space<hbm>>
      %dma_wait3A_569 = arith.constant 0 : i32
      %dma_wait3A_570 = arith.constant 0 : i32
      %dma_wait3A_571 = tpu.memref_slice %arg4[%add3A, %run_scoped3A_445, %dma_wait3A_569, %dma_wait3A_570] : memref<32x21x112x16xf32, #tpu.memory_space<hbm>> -> memref<1x1x112x16xf32, #tpu.memory_space<hbm>>
      %dma_wait3A_572 = tpu.memref_squeeze %dma_wait3A_571 : memref<1x1x112x16xf32, #tpu.memory_space<hbm>> -> memref<112x16xf32, #tpu.memory_space<hbm>>
      %dma_wait3A_573 = arith.constant 0 : i32
      %dma_wait3A_574 = arith.constant 0 : i32
      %dma_wait3A_575 = tpu.memref_slice %arg6[%run_scoped3A_444, %dma_wait3A_573, %dma_wait3A_574] : memref<21x112x16xf32, #tpu.memory_space<vmem>> -> memref<1x112x16xf32, #tpu.memory_space<vmem>>
      %dma_wait3A_576 = tpu.memref_squeeze %dma_wait3A_575 : memref<1x112x16xf32, #tpu.memory_space<vmem>> -> memref<112x16xf32, #tpu.memory_space<vmem>>
      tpu.wait_dma2 semaphore(%run_scoped3A_544 : memref<!tpu.dma_semaphore, #tpu.memory_space<semaphore_mem>>) src(%dma_wait3A_576 : memref<112x16xf32, #tpu.memory_space<vmem>>) dst(%dma_wait3A_572 : memref<112x16xf32, #tpu.memory_space<hbm>>)
      tpu.yield
    }) : () -> ()
    %dma_wait3A_446 = arith.constant 14 : i32
    %dma_wait3A_447 = arith.constant 14 : i32
    %dma_wait3A_448 = arith.constant 0 : i32
    %dma_wait3A_449 = arith.constant 0 : i32
    %dma_wait3A_450 = tpu.memref_slice %arg6[%dma_wait3A_447, %dma_wait3A_448, %dma_wait3A_449] : memref<21x112x16xf32, #tpu.memory_space<vmem>> -> memref<1x112x16xf32, #tpu.memory_space<vmem>>
    %dma_wait3A_451 = tpu.memref_squeeze %dma_wait3A_450 : memref<1x112x16xf32, #tpu.memory_space<vmem>> -> memref<112x16xf32, #tpu.memory_space<vmem>>
    %dma_wait3A_452 = arith.constant 0 : i32
    %dma_wait3A_453 = tpu.memref_slice %arg5[%dma_wait3A_446, %dma_wait3A_452] : memref<21x112xi32, #tpu.memory_space<vmem>> -> memref<1x112xi32, #tpu.memory_space<vmem>>
    %dma_wait3A_454 = tpu.memref_squeeze %dma_wait3A_453 : memref<1x112xi32, #tpu.memory_space<vmem>> -> memref<112xi32, #tpu.memory_space<vmem>>
    %dma_wait3A_455 = arith.constant 0 : i32
    %dma_wait3A_456 = arith.constant 0 : i32
    %dma_wait3A_457 = tpu.memref_slice %arg2[%dma_wait3A_455, %dma_wait3A_456] : memref<75264x16xf32, #tpu.memory_space<hbm>> -> memref<75264x16xf32, #tpu.memory_space<hbm>>
    tpu.wait_indirect_dma semaphore(%arg7 : memref<!tpu.dma_semaphore, #tpu.memory_space<semaphore_mem>>) src(%dma_wait3A_457 : memref<75264x16xf32, #tpu.memory_space<hbm>>) dst(%dma_wait3A_451 : memref<112x16xf32, #tpu.memory_space<vmem>>)
    %run_scoped3A_458 = arith.constant 14 : i32
    %run_scoped3A_459 = arith.constant 14 : i32
    "tpu.region"() ({
      %run_scoped3A_544 = tpu.sem_alloc : memref<!tpu.dma_semaphore, #tpu.memory_space<semaphore_mem>>
      %dma_start3A_545 = arith.constant 0 : i32
      %dma_start3A_546 = arith.constant 0 : i32
      %dma_start3A_547 = tpu.memref_slice %arg6[%run_scoped3A_458, %dma_start3A_545, %dma_start3A_546] : memref<21x112x16xf32, #tpu.memory_space<vmem>> -> memref<1x112x16xf32, #tpu.memory_space<vmem>>
      %dma_start3A_548 = tpu.memref_squeeze %dma_start3A_547 : memref<1x112x16xf32, #tpu.memory_space<vmem>> -> memref<112x16xf32, #tpu.memory_space<vmem>>
      %dma_start3A_549 = arith.constant 0 : i32
      %dma_start3A_550 = arith.constant 0 : i32
      %dma_start3A_551 = tpu.memref_slice %arg4[%add3A, %run_scoped3A_459, %dma_start3A_549, %dma_start3A_550] : memref<32x21x112x16xf32, #tpu.memory_space<hbm>> -> memref<1x1x112x16xf32, #tpu.memory_space<hbm>>
      %dma_start3A_552 = tpu.memref_squeeze %dma_start3A_551 : memref<1x1x112x16xf32, #tpu.memory_space<hbm>> -> memref<112x16xf32, #tpu.memory_space<hbm>>
      %dma_start3A_553 = arith.constant 0 : i32
      %dma_start3A_554 = arith.constant 0 : i32
      %dma_start3A_555 = tpu.memref_slice %arg4[%add3A, %run_scoped3A_459, %dma_start3A_553, %dma_start3A_554] : memref<32x21x112x16xf32, #tpu.memory_space<hbm>> -> memref<1x1x112x16xf32, #tpu.memory_space<hbm>>
      %dma_start3A_556 = tpu.memref_squeeze %dma_start3A_555 : memref<1x1x112x16xf32, #tpu.memory_space<hbm>> -> memref<112x16xf32, #tpu.memory_space<hbm>>
      %dma_start3A_557 = arith.constant 0 : i32
      %dma_start3A_558 = arith.constant 0 : i32
      %dma_start3A_559 = tpu.memref_slice %arg6[%run_scoped3A_458, %dma_start3A_557, %dma_start3A_558] : memref<21x112x16xf32, #tpu.memory_space<vmem>> -> memref<1x112x16xf32, #tpu.memory_space<vmem>>
      %dma_start3A_560 = tpu.memref_squeeze %dma_start3A_559 : memref<1x112x16xf32, #tpu.memory_space<vmem>> -> memref<112x16xf32, #tpu.memory_space<vmem>>
      tpu.enqueue_dma source(%dma_start3A_560 : memref<112x16xf32, #tpu.memory_space<vmem>>) target(%dma_start3A_556 : memref<112x16xf32, #tpu.memory_space<hbm>>) target_semaphore(%run_scoped3A_544 : memref<!tpu.dma_semaphore, #tpu.memory_space<semaphore_mem>>)
      %dma_wait3A_561 = arith.constant 0 : i32
      %dma_wait3A_562 = arith.constant 0 : i32
      %dma_wait3A_563 = tpu.memref_slice %arg6[%run_scoped3A_458, %dma_wait3A_561, %dma_wait3A_562] : memref<21x112x16xf32, #tpu.memory_space<vmem>> -> memref<1x112x16xf32, #tpu.memory_space<vmem>>
      %dma_wait3A_564 = tpu.memref_squeeze %dma_wait3A_563 : memref<1x112x16xf32, #tpu.memory_space<vmem>> -> memref<112x16xf32, #tpu.memory_space<vmem>>
      %dma_wait3A_565 = arith.constant 0 : i32
      %dma_wait3A_566 = arith.constant 0 : i32
      %dma_wait3A_567 = tpu.memref_slice %arg4[%add3A, %run_scoped3A_459, %dma_wait3A_565, %dma_wait3A_566] : memref<32x21x112x16xf32, #tpu.memory_space<hbm>> -> memref<1x1x112x16xf32, #tpu.memory_space<hbm>>
      %dma_wait3A_568 = tpu.memref_squeeze %dma_wait3A_567 : memref<1x1x112x16xf32, #tpu.memory_space<hbm>> -> memref<112x16xf32, #tpu.memory_space<hbm>>
      %dma_wait3A_569 = arith.constant 0 : i32
      %dma_wait3A_570 = arith.constant 0 : i32
      %dma_wait3A_571 = tpu.memref_slice %arg4[%add3A, %run_scoped3A_459, %dma_wait3A_569, %dma_wait3A_570] : memref<32x21x112x16xf32, #tpu.memory_space<hbm>> -> memref<1x1x112x16xf32, #tpu.memory_space<hbm>>
      %dma_wait3A_572 = tpu.memref_squeeze %dma_wait3A_571 : memref<1x1x112x16xf32, #tpu.memory_space<hbm>> -> memref<112x16xf32, #tpu.memory_space<hbm>>
      %dma_wait3A_573 = arith.constant 0 : i32
      %dma_wait3A_574 = arith.constant 0 : i32
      %dma_wait3A_575 = tpu.memref_slice %arg6[%run_scoped3A_458, %dma_wait3A_573, %dma_wait3A_574] : memref<21x112x16xf32, #tpu.memory_space<vmem>> -> memref<1x112x16xf32, #tpu.memory_space<vmem>>
      %dma_wait3A_576 = tpu.memref_squeeze %dma_wait3A_575 : memref<1x112x16xf32, #tpu.memory_space<vmem>> -> memref<112x16xf32, #tpu.memory_space<vmem>>
      tpu.wait_dma2 semaphore(%run_scoped3A_544 : memref<!tpu.dma_semaphore, #tpu.memory_space<semaphore_mem>>) src(%dma_wait3A_576 : memref<112x16xf32, #tpu.memory_space<vmem>>) dst(%dma_wait3A_572 : memref<112x16xf32, #tpu.memory_space<hbm>>)
      tpu.yield
    }) : () -> ()
    %dma_wait3A_460 = arith.constant 15 : i32
    %dma_wait3A_461 = arith.constant 15 : i32
    %dma_wait3A_462 = arith.constant 0 : i32
    %dma_wait3A_463 = arith.constant 0 : i32
    %dma_wait3A_464 = tpu.memref_slice %arg6[%dma_wait3A_461, %dma_wait3A_462, %dma_wait3A_463] : memref<21x112x16xf32, #tpu.memory_space<vmem>> -> memref<1x112x16xf32, #tpu.memory_space<vmem>>
    %dma_wait3A_465 = tpu.memref_squeeze %dma_wait3A_464 : memref<1x112x16xf32, #tpu.memory_space<vmem>> -> memref<112x16xf32, #tpu.memory_space<vmem>>
    %dma_wait3A_466 = arith.constant 0 : i32
    %dma_wait3A_467 = tpu.memref_slice %arg5[%dma_wait3A_460, %dma_wait3A_466] : memref<21x112xi32, #tpu.memory_space<vmem>> -> memref<1x112xi32, #tpu.memory_space<vmem>>
    %dma_wait3A_468 = tpu.memref_squeeze %dma_wait3A_467 : memref<1x112xi32, #tpu.memory_space<vmem>> -> memref<112xi32, #tpu.memory_space<vmem>>
    %dma_wait3A_469 = arith.constant 0 : i32
    %dma_wait3A_470 = arith.constant 0 : i32
    %dma_wait3A_471 = tpu.memref_slice %arg2[%dma_wait3A_469, %dma_wait3A_470] : memref<75264x16xf32, #tpu.memory_space<hbm>> -> memref<75264x16xf32, #tpu.memory_space<hbm>>
    tpu.wait_indirect_dma semaphore(%arg7 : memref<!tpu.dma_semaphore, #tpu.memory_space<semaphore_mem>>) src(%dma_wait3A_471 : memref<75264x16xf32, #tpu.memory_space<hbm>>) dst(%dma_wait3A_465 : memref<112x16xf32, #tpu.memory_space<vmem>>)
    %run_scoped3A_472 = arith.constant 15 : i32
    %run_scoped3A_473 = arith.constant 15 : i32
    "tpu.region"() ({
      %run_scoped3A_544 = tpu.sem_alloc : memref<!tpu.dma_semaphore, #tpu.memory_space<semaphore_mem>>
      %dma_start3A_545 = arith.constant 0 : i32
      %dma_start3A_546 = arith.constant 0 : i32
      %dma_start3A_547 = tpu.memref_slice %arg6[%run_scoped3A_472, %dma_start3A_545, %dma_start3A_546] : memref<21x112x16xf32, #tpu.memory_space<vmem>> -> memref<1x112x16xf32, #tpu.memory_space<vmem>>
      %dma_start3A_548 = tpu.memref_squeeze %dma_start3A_547 : memref<1x112x16xf32, #tpu.memory_space<vmem>> -> memref<112x16xf32, #tpu.memory_space<vmem>>
      %dma_start3A_549 = arith.constant 0 : i32
      %dma_start3A_550 = arith.constant 0 : i32
      %dma_start3A_551 = tpu.memref_slice %arg4[%add3A, %run_scoped3A_473, %dma_start3A_549, %dma_start3A_550] : memref<32x21x112x16xf32, #tpu.memory_space<hbm>> -> memref<1x1x112x16xf32, #tpu.memory_space<hbm>>
      %dma_start3A_552 = tpu.memref_squeeze %dma_start3A_551 : memref<1x1x112x16xf32, #tpu.memory_space<hbm>> -> memref<112x16xf32, #tpu.memory_space<hbm>>
      %dma_start3A_553 = arith.constant 0 : i32
      %dma_start3A_554 = arith.constant 0 : i32
      %dma_start3A_555 = tpu.memref_slice %arg4[%add3A, %run_scoped3A_473, %dma_start3A_553, %dma_start3A_554] : memref<32x21x112x16xf32, #tpu.memory_space<hbm>> -> memref<1x1x112x16xf32, #tpu.memory_space<hbm>>
      %dma_start3A_556 = tpu.memref_squeeze %dma_start3A_555 : memref<1x1x112x16xf32, #tpu.memory_space<hbm>> -> memref<112x16xf32, #tpu.memory_space<hbm>>
      %dma_start3A_557 = arith.constant 0 : i32
      %dma_start3A_558 = arith.constant 0 : i32
      %dma_start3A_559 = tpu.memref_slice %arg6[%run_scoped3A_472, %dma_start3A_557, %dma_start3A_558] : memref<21x112x16xf32, #tpu.memory_space<vmem>> -> memref<1x112x16xf32, #tpu.memory_space<vmem>>
      %dma_start3A_560 = tpu.memref_squeeze %dma_start3A_559 : memref<1x112x16xf32, #tpu.memory_space<vmem>> -> memref<112x16xf32, #tpu.memory_space<vmem>>
      tpu.enqueue_dma source(%dma_start3A_560 : memref<112x16xf32, #tpu.memory_space<vmem>>) target(%dma_start3A_556 : memref<112x16xf32, #tpu.memory_space<hbm>>) target_semaphore(%run_scoped3A_544 : memref<!tpu.dma_semaphore, #tpu.memory_space<semaphore_mem>>)
      %dma_wait3A_561 = arith.constant 0 : i32
      %dma_wait3A_562 = arith.constant 0 : i32
      %dma_wait3A_563 = tpu.memref_slice %arg6[%run_scoped3A_472, %dma_wait3A_561, %dma_wait3A_562] : memref<21x112x16xf32, #tpu.memory_space<vmem>> -> memref<1x112x16xf32, #tpu.memory_space<vmem>>
      %dma_wait3A_564 = tpu.memref_squeeze %dma_wait3A_563 : memref<1x112x16xf32, #tpu.memory_space<vmem>> -> memref<112x16xf32, #tpu.memory_space<vmem>>
      %dma_wait3A_565 = arith.constant 0 : i32
      %dma_wait3A_566 = arith.constant 0 : i32
      %dma_wait3A_567 = tpu.memref_slice %arg4[%add3A, %run_scoped3A_473, %dma_wait3A_565, %dma_wait3A_566] : memref<32x21x112x16xf32, #tpu.memory_space<hbm>> -> memref<1x1x112x16xf32, #tpu.memory_space<hbm>>
      %dma_wait3A_568 = tpu.memref_squeeze %dma_wait3A_567 : memref<1x1x112x16xf32, #tpu.memory_space<hbm>> -> memref<112x16xf32, #tpu.memory_space<hbm>>
      %dma_wait3A_569 = arith.constant 0 : i32
      %dma_wait3A_570 = arith.constant 0 : i32
      %dma_wait3A_571 = tpu.memref_slice %arg4[%add3A, %run_scoped3A_473, %dma_wait3A_569, %dma_wait3A_570] : memref<32x21x112x16xf32, #tpu.memory_space<hbm>> -> memref<1x1x112x16xf32, #tpu.memory_space<hbm>>
      %dma_wait3A_572 = tpu.memref_squeeze %dma_wait3A_571 : memref<1x1x112x16xf32, #tpu.memory_space<hbm>> -> memref<112x16xf32, #tpu.memory_space<hbm>>
      %dma_wait3A_573 = arith.constant 0 : i32
      %dma_wait3A_574 = arith.constant 0 : i32
      %dma_wait3A_575 = tpu.memref_slice %arg6[%run_scoped3A_472, %dma_wait3A_573, %dma_wait3A_574] : memref<21x112x16xf32, #tpu.memory_space<vmem>> -> memref<1x112x16xf32, #tpu.memory_space<vmem>>
      %dma_wait3A_576 = tpu.memref_squeeze %dma_wait3A_575 : memref<1x112x16xf32, #tpu.memory_space<vmem>> -> memref<112x16xf32, #tpu.memory_space<vmem>>
      tpu.wait_dma2 semaphore(%run_scoped3A_544 : memref<!tpu.dma_semaphore, #tpu.memory_space<semaphore_mem>>) src(%dma_wait3A_576 : memref<112x16xf32, #tpu.memory_space<vmem>>) dst(%dma_wait3A_572 : memref<112x16xf32, #tpu.memory_space<hbm>>)
      tpu.yield
    }) : () -> ()
    %dma_wait3A_474 = arith.constant 16 : i32
    %dma_wait3A_475 = arith.constant 16 : i32
    %dma_wait3A_476 = arith.constant 0 : i32
    %dma_wait3A_477 = arith.constant 0 : i32
    %dma_wait3A_478 = tpu.memref_slice %arg6[%dma_wait3A_475, %dma_wait3A_476, %dma_wait3A_477] : memref<21x112x16xf32, #tpu.memory_space<vmem>> -> memref<1x112x16xf32, #tpu.memory_space<vmem>>
    %dma_wait3A_479 = tpu.memref_squeeze %dma_wait3A_478 : memref<1x112x16xf32, #tpu.memory_space<vmem>> -> memref<112x16xf32, #tpu.memory_space<vmem>>
    %dma_wait3A_480 = arith.constant 0 : i32
    %dma_wait3A_481 = tpu.memref_slice %arg5[%dma_wait3A_474, %dma_wait3A_480] : memref<21x112xi32, #tpu.memory_space<vmem>> -> memref<1x112xi32, #tpu.memory_space<vmem>>
    %dma_wait3A_482 = tpu.memref_squeeze %dma_wait3A_481 : memref<1x112xi32, #tpu.memory_space<vmem>> -> memref<112xi32, #tpu.memory_space<vmem>>
    %dma_wait3A_483 = arith.constant 0 : i32
    %dma_wait3A_484 = arith.constant 0 : i32
    %dma_wait3A_485 = tpu.memref_slice %arg2[%dma_wait3A_483, %dma_wait3A_484] : memref<75264x16xf32, #tpu.memory_space<hbm>> -> memref<75264x16xf32, #tpu.memory_space<hbm>>
    tpu.wait_indirect_dma semaphore(%arg7 : memref<!tpu.dma_semaphore, #tpu.memory_space<semaphore_mem>>) src(%dma_wait3A_485 : memref<75264x16xf32, #tpu.memory_space<hbm>>) dst(%dma_wait3A_479 : memref<112x16xf32, #tpu.memory_space<vmem>>)
    %run_scoped3A_486 = arith.constant 16 : i32
    %run_scoped3A_487 = arith.constant 16 : i32
    "tpu.region"() ({
      %run_scoped3A_544 = tpu.sem_alloc : memref<!tpu.dma_semaphore, #tpu.memory_space<semaphore_mem>>
      %dma_start3A_545 = arith.constant 0 : i32
      %dma_start3A_546 = arith.constant 0 : i32
      %dma_start3A_547 = tpu.memref_slice %arg6[%run_scoped3A_486, %dma_start3A_545, %dma_start3A_546] : memref<21x112x16xf32, #tpu.memory_space<vmem>> -> memref<1x112x16xf32, #tpu.memory_space<vmem>>
      %dma_start3A_548 = tpu.memref_squeeze %dma_start3A_547 : memref<1x112x16xf32, #tpu.memory_space<vmem>> -> memref<112x16xf32, #tpu.memory_space<vmem>>
      %dma_start3A_549 = arith.constant 0 : i32
      %dma_start3A_550 = arith.constant 0 : i32
      %dma_start3A_551 = tpu.memref_slice %arg4[%add3A, %run_scoped3A_487, %dma_start3A_549, %dma_start3A_550] : memref<32x21x112x16xf32, #tpu.memory_space<hbm>> -> memref<1x1x112x16xf32, #tpu.memory_space<hbm>>
      %dma_start3A_552 = tpu.memref_squeeze %dma_start3A_551 : memref<1x1x112x16xf32, #tpu.memory_space<hbm>> -> memref<112x16xf32, #tpu.memory_space<hbm>>
      %dma_start3A_553 = arith.constant 0 : i32
      %dma_start3A_554 = arith.constant 0 : i32
      %dma_start3A_555 = tpu.memref_slice %arg4[%add3A, %run_scoped3A_487, %dma_start3A_553, %dma_start3A_554] : memref<32x21x112x16xf32, #tpu.memory_space<hbm>> -> memref<1x1x112x16xf32, #tpu.memory_space<hbm>>
      %dma_start3A_556 = tpu.memref_squeeze %dma_start3A_555 : memref<1x1x112x16xf32, #tpu.memory_space<hbm>> -> memref<112x16xf32, #tpu.memory_space<hbm>>
      %dma_start3A_557 = arith.constant 0 : i32
      %dma_start3A_558 = arith.constant 0 : i32
      %dma_start3A_559 = tpu.memref_slice %arg6[%run_scoped3A_486, %dma_start3A_557, %dma_start3A_558] : memref<21x112x16xf32, #tpu.memory_space<vmem>> -> memref<1x112x16xf32, #tpu.memory_space<vmem>>
      %dma_start3A_560 = tpu.memref_squeeze %dma_start3A_559 : memref<1x112x16xf32, #tpu.memory_space<vmem>> -> memref<112x16xf32, #tpu.memory_space<vmem>>
      tpu.enqueue_dma source(%dma_start3A_560 : memref<112x16xf32, #tpu.memory_space<vmem>>) target(%dma_start3A_556 : memref<112x16xf32, #tpu.memory_space<hbm>>) target_semaphore(%run_scoped3A_544 : memref<!tpu.dma_semaphore, #tpu.memory_space<semaphore_mem>>)
      %dma_wait3A_561 = arith.constant 0 : i32
      %dma_wait3A_562 = arith.constant 0 : i32
      %dma_wait3A_563 = tpu.memref_slice %arg6[%run_scoped3A_486, %dma_wait3A_561, %dma_wait3A_562] : memref<21x112x16xf32, #tpu.memory_space<vmem>> -> memref<1x112x16xf32, #tpu.memory_space<vmem>>
      %dma_wait3A_564 = tpu.memref_squeeze %dma_wait3A_563 : memref<1x112x16xf32, #tpu.memory_space<vmem>> -> memref<112x16xf32, #tpu.memory_space<vmem>>
      %dma_wait3A_565 = arith.constant 0 : i32
      %dma_wait3A_566 = arith.constant 0 : i32
      %dma_wait3A_567 = tpu.memref_slice %arg4[%add3A, %run_scoped3A_487, %dma_wait3A_565, %dma_wait3A_566] : memref<32x21x112x16xf32, #tpu.memory_space<hbm>> -> memref<1x1x112x16xf32, #tpu.memory_space<hbm>>
      %dma_wait3A_568 = tpu.memref_squeeze %dma_wait3A_567 : memref<1x1x112x16xf32, #tpu.memory_space<hbm>> -> memref<112x16xf32, #tpu.memory_space<hbm>>
      %dma_wait3A_569 = arith.constant 0 : i32
      %dma_wait3A_570 = arith.constant 0 : i32
      %dma_wait3A_571 = tpu.memref_slice %arg4[%add3A, %run_scoped3A_487, %dma_wait3A_569, %dma_wait3A_570] : memref<32x21x112x16xf32, #tpu.memory_space<hbm>> -> memref<1x1x112x16xf32, #tpu.memory_space<hbm>>
      %dma_wait3A_572 = tpu.memref_squeeze %dma_wait3A_571 : memref<1x1x112x16xf32, #tpu.memory_space<hbm>> -> memref<112x16xf32, #tpu.memory_space<hbm>>
      %dma_wait3A_573 = arith.constant 0 : i32
      %dma_wait3A_574 = arith.constant 0 : i32
      %dma_wait3A_575 = tpu.memref_slice %arg6[%run_scoped3A_486, %dma_wait3A_573, %dma_wait3A_574] : memref<21x112x16xf32, #tpu.memory_space<vmem>> -> memref<1x112x16xf32, #tpu.memory_space<vmem>>
      %dma_wait3A_576 = tpu.memref_squeeze %dma_wait3A_575 : memref<1x112x16xf32, #tpu.memory_space<vmem>> -> memref<112x16xf32, #tpu.memory_space<vmem>>
      tpu.wait_dma2 semaphore(%run_scoped3A_544 : memref<!tpu.dma_semaphore, #tpu.memory_space<semaphore_mem>>) src(%dma_wait3A_576 : memref<112x16xf32, #tpu.memory_space<vmem>>) dst(%dma_wait3A_572 : memref<112x16xf32, #tpu.memory_space<hbm>>)
      tpu.yield
    }) : () -> ()
    %dma_wait3A_488 = arith.constant 17 : i32
    %dma_wait3A_489 = arith.constant 17 : i32
    %dma_wait3A_490 = arith.constant 0 : i32
    %dma_wait3A_491 = arith.constant 0 : i32
    %dma_wait3A_492 = tpu.memref_slice %arg6[%dma_wait3A_489, %dma_wait3A_490, %dma_wait3A_491] : memref<21x112x16xf32, #tpu.memory_space<vmem>> -> memref<1x112x16xf32, #tpu.memory_space<vmem>>
    %dma_wait3A_493 = tpu.memref_squeeze %dma_wait3A_492 : memref<1x112x16xf32, #tpu.memory_space<vmem>> -> memref<112x16xf32, #tpu.memory_space<vmem>>
    %dma_wait3A_494 = arith.constant 0 : i32
    %dma_wait3A_495 = tpu.memref_slice %arg5[%dma_wait3A_488, %dma_wait3A_494] : memref<21x112xi32, #tpu.memory_space<vmem>> -> memref<1x112xi32, #tpu.memory_space<vmem>>
    %dma_wait3A_496 = tpu.memref_squeeze %dma_wait3A_495 : memref<1x112xi32, #tpu.memory_space<vmem>> -> memref<112xi32, #tpu.memory_space<vmem>>
    %dma_wait3A_497 = arith.constant 0 : i32
    %dma_wait3A_498 = arith.constant 0 : i32
    %dma_wait3A_499 = tpu.memref_slice %arg2[%dma_wait3A_497, %dma_wait3A_498] : memref<75264x16xf32, #tpu.memory_space<hbm>> -> memref<75264x16xf32, #tpu.memory_space<hbm>>
    tpu.wait_indirect_dma semaphore(%arg7 : memref<!tpu.dma_semaphore, #tpu.memory_space<semaphore_mem>>) src(%dma_wait3A_499 : memref<75264x16xf32, #tpu.memory_space<hbm>>) dst(%dma_wait3A_493 : memref<112x16xf32, #tpu.memory_space<vmem>>)
    %run_scoped3A_500 = arith.constant 17 : i32
    %run_scoped3A_501 = arith.constant 17 : i32
    "tpu.region"() ({
      %run_scoped3A_544 = tpu.sem_alloc : memref<!tpu.dma_semaphore, #tpu.memory_space<semaphore_mem>>
      %dma_start3A_545 = arith.constant 0 : i32
      %dma_start3A_546 = arith.constant 0 : i32
      %dma_start3A_547 = tpu.memref_slice %arg6[%run_scoped3A_500, %dma_start3A_545, %dma_start3A_546] : memref<21x112x16xf32, #tpu.memory_space<vmem>> -> memref<1x112x16xf32, #tpu.memory_space<vmem>>
      %dma_start3A_548 = tpu.memref_squeeze %dma_start3A_547 : memref<1x112x16xf32, #tpu.memory_space<vmem>> -> memref<112x16xf32, #tpu.memory_space<vmem>>
      %dma_start3A_549 = arith.constant 0 : i32
      %dma_start3A_550 = arith.constant 0 : i32
      %dma_start3A_551 = tpu.memref_slice %arg4[%add3A, %run_scoped3A_501, %dma_start3A_549, %dma_start3A_550] : memref<32x21x112x16xf32, #tpu.memory_space<hbm>> -> memref<1x1x112x16xf32, #tpu.memory_space<hbm>>
      %dma_start3A_552 = tpu.memref_squeeze %dma_start3A_551 : memref<1x1x112x16xf32, #tpu.memory_space<hbm>> -> memref<112x16xf32, #tpu.memory_space<hbm>>
      %dma_start3A_553 = arith.constant 0 : i32
      %dma_start3A_554 = arith.constant 0 : i32
      %dma_start3A_555 = tpu.memref_slice %arg4[%add3A, %run_scoped3A_501, %dma_start3A_553, %dma_start3A_554] : memref<32x21x112x16xf32, #tpu.memory_space<hbm>> -> memref<1x1x112x16xf32, #tpu.memory_space<hbm>>
      %dma_start3A_556 = tpu.memref_squeeze %dma_start3A_555 : memref<1x1x112x16xf32, #tpu.memory_space<hbm>> -> memref<112x16xf32, #tpu.memory_space<hbm>>
      %dma_start3A_557 = arith.constant 0 : i32
      %dma_start3A_558 = arith.constant 0 : i32
      %dma_start3A_559 = tpu.memref_slice %arg6[%run_scoped3A_500, %dma_start3A_557, %dma_start3A_558] : memref<21x112x16xf32, #tpu.memory_space<vmem>> -> memref<1x112x16xf32, #tpu.memory_space<vmem>>
      %dma_start3A_560 = tpu.memref_squeeze %dma_start3A_559 : memref<1x112x16xf32, #tpu.memory_space<vmem>> -> memref<112x16xf32, #tpu.memory_space<vmem>>
      tpu.enqueue_dma source(%dma_start3A_560 : memref<112x16xf32, #tpu.memory_space<vmem>>) target(%dma_start3A_556 : memref<112x16xf32, #tpu.memory_space<hbm>>) target_semaphore(%run_scoped3A_544 : memref<!tpu.dma_semaphore, #tpu.memory_space<semaphore_mem>>)
      %dma_wait3A_561 = arith.constant 0 : i32
      %dma_wait3A_562 = arith.constant 0 : i32
      %dma_wait3A_563 = tpu.memref_slice %arg6[%run_scoped3A_500, %dma_wait3A_561, %dma_wait3A_562] : memref<21x112x16xf32, #tpu.memory_space<vmem>> -> memref<1x112x16xf32, #tpu.memory_space<vmem>>
      %dma_wait3A_564 = tpu.memref_squeeze %dma_wait3A_563 : memref<1x112x16xf32, #tpu.memory_space<vmem>> -> memref<112x16xf32, #tpu.memory_space<vmem>>
      %dma_wait3A_565 = arith.constant 0 : i32
      %dma_wait3A_566 = arith.constant 0 : i32
      %dma_wait3A_567 = tpu.memref_slice %arg4[%add3A, %run_scoped3A_501, %dma_wait3A_565, %dma_wait3A_566] : memref<32x21x112x16xf32, #tpu.memory_space<hbm>> -> memref<1x1x112x16xf32, #tpu.memory_space<hbm>>
      %dma_wait3A_568 = tpu.memref_squeeze %dma_wait3A_567 : memref<1x1x112x16xf32, #tpu.memory_space<hbm>> -> memref<112x16xf32, #tpu.memory_space<hbm>>
      %dma_wait3A_569 = arith.constant 0 : i32
      %dma_wait3A_570 = arith.constant 0 : i32
      %dma_wait3A_571 = tpu.memref_slice %arg4[%add3A, %run_scoped3A_501, %dma_wait3A_569, %dma_wait3A_570] : memref<32x21x112x16xf32, #tpu.memory_space<hbm>> -> memref<1x1x112x16xf32, #tpu.memory_space<hbm>>
      %dma_wait3A_572 = tpu.memref_squeeze %dma_wait3A_571 : memref<1x1x112x16xf32, #tpu.memory_space<hbm>> -> memref<112x16xf32, #tpu.memory_space<hbm>>
      %dma_wait3A_573 = arith.constant 0 : i32
      %dma_wait3A_574 = arith.constant 0 : i32
      %dma_wait3A_575 = tpu.memref_slice %arg6[%run_scoped3A_500, %dma_wait3A_573, %dma_wait3A_574] : memref<21x112x16xf32, #tpu.memory_space<vmem>> -> memref<1x112x16xf32, #tpu.memory_space<vmem>>
      %dma_wait3A_576 = tpu.memref_squeeze %dma_wait3A_575 : memref<1x112x16xf32, #tpu.memory_space<vmem>> -> memref<112x16xf32, #tpu.memory_space<vmem>>
      tpu.wait_dma2 semaphore(%run_scoped3A_544 : memref<!tpu.dma_semaphore, #tpu.memory_space<semaphore_mem>>) src(%dma_wait3A_576 : memref<112x16xf32, #tpu.memory_space<vmem>>) dst(%dma_wait3A_572 : memref<112x16xf32, #tpu.memory_space<hbm>>)
      tpu.yield
    }) : () -> ()
    %dma_wait3A_502 = arith.constant 18 : i32
    %dma_wait3A_503 = arith.constant 18 : i32
    %dma_wait3A_504 = arith.constant 0 : i32
    %dma_wait3A_505 = arith.constant 0 : i32
    %dma_wait3A_506 = tpu.memref_slice %arg6[%dma_wait3A_503, %dma_wait3A_504, %dma_wait3A_505] : memref<21x112x16xf32, #tpu.memory_space<vmem>> -> memref<1x112x16xf32, #tpu.memory_space<vmem>>
    %dma_wait3A_507 = tpu.memref_squeeze %dma_wait3A_506 : memref<1x112x16xf32, #tpu.memory_space<vmem>> -> memref<112x16xf32, #tpu.memory_space<vmem>>
    %dma_wait3A_508 = arith.constant 0 : i32
    %dma_wait3A_509 = tpu.memref_slice %arg5[%dma_wait3A_502, %dma_wait3A_508] : memref<21x112xi32, #tpu.memory_space<vmem>> -> memref<1x112xi32, #tpu.memory_space<vmem>>
    %dma_wait3A_510 = tpu.memref_squeeze %dma_wait3A_509 : memref<1x112xi32, #tpu.memory_space<vmem>> -> memref<112xi32, #tpu.memory_space<vmem>>
    %dma_wait3A_511 = arith.constant 0 : i32
    %dma_wait3A_512 = arith.constant 0 : i32
    %dma_wait3A_513 = tpu.memref_slice %arg2[%dma_wait3A_511, %dma_wait3A_512] : memref<75264x16xf32, #tpu.memory_space<hbm>> -> memref<75264x16xf32, #tpu.memory_space<hbm>>
    tpu.wait_indirect_dma semaphore(%arg7 : memref<!tpu.dma_semaphore, #tpu.memory_space<semaphore_mem>>) src(%dma_wait3A_513 : memref<75264x16xf32, #tpu.memory_space<hbm>>) dst(%dma_wait3A_507 : memref<112x16xf32, #tpu.memory_space<vmem>>)
    %run_scoped3A_514 = arith.constant 18 : i32
    %run_scoped3A_515 = arith.constant 18 : i32
    "tpu.region"() ({
      %run_scoped3A_544 = tpu.sem_alloc : memref<!tpu.dma_semaphore, #tpu.memory_space<semaphore_mem>>
      %dma_start3A_545 = arith.constant 0 : i32
      %dma_start3A_546 = arith.constant 0 : i32
      %dma_start3A_547 = tpu.memref_slice %arg6[%run_scoped3A_514, %dma_start3A_545, %dma_start3A_546] : memref<21x112x16xf32, #tpu.memory_space<vmem>> -> memref<1x112x16xf32, #tpu.memory_space<vmem>>
      %dma_start3A_548 = tpu.memref_squeeze %dma_start3A_547 : memref<1x112x16xf32, #tpu.memory_space<vmem>> -> memref<112x16xf32, #tpu.memory_space<vmem>>
      %dma_start3A_549 = arith.constant 0 : i32
      %dma_start3A_550 = arith.constant 0 : i32
      %dma_start3A_551 = tpu.memref_slice %arg4[%add3A, %run_scoped3A_515, %dma_start3A_549, %dma_start3A_550] : memref<32x21x112x16xf32, #tpu.memory_space<hbm>> -> memref<1x1x112x16xf32, #tpu.memory_space<hbm>>
      %dma_start3A_552 = tpu.memref_squeeze %dma_start3A_551 : memref<1x1x112x16xf32, #tpu.memory_space<hbm>> -> memref<112x16xf32, #tpu.memory_space<hbm>>
      %dma_start3A_553 = arith.constant 0 : i32
      %dma_start3A_554 = arith.constant 0 : i32
      %dma_start3A_555 = tpu.memref_slice %arg4[%add3A, %run_scoped3A_515, %dma_start3A_553, %dma_start3A_554] : memref<32x21x112x16xf32, #tpu.memory_space<hbm>> -> memref<1x1x112x16xf32, #tpu.memory_space<hbm>>
      %dma_start3A_556 = tpu.memref_squeeze %dma_start3A_555 : memref<1x1x112x16xf32, #tpu.memory_space<hbm>> -> memref<112x16xf32, #tpu.memory_space<hbm>>
      %dma_start3A_557 = arith.constant 0 : i32
      %dma_start3A_558 = arith.constant 0 : i32
      %dma_start3A_559 = tpu.memref_slice %arg6[%run_scoped3A_514, %dma_start3A_557, %dma_start3A_558] : memref<21x112x16xf32, #tpu.memory_space<vmem>> -> memref<1x112x16xf32, #tpu.memory_space<vmem>>
      %dma_start3A_560 = tpu.memref_squeeze %dma_start3A_559 : memref<1x112x16xf32, #tpu.memory_space<vmem>> -> memref<112x16xf32, #tpu.memory_space<vmem>>
      tpu.enqueue_dma source(%dma_start3A_560 : memref<112x16xf32, #tpu.memory_space<vmem>>) target(%dma_start3A_556 : memref<112x16xf32, #tpu.memory_space<hbm>>) target_semaphore(%run_scoped3A_544 : memref<!tpu.dma_semaphore, #tpu.memory_space<semaphore_mem>>)
      %dma_wait3A_561 = arith.constant 0 : i32
      %dma_wait3A_562 = arith.constant 0 : i32
      %dma_wait3A_563 = tpu.memref_slice %arg6[%run_scoped3A_514, %dma_wait3A_561, %dma_wait3A_562] : memref<21x112x16xf32, #tpu.memory_space<vmem>> -> memref<1x112x16xf32, #tpu.memory_space<vmem>>
      %dma_wait3A_564 = tpu.memref_squeeze %dma_wait3A_563 : memref<1x112x16xf32, #tpu.memory_space<vmem>> -> memref<112x16xf32, #tpu.memory_space<vmem>>
      %dma_wait3A_565 = arith.constant 0 : i32
      %dma_wait3A_566 = arith.constant 0 : i32
      %dma_wait3A_567 = tpu.memref_slice %arg4[%add3A, %run_scoped3A_515, %dma_wait3A_565, %dma_wait3A_566] : memref<32x21x112x16xf32, #tpu.memory_space<hbm>> -> memref<1x1x112x16xf32, #tpu.memory_space<hbm>>
      %dma_wait3A_568 = tpu.memref_squeeze %dma_wait3A_567 : memref<1x1x112x16xf32, #tpu.memory_space<hbm>> -> memref<112x16xf32, #tpu.memory_space<hbm>>
      %dma_wait3A_569 = arith.constant 0 : i32
      %dma_wait3A_570 = arith.constant 0 : i32
      %dma_wait3A_571 = tpu.memref_slice %arg4[%add3A, %run_scoped3A_515, %dma_wait3A_569, %dma_wait3A_570] : memref<32x21x112x16xf32, #tpu.memory_space<hbm>> -> memref<1x1x112x16xf32, #tpu.memory_space<hbm>>
      %dma_wait3A_572 = tpu.memref_squeeze %dma_wait3A_571 : memref<1x1x112x16xf32, #tpu.memory_space<hbm>> -> memref<112x16xf32, #tpu.memory_space<hbm>>
      %dma_wait3A_573 = arith.constant 0 : i32
      %dma_wait3A_574 = arith.constant 0 : i32
      %dma_wait3A_575 = tpu.memref_slice %arg6[%run_scoped3A_514, %dma_wait3A_573, %dma_wait3A_574] : memref<21x112x16xf32, #tpu.memory_space<vmem>> -> memref<1x112x16xf32, #tpu.memory_space<vmem>>
      %dma_wait3A_576 = tpu.memref_squeeze %dma_wait3A_575 : memref<1x112x16xf32, #tpu.memory_space<vmem>> -> memref<112x16xf32, #tpu.memory_space<vmem>>
      tpu.wait_dma2 semaphore(%run_scoped3A_544 : memref<!tpu.dma_semaphore, #tpu.memory_space<semaphore_mem>>) src(%dma_wait3A_576 : memref<112x16xf32, #tpu.memory_space<vmem>>) dst(%dma_wait3A_572 : memref<112x16xf32, #tpu.memory_space<hbm>>)
      tpu.yield
    }) : () -> ()
    %dma_wait3A_516 = arith.constant 19 : i32
    %dma_wait3A_517 = arith.constant 19 : i32
    %dma_wait3A_518 = arith.constant 0 : i32
    %dma_wait3A_519 = arith.constant 0 : i32
    %dma_wait3A_520 = tpu.memref_slice %arg6[%dma_wait3A_517, %dma_wait3A_518, %dma_wait3A_519] : memref<21x112x16xf32, #tpu.memory_space<vmem>> -> memref<1x112x16xf32, #tpu.memory_space<vmem>>
    %dma_wait3A_521 = tpu.memref_squeeze %dma_wait3A_520 : memref<1x112x16xf32, #tpu.memory_space<vmem>> -> memref<112x16xf32, #tpu.memory_space<vmem>>
    %dma_wait3A_522 = arith.constant 0 : i32
    %dma_wait3A_523 = tpu.memref_slice %arg5[%dma_wait3A_516, %dma_wait3A_522] : memref<21x112xi32, #tpu.memory_space<vmem>> -> memref<1x112xi32, #tpu.memory_space<vmem>>
    %dma_wait3A_524 = tpu.memref_squeeze %dma_wait3A_523 : memref<1x112xi32, #tpu.memory_space<vmem>> -> memref<112xi32, #tpu.memory_space<vmem>>
    %dma_wait3A_525 = arith.constant 0 : i32
    %dma_wait3A_526 = arith.constant 0 : i32
    %dma_wait3A_527 = tpu.memref_slice %arg2[%dma_wait3A_525, %dma_wait3A_526] : memref<75264x16xf32, #tpu.memory_space<hbm>> -> memref<75264x16xf32, #tpu.memory_space<hbm>>
    tpu.wait_indirect_dma semaphore(%arg7 : memref<!tpu.dma_semaphore, #tpu.memory_space<semaphore_mem>>) src(%dma_wait3A_527 : memref<75264x16xf32, #tpu.memory_space<hbm>>) dst(%dma_wait3A_521 : memref<112x16xf32, #tpu.memory_space<vmem>>)
    %run_scoped3A_528 = arith.constant 19 : i32
    %run_scoped3A_529 = arith.constant 19 : i32
    "tpu.region"() ({
      %run_scoped3A_544 = tpu.sem_alloc : memref<!tpu.dma_semaphore, #tpu.memory_space<semaphore_mem>>
      %dma_start3A_545 = arith.constant 0 : i32
      %dma_start3A_546 = arith.constant 0 : i32
      %dma_start3A_547 = tpu.memref_slice %arg6[%run_scoped3A_528, %dma_start3A_545, %dma_start3A_546] : memref<21x112x16xf32, #tpu.memory_space<vmem>> -> memref<1x112x16xf32, #tpu.memory_space<vmem>>
      %dma_start3A_548 = tpu.memref_squeeze %dma_start3A_547 : memref<1x112x16xf32, #tpu.memory_space<vmem>> -> memref<112x16xf32, #tpu.memory_space<vmem>>
      %dma_start3A_549 = arith.constant 0 : i32
      %dma_start3A_550 = arith.constant 0 : i32
      %dma_start3A_551 = tpu.memref_slice %arg4[%add3A, %run_scoped3A_529, %dma_start3A_549, %dma_start3A_550] : memref<32x21x112x16xf32, #tpu.memory_space<hbm>> -> memref<1x1x112x16xf32, #tpu.memory_space<hbm>>
      %dma_start3A_552 = tpu.memref_squeeze %dma_start3A_551 : memref<1x1x112x16xf32, #tpu.memory_space<hbm>> -> memref<112x16xf32, #tpu.memory_space<hbm>>
      %dma_start3A_553 = arith.constant 0 : i32
      %dma_start3A_554 = arith.constant 0 : i32
      %dma_start3A_555 = tpu.memref_slice %arg4[%add3A, %run_scoped3A_529, %dma_start3A_553, %dma_start3A_554] : memref<32x21x112x16xf32, #tpu.memory_space<hbm>> -> memref<1x1x112x16xf32, #tpu.memory_space<hbm>>
      %dma_start3A_556 = tpu.memref_squeeze %dma_start3A_555 : memref<1x1x112x16xf32, #tpu.memory_space<hbm>> -> memref<112x16xf32, #tpu.memory_space<hbm>>
      %dma_start3A_557 = arith.constant 0 : i32
      %dma_start3A_558 = arith.constant 0 : i32
      %dma_start3A_559 = tpu.memref_slice %arg6[%run_scoped3A_528, %dma_start3A_557, %dma_start3A_558] : memref<21x112x16xf32, #tpu.memory_space<vmem>> -> memref<1x112x16xf32, #tpu.memory_space<vmem>>
      %dma_start3A_560 = tpu.memref_squeeze %dma_start3A_559 : memref<1x112x16xf32, #tpu.memory_space<vmem>> -> memref<112x16xf32, #tpu.memory_space<vmem>>
      tpu.enqueue_dma source(%dma_start3A_560 : memref<112x16xf32, #tpu.memory_space<vmem>>) target(%dma_start3A_556 : memref<112x16xf32, #tpu.memory_space<hbm>>) target_semaphore(%run_scoped3A_544 : memref<!tpu.dma_semaphore, #tpu.memory_space<semaphore_mem>>)
      %dma_wait3A_561 = arith.constant 0 : i32
      %dma_wait3A_562 = arith.constant 0 : i32
      %dma_wait3A_563 = tpu.memref_slice %arg6[%run_scoped3A_528, %dma_wait3A_561, %dma_wait3A_562] : memref<21x112x16xf32, #tpu.memory_space<vmem>> -> memref<1x112x16xf32, #tpu.memory_space<vmem>>
      %dma_wait3A_564 = tpu.memref_squeeze %dma_wait3A_563 : memref<1x112x16xf32, #tpu.memory_space<vmem>> -> memref<112x16xf32, #tpu.memory_space<vmem>>
      %dma_wait3A_565 = arith.constant 0 : i32
      %dma_wait3A_566 = arith.constant 0 : i32
      %dma_wait3A_567 = tpu.memref_slice %arg4[%add3A, %run_scoped3A_529, %dma_wait3A_565, %dma_wait3A_566] : memref<32x21x112x16xf32, #tpu.memory_space<hbm>> -> memref<1x1x112x16xf32, #tpu.memory_space<hbm>>
      %dma_wait3A_568 = tpu.memref_squeeze %dma_wait3A_567 : memref<1x1x112x16xf32, #tpu.memory_space<hbm>> -> memref<112x16xf32, #tpu.memory_space<hbm>>
      %dma_wait3A_569 = arith.constant 0 : i32
      %dma_wait3A_570 = arith.constant 0 : i32
      %dma_wait3A_571 = tpu.memref_slice %arg4[%add3A, %run_scoped3A_529, %dma_wait3A_569, %dma_wait3A_570] : memref<32x21x112x16xf32, #tpu.memory_space<hbm>> -> memref<1x1x112x16xf32, #tpu.memory_space<hbm>>
      %dma_wait3A_572 = tpu.memref_squeeze %dma_wait3A_571 : memref<1x1x112x16xf32, #tpu.memory_space<hbm>> -> memref<112x16xf32, #tpu.memory_space<hbm>>
      %dma_wait3A_573 = arith.constant 0 : i32
      %dma_wait3A_574 = arith.constant 0 : i32
      %dma_wait3A_575 = tpu.memref_slice %arg6[%run_scoped3A_528, %dma_wait3A_573, %dma_wait3A_574] : memref<21x112x16xf32, #tpu.memory_space<vmem>> -> memref<1x112x16xf32, #tpu.memory_space<vmem>>
      %dma_wait3A_576 = tpu.memref_squeeze %dma_wait3A_575 : memref<1x112x16xf32, #tpu.memory_space<vmem>> -> memref<112x16xf32, #tpu.memory_space<vmem>>
      tpu.wait_dma2 semaphore(%run_scoped3A_544 : memref<!tpu.dma_semaphore, #tpu.memory_space<semaphore_mem>>) src(%dma_wait3A_576 : memref<112x16xf32, #tpu.memory_space<vmem>>) dst(%dma_wait3A_572 : memref<112x16xf32, #tpu.memory_space<hbm>>)
      tpu.yield
    }) : () -> ()
    %dma_wait3A_530 = arith.constant 20 : i32
    %dma_wait3A_531 = arith.constant 20 : i32
    %dma_wait3A_532 = arith.constant 0 : i32
    %dma_wait3A_533 = arith.constant 0 : i32
    %dma_wait3A_534 = tpu.memref_slice %arg6[%dma_wait3A_531, %dma_wait3A_532, %dma_wait3A_533] : memref<21x112x16xf32, #tpu.memory_space<vmem>> -> memref<1x112x16xf32, #tpu.memory_space<vmem>>
    %dma_wait3A_535 = tpu.memref_squeeze %dma_wait3A_534 : memref<1x112x16xf32, #tpu.memory_space<vmem>> -> memref<112x16xf32, #tpu.memory_space<vmem>>
    %dma_wait3A_536 = arith.constant 0 : i32
    %dma_wait3A_537 = tpu.memref_slice %arg5[%dma_wait3A_530, %dma_wait3A_536] : memref<21x112xi32, #tpu.memory_space<vmem>> -> memref<1x112xi32, #tpu.memory_space<vmem>>
    %dma_wait3A_538 = tpu.memref_squeeze %dma_wait3A_537 : memref<1x112xi32, #tpu.memory_space<vmem>> -> memref<112xi32, #tpu.memory_space<vmem>>
    %dma_wait3A_539 = arith.constant 0 : i32
    %dma_wait3A_540 = arith.constant 0 : i32
    %dma_wait3A_541 = tpu.memref_slice %arg2[%dma_wait3A_539, %dma_wait3A_540] : memref<75264x16xf32, #tpu.memory_space<hbm>> -> memref<75264x16xf32, #tpu.memory_space<hbm>>
    tpu.wait_indirect_dma semaphore(%arg7 : memref<!tpu.dma_semaphore, #tpu.memory_space<semaphore_mem>>) src(%dma_wait3A_541 : memref<75264x16xf32, #tpu.memory_space<hbm>>) dst(%dma_wait3A_535 : memref<112x16xf32, #tpu.memory_space<vmem>>)
    %run_scoped3A_542 = arith.constant 20 : i32
    %run_scoped3A_543 = arith.constant 20 : i32
    "tpu.region"() ({
      %run_scoped3A_544 = tpu.sem_alloc : memref<!tpu.dma_semaphore, #tpu.memory_space<semaphore_mem>>
      %dma_start3A_545 = arith.constant 0 : i32
      %dma_start3A_546 = arith.constant 0 : i32
      %dma_start3A_547 = tpu.memref_slice %arg6[%run_scoped3A_542, %dma_start3A_545, %dma_start3A_546] : memref<21x112x16xf32, #tpu.memory_space<vmem>> -> memref<1x112x16xf32, #tpu.memory_space<vmem>>
      %dma_start3A_548 = tpu.memref_squeeze %dma_start3A_547 : memref<1x112x16xf32, #tpu.memory_space<vmem>> -> memref<112x16xf32, #tpu.memory_space<vmem>>
      %dma_start3A_549 = arith.constant 0 : i32
      %dma_start3A_550 = arith.constant 0 : i32
      %dma_start3A_551 = tpu.memref_slice %arg4[%add3A, %run_scoped3A_543, %dma_start3A_549, %dma_start3A_550] : memref<32x21x112x16xf32, #tpu.memory_space<hbm>> -> memref<1x1x112x16xf32, #tpu.memory_space<hbm>>
      %dma_start3A_552 = tpu.memref_squeeze %dma_start3A_551 : memref<1x1x112x16xf32, #tpu.memory_space<hbm>> -> memref<112x16xf32, #tpu.memory_space<hbm>>
      %dma_start3A_553 = arith.constant 0 : i32
      %dma_start3A_554 = arith.constant 0 : i32
      %dma_start3A_555 = tpu.memref_slice %arg4[%add3A, %run_scoped3A_543, %dma_start3A_553, %dma_start3A_554] : memref<32x21x112x16xf32, #tpu.memory_space<hbm>> -> memref<1x1x112x16xf32, #tpu.memory_space<hbm>>
      %dma_start3A_556 = tpu.memref_squeeze %dma_start3A_555 : memref<1x1x112x16xf32, #tpu.memory_space<hbm>> -> memref<112x16xf32, #tpu.memory_space<hbm>>
      %dma_start3A_557 = arith.constant 0 : i32
      %dma_start3A_558 = arith.constant 0 : i32
      %dma_start3A_559 = tpu.memref_slice %arg6[%run_scoped3A_542, %dma_start3A_557, %dma_start3A_558] : memref<21x112x16xf32, #tpu.memory_space<vmem>> -> memref<1x112x16xf32, #tpu.memory_space<vmem>>
      %dma_start3A_560 = tpu.memref_squeeze %dma_start3A_559 : memref<1x112x16xf32, #tpu.memory_space<vmem>> -> memref<112x16xf32, #tpu.memory_space<vmem>>
      tpu.enqueue_dma source(%dma_start3A_560 : memref<112x16xf32, #tpu.memory_space<vmem>>) target(%dma_start3A_556 : memref<112x16xf32, #tpu.memory_space<hbm>>) target_semaphore(%run_scoped3A_544 : memref<!tpu.dma_semaphore, #tpu.memory_space<semaphore_mem>>)
      %dma_wait3A_561 = arith.constant 0 : i32
      %dma_wait3A_562 = arith.constant 0 : i32
      %dma_wait3A_563 = tpu.memref_slice %arg6[%run_scoped3A_542, %dma_wait3A_561, %dma_wait3A_562] : memref<21x112x16xf32, #tpu.memory_space<vmem>> -> memref<1x112x16xf32, #tpu.memory_space<vmem>>
      %dma_wait3A_564 = tpu.memref_squeeze %dma_wait3A_563 : memref<1x112x16xf32, #tpu.memory_space<vmem>> -> memref<112x16xf32, #tpu.memory_space<vmem>>
      %dma_wait3A_565 = arith.constant 0 : i32
      %dma_wait3A_566 = arith.constant 0 : i32
      %dma_wait3A_567 = tpu.memref_slice %arg4[%add3A, %run_scoped3A_543, %dma_wait3A_565, %dma_wait3A_566] : memref<32x21x112x16xf32, #tpu.memory_space<hbm>> -> memref<1x1x112x16xf32, #tpu.memory_space<hbm>>
      %dma_wait3A_568 = tpu.memref_squeeze %dma_wait3A_567 : memref<1x1x112x16xf32, #tpu.memory_space<hbm>> -> memref<112x16xf32, #tpu.memory_space<hbm>>
      %dma_wait3A_569 = arith.constant 0 : i32
      %dma_wait3A_570 = arith.constant 0 : i32
      %dma_wait3A_571 = tpu.memref_slice %arg4[%add3A, %run_scoped3A_543, %dma_wait3A_569, %dma_wait3A_570] : memref<32x21x112x16xf32, #tpu.memory_space<hbm>> -> memref<1x1x112x16xf32, #tpu.memory_space<hbm>>
      %dma_wait3A_572 = tpu.memref_squeeze %dma_wait3A_571 : memref<1x1x112x16xf32, #tpu.memory_space<hbm>> -> memref<112x16xf32, #tpu.memory_space<hbm>>
      %dma_wait3A_573 = arith.constant 0 : i32
      %dma_wait3A_574 = arith.constant 0 : i32
      %dma_wait3A_575 = tpu.memref_slice %arg6[%run_scoped3A_542, %dma_wait3A_573, %dma_wait3A_574] : memref<21x112x16xf32, #tpu.memory_space<vmem>> -> memref<1x112x16xf32, #tpu.memory_space<vmem>>
      %dma_wait3A_576 = tpu.memref_squeeze %dma_wait3A_575 : memref<1x112x16xf32, #tpu.memory_space<vmem>> -> memref<112x16xf32, #tpu.memory_space<vmem>>
      tpu.wait_dma2 semaphore(%run_scoped3A_544 : memref<!tpu.dma_semaphore, #tpu.memory_space<semaphore_mem>>) src(%dma_wait3A_576 : memref<112x16xf32, #tpu.memory_space<vmem>>) dst(%dma_wait3A_572 : memref<112x16xf32, #tpu.memory_space<hbm>>)
      tpu.yield
    }) : () -> ()
    return
  }
}

module attributes {stable_mosaic.version = 14 : i64} {
  func.func @_embed_kv_body(%arg0: i32, %arg1: memref<392x768xf32, #tpu.memory_space<vmem>>, %arg2: memref<768x768xf32, #tpu.memory_space<vmem>>, %arg3: memref<1x768xf32, #tpu.memory_space<vmem>>, %arg4: memref<1x768xf32, #tpu.memory_space<vmem>>, %arg5: memref<1x768xf32, #tpu.memory_space<vmem>>, %arg6: memref<1536x768xf32, #tpu.memory_space<vmem>>, %arg7: memref<1x1536xf32, #tpu.memory_space<vmem>>, %arg8: memref<392x1536xf32, #tpu.memory_space<vmem>>) attributes {dimension_semantics = [#tpu.dimension_semantics<arbitrary>], iteration_bounds = array<i64: 4>, scalar_prefetch = 0 : i64, scratch_operands = 0 : i64, tpu.core_type = #tpu.core_type<tc>, window_params = [{transform_indices = @transform_0, window_bounds = array<i64: 392, 768>}, {pipeline_mode = #tpu.pipeline_mode<synchronous>, transform_indices = @transform_1, window_bounds = array<i64: 768, 768>}, {pipeline_mode = #tpu.pipeline_mode<synchronous>, transform_indices = @transform_2, window_bounds = array<i64: 1, 768>}, {pipeline_mode = #tpu.pipeline_mode<synchronous>, transform_indices = @transform_3, window_bounds = array<i64: 1, 768>}, {pipeline_mode = #tpu.pipeline_mode<synchronous>, transform_indices = @transform_4, window_bounds = array<i64: 1, 768>}, {pipeline_mode = #tpu.pipeline_mode<synchronous>, transform_indices = @transform_5, window_bounds = array<i64: 1536, 768>}, {pipeline_mode = #tpu.pipeline_mode<synchronous>, transform_indices = @transform_6, window_bounds = array<i64: 1, 1536>}, {transform_indices = @transform_7, window_bounds = array<i64: 392, 1536>}]} {
    %get3A = arith.constant 0 : index
    %get3A_0 = arith.constant 0 : index
    %get3A_1 = vector.load %arg1[%get3A, %get3A_0] : memref<392x768xf32, #tpu.memory_space<vmem>>, vector<392x768xf32>
    %get3A_2 = arith.constant 0 : index
    %get3A_3 = arith.constant 0 : index
    %get3A_4 = vector.load %arg2[%get3A_2, %get3A_3] : memref<768x768xf32, #tpu.memory_space<vmem>>, vector<768x768xf32>
    %dot_general3A = arith.constant dense<0.000000e+00> : vector<392x768xf32>
    %dot_general3A_5 = tpu.matmul %get3A_1, %get3A_4, %dot_general3A {dimension_numbers = #tpu.dot_dimension_numbers<[1], [1], [0], [0], [0, 0, 1, 0], [], []>, transpose_lhs_hint = false} : vector<392x768xf32>, vector<768x768xf32>, vector<392x768xf32> -> vector<392x768xf32>
    %get3A_6 = arith.constant 0 : index
    %get3A_7 = arith.constant 0 : index
    %get3A_8 = vector.load %arg3[%get3A_6, %get3A_7] : memref<1x768xf32, #tpu.memory_space<vmem>>, vector<1x768xf32>
    %add3A = vector.broadcast %get3A_8 : vector<1x768xf32> to vector<392x768xf32>
    %add3A_9 = arith.addf %dot_general3A_5, %add3A : vector<392x768xf32>
    %get3A_10 = arith.constant 0 : index
    %get3A_11 = arith.constant 0 : index
    %get3A_12 = vector.load %arg4[%get3A_10, %get3A_11] : memref<1x768xf32, #tpu.memory_space<vmem>>, vector<1x768xf32>
    %get3A_13 = arith.constant 0 : index
    %get3A_14 = arith.constant 0 : index
    %get3A_15 = vector.load %arg5[%get3A_13, %get3A_14] : memref<1x768xf32, #tpu.memory_space<vmem>>, vector<1x768xf32>
    %reduce_sum3A = arith.constant dense<0.000000e+00> : vector<392xf32>
    %reduce_sum3A_16 = vector.multi_reduction <add>, %add3A_9, %reduce_sum3A [1] : vector<392x768xf32> to vector<392xf32>
    %broadcast_in_dim3A = vector.shape_cast %reduce_sum3A_16 : vector<392xf32> to vector<392x1xf32>
    %div3A = arith.constant 7.680000e+02 : f32
    %div3A_17 = vector.broadcast %div3A : f32 to vector<392x1xf32>
    %div3A_18 = arith.divf %broadcast_in_dim3A, %div3A_17 : vector<392x1xf32>
    %sub3A = vector.broadcast %div3A_18 : vector<392x1xf32> to vector<392x768xf32>
    %sub3A_19 = arith.subf %add3A_9, %sub3A : vector<392x768xf32>
    %integer_pow3A = arith.mulf %sub3A_19, %sub3A_19 : vector<392x768xf32>
    %reduce_sum3A_20 = arith.constant dense<0.000000e+00> : vector<392xf32>
    %reduce_sum3A_21 = vector.multi_reduction <add>, %integer_pow3A, %reduce_sum3A_20 [1] : vector<392x768xf32> to vector<392xf32>
    %broadcast_in_dim3A_22 = vector.shape_cast %reduce_sum3A_21 : vector<392xf32> to vector<392x1xf32>
    %div3A_23 = arith.constant 7.680000e+02 : f32
    %div3A_24 = vector.broadcast %div3A_23 : f32 to vector<392x1xf32>
    %div3A_25 = arith.divf %broadcast_in_dim3A_22, %div3A_24 : vector<392x1xf32>
    %sub3A_26 = vector.broadcast %div3A_18 : vector<392x1xf32> to vector<392x768xf32>
    %sub3A_27 = arith.subf %add3A_9, %sub3A_26 : vector<392x768xf32>
    %add3A_28 = arith.constant 9.99999974E-6 : f32
    %add3A_29 = vector.broadcast %add3A_28 : f32 to vector<392x1xf32>
    %add3A_30 = arith.addf %div3A_25, %add3A_29 : vector<392x1xf32>
    %sqrt3A = math.sqrt %add3A_30 : vector<392x1xf32>
    %div3A_31 = vector.broadcast %sqrt3A : vector<392x1xf32> to vector<392x768xf32>
    %div3A_32 = arith.divf %sub3A_27, %div3A_31 : vector<392x768xf32>
    %mul3A = vector.broadcast %get3A_12 : vector<1x768xf32> to vector<392x768xf32>
    %mul3A_33 = arith.mulf %div3A_32, %mul3A : vector<392x768xf32>
    %add3A_34 = vector.broadcast %get3A_15 : vector<1x768xf32> to vector<392x768xf32>
    %add3A_35 = arith.addf %mul3A_33, %add3A_34 : vector<392x768xf32>
    %get3A_36 = arith.constant 0 : index
    %get3A_37 = arith.constant 0 : index
    %get3A_38 = vector.load %arg6[%get3A_36, %get3A_37] : memref<1536x768xf32, #tpu.memory_space<vmem>>, vector<1536x768xf32>
    %dot_general3A_39 = arith.constant dense<0.000000e+00> : vector<392x1536xf32>
    %dot_general3A_40 = tpu.matmul %add3A_35, %get3A_38, %dot_general3A_39 {dimension_numbers = #tpu.dot_dimension_numbers<[1], [1], [0], [0], [0, 0, 1, 0], [], []>, transpose_lhs_hint = false} : vector<392x768xf32>, vector<1536x768xf32>, vector<392x1536xf32> -> vector<392x1536xf32>
    %get3A_41 = arith.constant 0 : index
    %get3A_42 = arith.constant 0 : index
    %get3A_43 = vector.load %arg7[%get3A_41, %get3A_42] : memref<1x1536xf32, #tpu.memory_space<vmem>>, vector<1x1536xf32>
    %add3A_44 = vector.broadcast %get3A_43 : vector<1x1536xf32> to vector<392x1536xf32>
    %add3A_45 = arith.addf %dot_general3A_40, %add3A_44 : vector<392x1536xf32>
    %swap3A = arith.constant 0 : index
    %swap3A_46 = arith.constant 0 : index
    %swap3A_47 = vector.load %arg8[%swap3A, %swap3A_46] : memref<392x1536xf32, #tpu.memory_space<vmem>>, vector<392x1536xf32>
    tpu.vector_store %arg8[%swap3A, %swap3A_46], %add3A_45 {strides = array<i32>} : memref<392x1536xf32, #tpu.memory_space<vmem>>, vector<392x1536xf32>,
    return
  }
  func.func @transform_0(%arg0: i32) -> (i32, i32) {
    %c0_i32 = arith.constant 0 : i32
    %c0_i32_0 = arith.constant 0 : i32
    return %arg0, %c0_i32 : i32, i32
  }
  func.func @transform_1(%arg0: i32) -> (i32, i32) {
    %c0_i32 = arith.constant 0 : i32
    %c0_i32_0 = arith.constant 0 : i32
    %c0_i32_1 = arith.constant 0 : i32
    return %c0_i32, %c0_i32_0 : i32, i32
  }
  func.func @transform_2(%arg0: i32) -> (i32, i32) {
    %c0_i32 = arith.constant 0 : i32
    %c0_i32_0 = arith.constant 0 : i32
    %c0_i32_1 = arith.constant 0 : i32
    return %c0_i32, %c0_i32_0 : i32, i32
  }
  func.func @transform_3(%arg0: i32) -> (i32, i32) {
    %c0_i32 = arith.constant 0 : i32
    %c0_i32_0 = arith.constant 0 : i32
    %c0_i32_1 = arith.constant 0 : i32
    return %c0_i32, %c0_i32_0 : i32, i32
  }
  func.func @transform_4(%arg0: i32) -> (i32, i32) {
    %c0_i32 = arith.constant 0 : i32
    %c0_i32_0 = arith.constant 0 : i32
    %c0_i32_1 = arith.constant 0 : i32
    return %c0_i32, %c0_i32_0 : i32, i32
  }
  func.func @transform_5(%arg0: i32) -> (i32, i32) {
    %c0_i32 = arith.constant 0 : i32
    %c0_i32_0 = arith.constant 0 : i32
    %c0_i32_1 = arith.constant 0 : i32
    return %c0_i32, %c0_i32_0 : i32, i32
  }
  func.func @transform_6(%arg0: i32) -> (i32, i32) {
    %c0_i32 = arith.constant 0 : i32
    %c0_i32_0 = arith.constant 0 : i32
    %c0_i32_1 = arith.constant 0 : i32
    return %c0_i32, %c0_i32_0 : i32, i32
  }
  func.func @transform_7(%arg0: i32) -> (i32, i32) {
    %c0_i32 = arith.constant 0 : i32
    %c0_i32_0 = arith.constant 0 : i32
    return %arg0, %c0_i32 : i32, i32
  }
}

module attributes {stable_mosaic.version = 14 : i64} {
  func.func @_cls_block_body(%arg0: memref<1x768xf32, #tpu.memory_space<vmem>>, %arg1: memref<1x768xf32, #tpu.memory_space<vmem>>, %arg2: memref<1x768xf32, #tpu.memory_space<vmem>>, %arg3: memref<2304x768xf32, #tpu.memory_space<vmem>>, %arg4: memref<1x2304xf32, #tpu.memory_space<vmem>>, %arg5: memref<8x196x1536xf32, #tpu.memory_space<vmem>>, %arg6: memref<768x768xf32, #tpu.memory_space<vmem>>, %arg7: memref<1x768xf32, #tpu.memory_space<vmem>>, %arg8: memref<1x768xf32, #tpu.memory_space<vmem>>, %arg9: memref<1x768xf32, #tpu.memory_space<vmem>>, %arg10: memref<8x768xf32, #tpu.memory_space<vmem>>, %arg11: memref<1x8xf32, #tpu.memory_space<vmem>>, %arg12: memref<8x768xf32, #tpu.memory_space<vmem>>, %arg13: memref<8x768xf32, #tpu.memory_space<vmem>>, %arg14: memref<8x8xf32, #tpu.memory_space<vmem>>) attributes {dimension_semantics = [], scalar_prefetch = 0 : i64, scratch_operands = 0 : i64, tpu.core_type = #tpu.core_type<tc>} {
    %get3A = arith.constant 0 : index
    %get3A_0 = arith.constant 0 : index
    %get3A_1 = vector.load %arg0[%get3A, %get3A_0] : memref<1x768xf32, #tpu.memory_space<vmem>>, vector<1x768xf32>
    %get3A_2 = arith.constant 0 : index
    %get3A_3 = arith.constant 0 : index
    %get3A_4 = vector.load %arg1[%get3A_2, %get3A_3] : memref<1x768xf32, #tpu.memory_space<vmem>>, vector<1x768xf32>
    %get3A_5 = arith.constant 0 : index
    %get3A_6 = arith.constant 0 : index
    %get3A_7 = vector.load %arg2[%get3A_5, %get3A_6] : memref<1x768xf32, #tpu.memory_space<vmem>>, vector<1x768xf32>
    %reduce_sum3A = arith.constant dense<0.000000e+00> : vector<1xf32>
    %reduce_sum3A_8 = vector.multi_reduction <add>, %get3A_1, %reduce_sum3A [1] : vector<1x768xf32> to vector<1xf32>
    %broadcast_in_dim3A = vector.shape_cast %reduce_sum3A_8 : vector<1xf32> to vector<1x1xf32>
    %div3A = arith.constant 7.680000e+02 : f32
    %div3A_9 = vector.broadcast %div3A : f32 to vector<1x1xf32>
    %div3A_10 = arith.divf %broadcast_in_dim3A, %div3A_9 : vector<1x1xf32>
    %sub3A = vector.broadcast %div3A_10 : vector<1x1xf32> to vector<1x768xf32>
    %sub3A_11 = arith.subf %get3A_1, %sub3A : vector<1x768xf32>
    %integer_pow3A = arith.mulf %sub3A_11, %sub3A_11 : vector<1x768xf32>
    %reduce_sum3A_12 = arith.constant dense<0.000000e+00> : vector<1xf32>
    %reduce_sum3A_13 = vector.multi_reduction <add>, %integer_pow3A, %reduce_sum3A_12 [1] : vector<1x768xf32> to vector<1xf32>
    %broadcast_in_dim3A_14 = vector.shape_cast %reduce_sum3A_13 : vector<1xf32> to vector<1x1xf32>
    %div3A_15 = arith.constant 7.680000e+02 : f32
    %div3A_16 = vector.broadcast %div3A_15 : f32 to vector<1x1xf32>
    %div3A_17 = arith.divf %broadcast_in_dim3A_14, %div3A_16 : vector<1x1xf32>
    %sub3A_18 = vector.broadcast %div3A_10 : vector<1x1xf32> to vector<1x768xf32>
    %sub3A_19 = arith.subf %get3A_1, %sub3A_18 : vector<1x768xf32>
    %add3A = arith.constant 9.99999974E-6 : f32
    %add3A_20 = vector.broadcast %add3A : f32 to vector<1x1xf32>
    %add3A_21 = arith.addf %div3A_17, %add3A_20 : vector<1x1xf32>
    %sqrt3A = math.sqrt %add3A_21 : vector<1x1xf32>
    %div3A_22 = vector.broadcast %sqrt3A : vector<1x1xf32> to vector<1x768xf32>
    %div3A_23 = arith.divf %sub3A_19, %div3A_22 : vector<1x768xf32>
    %mul3A = arith.mulf %div3A_23, %get3A_4 : vector<1x768xf32>
    %add3A_24 = arith.addf %mul3A, %get3A_7 : vector<1x768xf32>
    %get3A_25 = arith.constant 0 : index
    %get3A_26 = arith.constant 0 : index
    %get3A_27 = vector.load %arg3[%get3A_25, %get3A_26] : memref<2304x768xf32, #tpu.memory_space<vmem>>, vector<2304x768xf32>
    %dot_general3A = arith.constant dense<0.000000e+00> : vector<1x2304xf32>
    %dot_general3A_28 = tpu.matmul %add3A_24, %get3A_27, %dot_general3A {dimension_numbers = #tpu.dot_dimension_numbers<[1], [1], [0], [0], [0, 0, 1, 0], [], []>, transpose_lhs_hint = false} : vector<1x768xf32>, vector<2304x768xf32>, vector<1x2304xf32> -> vector<1x2304xf32>
    %get3A_29 = arith.constant 0 : index
    %get3A_30 = arith.constant 0 : index
    %get3A_31 = vector.load %arg4[%get3A_29, %get3A_30] : memref<1x2304xf32, #tpu.memory_space<vmem>>, vector<1x2304xf32>
    %add3A_32 = arith.addf %dot_general3A_28, %get3A_31 : vector<1x2304xf32>
    %slice3A = vector.extract_strided_slice %add3A_32 {offsets = [0, 0], sizes = [1, 768], strides = [1, 1]} : vector<1x2304xf32> to vector<1x768xf32>
    %slice3A_33 = vector.extract_strided_slice %add3A_32 {offsets = [0, 768], sizes = [1, 768], strides = [1, 1]} : vector<1x2304xf32> to vector<1x768xf32>
    %slice3A_34 = vector.extract_strided_slice %add3A_32 {offsets = [0, 1536], sizes = [1, 768], strides = [1, 1]} : vector<1x2304xf32> to vector<1x768xf32>
    %iota3A = tpu.iota {dimensions = array<i32: 0>} : vector<768x8xi32>
    %jit3A = arith.constant 96 : i32
    %div3A_35 = vector.broadcast %jit3A : i32 to vector<768x8xi32>
    %div3A_36 = arith.divsi %iota3A, %div3A_35 : vector<768x8xi32>
    %sign3A = arith.constant 0 : i32
    %sign3A_37 = vector.broadcast %sign3A : i32 to vector<768x8xi32>
    %sign3A_38 = arith.cmpi sgt, %iota3A, %sign3A_37 : vector<768x8xi32>
    %sign3A_39 = arith.extui %sign3A_38 : vector<768x8xi1> to vector<768x8xi32>
    %sign3A_40 = arith.constant 0 : i32
    %sign3A_41 = vector.broadcast %sign3A_40 : i32 to vector<768x8xi32>
    %sign3A_42 = arith.cmpi slt, %iota3A, %sign3A_41 : vector<768x8xi32>
    %sign3A_43 = arith.extui %sign3A_42 : vector<768x8xi1> to vector<768x8xi32>
    %sign3A_44 = arith.subi %sign3A_39, %sign3A_43 : vector<768x8xi32>
    %sign3A_45 = arith.constant 0 : i32
    %sign3A_46 = arith.cmpi sgt, %jit3A, %sign3A_45 : i32
    %sign3A_47 = arith.extui %sign3A_46 : i1 to i32
    %sign3A_48 = arith.constant 0 : i32
    %sign3A_49 = arith.cmpi slt, %jit3A, %sign3A_48 : i32
    %sign3A_50 = arith.extui %sign3A_49 : i1 to i32
    %sign3A_51 = arith.subi %sign3A_47, %sign3A_50 : i32
    %ne3A = vector.broadcast %sign3A_51 : i32 to vector<768x8xi32>
    %ne3A_52 = arith.cmpi ne, %sign3A_44, %ne3A : vector<768x8xi32>
    %rem3A = vector.broadcast %jit3A : i32 to vector<768x8xi32>
    %rem3A_53 = arith.remsi %iota3A, %rem3A : vector<768x8xi32>
    %ne3A_54 = arith.constant 0 : i32
    %ne3A_55 = vector.broadcast %ne3A_54 : i32 to vector<768x8xi32>
    %ne3A_56 = arith.cmpi ne, %rem3A_53, %ne3A_55 : vector<768x8xi32>
    %and3A = arith.andi %ne3A_52, %ne3A_56 : vector<768x8xi1>
    %sub3A_57 = arith.constant 1 : i32
    %sub3A_58 = vector.broadcast %sub3A_57 : i32 to vector<768x8xi32>
    %sub3A_59 = arith.subi %div3A_36, %sub3A_58 : vector<768x8xi32>
    %select_n3A = arith.select %and3A, %sub3A_59, %div3A_36 : vector<768x8xi1>, vector<768x8xi32>
    %iota3A_60 = tpu.iota {dimensions = array<i32: 1>} : vector<768x8xi32>
    %eq3A = arith.cmpi eq, %select_n3A, %iota3A_60 : vector<768x8xi32>
    %convert_element_type3A = arith.extui %eq3A : vector<768x8xi1> to vector<768x8xi32>
    %convert_element_type3A_61 = arith.sitofp %convert_element_type3A : vector<768x8xi32> to vector<768x8xf32>
    %convert_element_type3A_62 = arith.truncf %convert_element_type3A_61 : vector<768x8xf32> to vector<768x8xbf16>
    %iota3A_63 = tpu.iota {dimensions = array<i32: 1>} : vector<8x768xi32>
    %jit3A_64 = arith.constant 96 : i32
    %div3A_65 = vector.broadcast %jit3A_64 : i32 to vector<8x768xi32>
    %div3A_66 = arith.divsi %iota3A_63, %div3A_65 : vector<8x768xi32>
    %sign3A_67 = arith.constant 0 : i32
    %sign3A_68 = vector.broadcast %sign3A_67 : i32 to vector<8x768xi32>
    %sign3A_69 = arith.cmpi sgt, %iota3A_63, %sign3A_68 : vector<8x768xi32>
    %sign3A_70 = arith.extui %sign3A_69 : vector<8x768xi1> to vector<8x768xi32>
    %sign3A_71 = arith.constant 0 : i32
    %sign3A_72 = vector.broadcast %sign3A_71 : i32 to vector<8x768xi32>
    %sign3A_73 = arith.cmpi slt, %iota3A_63, %sign3A_72 : vector<8x768xi32>
    %sign3A_74 = arith.extui %sign3A_73 : vector<8x768xi1> to vector<8x768xi32>
    %sign3A_75 = arith.subi %sign3A_70, %sign3A_74 : vector<8x768xi32>
    %sign3A_76 = arith.constant 0 : i32
    %sign3A_77 = arith.cmpi sgt, %jit3A_64, %sign3A_76 : i32
    %sign3A_78 = arith.extui %sign3A_77 : i1 to i32
    %sign3A_79 = arith.constant 0 : i32
    %sign3A_80 = arith.cmpi slt, %jit3A_64, %sign3A_79 : i32
    %sign3A_81 = arith.extui %sign3A_80 : i1 to i32
    %sign3A_82 = arith.subi %sign3A_78, %sign3A_81 : i32
    %ne3A_83 = vector.broadcast %sign3A_82 : i32 to vector<8x768xi32>
    %ne3A_84 = arith.cmpi ne, %sign3A_75, %ne3A_83 : vector<8x768xi32>
    %rem3A_85 = vector.broadcast %jit3A_64 : i32 to vector<8x768xi32>
    %rem3A_86 = arith.remsi %iota3A_63, %rem3A_85 : vector<8x768xi32>
    %ne3A_87 = arith.constant 0 : i32
    %ne3A_88 = vector.broadcast %ne3A_87 : i32 to vector<8x768xi32>
    %ne3A_89 = arith.cmpi ne, %rem3A_86, %ne3A_88 : vector<8x768xi32>
    %and3A_90 = arith.andi %ne3A_84, %ne3A_89 : vector<8x768xi1>
    %sub3A_91 = arith.constant 1 : i32
    %sub3A_92 = vector.broadcast %sub3A_91 : i32 to vector<8x768xi32>
    %sub3A_93 = arith.subi %div3A_66, %sub3A_92 : vector<8x768xi32>
    %select_n3A_94 = arith.select %and3A_90, %sub3A_93, %div3A_66 : vector<8x768xi1>, vector<8x768xi32>
    %iota3A_95 = tpu.iota {dimensions = array<i32: 0>} : vector<8x768xi32>
    %eq3A_96 = arith.cmpi eq, %select_n3A_94, %iota3A_95 : vector<8x768xi32>
    %convert_element_type3A_97 = arith.extui %eq3A_96 : vector<8x768xi1> to vector<8x768xi32>
    %convert_element_type3A_98 = arith.sitofp %convert_element_type3A_97 : vector<8x768xi32> to vector<8x768xf32>
    %convert_element_type3A_99 = arith.truncf %convert_element_type3A_98 : vector<8x768xf32> to vector<8x768xbf16>
    %sqrt3A_100 = arith.constant 9.600000e+01 : f32
    %sqrt3A_101 = math.sqrt %sqrt3A_100 : f32
    %get3A_102 = arith.constant 0 : index
    %get3A_103 = arith.constant 0 : index
    %get3A_104 = arith.constant 0 : index
    %get3A_105 = vector.load %arg5[%get3A_102, %get3A_103, %get3A_104] : memref<8x196x1536xf32, #tpu.memory_space<vmem>>, vector<8x196x1536xf32>
    %reshape3A = vector.shape_cast %get3A_105 : vector<8x196x1536xf32> to vector<1568x1536xf32>
    %convert_element_type3A_106 = arith.truncf %slice3A : vector<1x768xf32> to vector<1x768xbf16>
    %convert_element_type3A_107 = arith.extf %convert_element_type3A_106 : vector<1x768xbf16> to vector<1x768xf32>
    %convert_element_type3A_108 = arith.truncf %slice3A_33 : vector<1x768xf32> to vector<1x768xbf16>
    %convert_element_type3A_109 = arith.extf %convert_element_type3A_108 : vector<1x768xbf16> to vector<1x768xf32>
    %mul3A_110 = arith.mulf %convert_element_type3A_109, %convert_element_type3A_107 : vector<1x768xf32>
    %convert_element_type3A_111 = arith.truncf %mul3A_110 : vector<1x768xf32> to vector<1x768xbf16>
    %convert_element_type3A_112 = arith.extf %convert_element_type3A_111 : vector<1x768xbf16> to vector<1x768xf32>
    %sub3A_113 = arith.subf %mul3A_110, %convert_element_type3A_112 : vector<1x768xf32>
    %convert_element_type3A_114 = arith.truncf %sub3A_113 : vector<1x768xf32> to vector<1x768xbf16>
    %dot_general3A_115 = arith.constant dense<0.000000e+00> : vector<1x8xf32>
    %dot_general3A_116 = tpu.matmul %convert_element_type3A_111, %convert_element_type3A_62, %dot_general3A_115 {dimension_numbers = #tpu.dot_dimension_numbers<[1], [0], [0], [1], [0, 0, 1, 1], [], []>, transpose_lhs_hint = false} : vector<1x768xbf16>, vector<768x8xbf16>, vector<1x8xf32> -> vector<1x8xf32>
    %dot_general3A_117 = arith.constant dense<0.000000e+00> : vector<1x8xf32>
    %dot_general3A_118 = tpu.matmul %convert_element_type3A_114, %convert_element_type3A_62, %dot_general3A_117 {dimension_numbers = #tpu.dot_dimension_numbers<[1], [0], [0], [1], [0, 0, 1, 1], [], []>, transpose_lhs_hint = false} : vector<1x768xbf16>, vector<768x8xbf16>, vector<1x8xf32> -> vector<1x8xf32>
    %add3A_119 = arith.addf %dot_general3A_116, %dot_general3A_118 : vector<1x8xf32>
    %div3A_120 = vector.broadcast %sqrt3A_101 : f32 to vector<1x8xf32>
    %div3A_121 = arith.divf %add3A_119, %div3A_120 : vector<1x8xf32>
    %slice3A_122 = vector.extract_strided_slice %reshape3A {offsets = [0, 0], sizes = [1568, 768], strides = [1, 1]} : vector<1568x1536xf32> to vector<1568x768xf32>
    %convert_element_type3A_123 = arith.truncf %slice3A_122 : vector<1568x768xf32> to vector<1568x768xbf16>
    %convert_element_type3A_124 = arith.extf %convert_element_type3A_123 : vector<1568x768xbf16> to vector<1568x768xf32>
    %mul3A_125 = vector.broadcast %convert_element_type3A_107 : vector<1x768xf32> to vector<1568x768xf32>
    %mul3A_126 = arith.mulf %convert_element_type3A_124, %mul3A_125 : vector<1568x768xf32>
    %convert_element_type3A_127 = arith.truncf %mul3A_126 : vector<1568x768xf32> to vector<1568x768xbf16>
    %convert_element_type3A_128 = arith.extf %convert_element_type3A_127 : vector<1568x768xbf16> to vector<1568x768xf32>
    %sub3A_129 = arith.subf %mul3A_126, %convert_element_type3A_128 : vector<1568x768xf32>
    %convert_element_type3A_130 = arith.truncf %sub3A_129 : vector<1568x768xf32> to vector<1568x768xbf16>
    %dot_general3A_131 = arith.constant dense<0.000000e+00> : vector<1568x8xf32>
    %dot_general3A_132 = tpu.matmul %convert_element_type3A_127, %convert_element_type3A_62, %dot_general3A_131 {dimension_numbers = #tpu.dot_dimension_numbers<[1], [0], [0], [1], [0, 0, 1, 1], [], []>, transpose_lhs_hint = false} : vector<1568x768xbf16>, vector<768x8xbf16>, vector<1568x8xf32> -> vector<1568x8xf32>
    %dot_general3A_133 = arith.constant dense<0.000000e+00> : vector<1568x8xf32>
    %dot_general3A_134 = tpu.matmul %convert_element_type3A_130, %convert_element_type3A_62, %dot_general3A_133 {dimension_numbers = #tpu.dot_dimension_numbers<[1], [0], [0], [1], [0, 0, 1, 1], [], []>, transpose_lhs_hint = false} : vector<1568x768xbf16>, vector<768x8xbf16>, vector<1568x8xf32> -> vector<1568x8xf32>
    %add3A_135 = arith.addf %dot_general3A_132, %dot_general3A_134 : vector<1568x8xf32>
    %div3A_136 = vector.broadcast %sqrt3A_101 : f32 to vector<1568x8xf32>
    %div3A_137 = arith.divf %add3A_135, %div3A_136 : vector<1568x8xf32>
    %reshape3A_138 = vector.shape_cast %div3A_137 : vector<1568x8xf32> to vector<8x196x8xf32>
    %reduce_max3A = arith.constant dense<0xFF800000> : vector<8x8xf32>
    %reduce_max3A_139 = vector.multi_reduction <maximumf>, %reshape3A_138, %reduce_max3A [1] : vector<8x196x8xf32> to vector<8x8xf32>
    %max3A = vector.broadcast %div3A_121 : vector<1x8xf32> to vector<8x8xf32>
    %max3A_140 = arith.maximumf %reduce_max3A_139, %max3A : vector<8x8xf32>
    %broadcast_in_dim3A_141 = vector.shape_cast %max3A_140 : vector<8x8xf32> to vector<8x1x8xf32>
    %sub3A_142 = vector.broadcast %broadcast_in_dim3A_141 : vector<8x1x8xf32> to vector<8x196x8xf32>
    %sub3A_143 = arith.subf %reshape3A_138, %sub3A_142 : vector<8x196x8xf32>
    %exp3A = math.exp %sub3A_143 : vector<8x196x8xf32>
    %sub3A_144 = vector.broadcast %div3A_121 : vector<1x8xf32> to vector<8x8xf32>
    %sub3A_145 = arith.subf %sub3A_144, %max3A_140 : vector<8x8xf32>
    %exp3A_146 = math.exp %sub3A_145 : vector<8x8xf32>
    %reduce_sum3A_147 = arith.constant dense<0.000000e+00> : vector<8x8xf32>
    %reduce_sum3A_148 = vector.multi_reduction <add>, %exp3A, %reduce_sum3A_147 [1] : vector<8x196x8xf32> to vector<8x8xf32>
    %add3A_149 = arith.addf %reduce_sum3A_148, %exp3A_146 : vector<8x8xf32>
    %broadcast_in_dim3A_150 = vector.shape_cast %add3A_149 : vector<8x8xf32> to vector<8x1x8xf32>
    %div3A_151 = vector.broadcast %broadcast_in_dim3A_150 : vector<8x1x8xf32> to vector<8x196x8xf32>
    %div3A_152 = arith.divf %exp3A, %div3A_151 : vector<8x196x8xf32>
    %div3A_153 = arith.divf %exp3A_146, %add3A_149 : vector<8x8xf32>
    %reshape3A_154 = vector.shape_cast %div3A_152 : vector<8x196x8xf32> to vector<1568x8xf32>
    %convert_element_type3A_155 = arith.truncf %reshape3A_154 : vector<1568x8xf32> to vector<1568x8xbf16>
    %dot_general3A_156 = arith.constant dense<0.000000e+00> : vector<1568x768xf32>
    %dot_general3A_157 = tpu.matmul %convert_element_type3A_155, %convert_element_type3A_99, %dot_general3A_156 {dimension_numbers = #tpu.dot_dimension_numbers<[1], [0], [0], [1], [0, 0, 1, 1], [], []>, transpose_lhs_hint = false} : vector<1568x8xbf16>, vector<8x768xbf16>, vector<1568x768xf32> -> vector<1568x768xf32>
    %slice3A_158 = vector.extract_strided_slice %reshape3A {offsets = [0, 768], sizes = [1568, 768], strides = [1, 1]} : vector<1568x1536xf32> to vector<1568x768xf32>
    %convert_element_type3A_159 = arith.truncf %slice3A_158 : vector<1568x768xf32> to vector<1568x768xbf16>
    %convert_element_type3A_160 = arith.extf %convert_element_type3A_159 : vector<1568x768xbf16> to vector<1568x768xf32>
    %mul3A_161 = arith.mulf %dot_general3A_157, %convert_element_type3A_160 : vector<1568x768xf32>
    %reshape3A_162 = vector.shape_cast %mul3A_161 : vector<1568x768xf32> to vector<8x196x768xf32>
    %reduce_sum3A_163 = arith.constant dense<0.000000e+00> : vector<8x768xf32>
    %reduce_sum3A_164 = vector.multi_reduction <add>, %reshape3A_162, %reduce_sum3A_163 [1] : vector<8x196x768xf32> to vector<8x768xf32>
    %convert_element_type3A_165 = arith.truncf %div3A_153 : vector<8x8xf32> to vector<8x8xbf16>
    %dot_general3A_166 = arith.constant dense<0.000000e+00> : vector<8x768xf32>
    %dot_general3A_167 = tpu.matmul %convert_element_type3A_165, %convert_element_type3A_99, %dot_general3A_166 {dimension_numbers = #tpu.dot_dimension_numbers<[1], [0], [0], [1], [0, 0, 1, 1], [], []>, transpose_lhs_hint = false} : vector<8x8xbf16>, vector<8x768xbf16>, vector<8x768xf32> -> vector<8x768xf32>
    %convert_element_type3A_168 = arith.truncf %slice3A_34 : vector<1x768xf32> to vector<1x768xbf16>
    %convert_element_type3A_169 = arith.extf %convert_element_type3A_168 : vector<1x768xbf16> to vector<1x768xf32>
    %mul3A_170 = vector.broadcast %convert_element_type3A_169 : vector<1x768xf32> to vector<8x768xf32>
    %mul3A_171 = arith.mulf %dot_general3A_167, %mul3A_170 : vector<8x768xf32>
    %add3A_172 = arith.addf %reduce_sum3A_164, %mul3A_171 : vector<8x768xf32>
    %get3A_173 = arith.constant 0 : index
    %get3A_174 = arith.constant 0 : index
    %get3A_175 = vector.load %arg6[%get3A_173, %get3A_174] : memref<768x768xf32, #tpu.memory_space<vmem>>, vector<768x768xf32>
    %dot_general3A_176 = arith.constant dense<0.000000e+00> : vector<8x768xf32>
    %dot_general3A_177 = tpu.matmul %add3A_172, %get3A_175, %dot_general3A_176 {dimension_numbers = #tpu.dot_dimension_numbers<[1], [1], [0], [0], [0, 0, 1, 0], [], []>, transpose_lhs_hint = false} : vector<8x768xf32>, vector<768x768xf32>, vector<8x768xf32> -> vector<8x768xf32>
    %add3A_178 = vector.broadcast %get3A_1 : vector<1x768xf32> to vector<8x768xf32>
    %add3A_179 = arith.addf %add3A_178, %dot_general3A_177 : vector<8x768xf32>
    %get3A_180 = arith.constant 0 : index
    %get3A_181 = arith.constant 0 : index
    %get3A_182 = vector.load %arg7[%get3A_180, %get3A_181] : memref<1x768xf32, #tpu.memory_space<vmem>>, vector<1x768xf32>
    %add3A_183 = vector.broadcast %get3A_182 : vector<1x768xf32> to vector<8x768xf32>
    %add3A_184 = arith.addf %add3A_179, %add3A_183 : vector<8x768xf32>
    %get3A_185 = arith.constant 0 : index
    %get3A_186 = arith.constant 0 : index
    %get3A_187 = vector.load %arg8[%get3A_185, %get3A_186] : memref<1x768xf32, #tpu.memory_space<vmem>>, vector<1x768xf32>
    %get3A_188 = arith.constant 0 : index
    %get3A_189 = arith.constant 0 : index
    %get3A_190 = vector.load %arg9[%get3A_188, %get3A_189] : memref<1x768xf32, #tpu.memory_space<vmem>>, vector<1x768xf32>
    %reduce_sum3A_191 = arith.constant dense<0.000000e+00> : vector<8xf32>
    %reduce_sum3A_192 = vector.multi_reduction <add>, %add3A_184, %reduce_sum3A_191 [1] : vector<8x768xf32> to vector<8xf32>
    %broadcast_in_dim3A_193 = vector.shape_cast %reduce_sum3A_192 : vector<8xf32> to vector<8x1xf32>
    %div3A_194 = arith.constant 7.680000e+02 : f32
    %div3A_195 = vector.broadcast %div3A_194 : f32 to vector<8x1xf32>
    %div3A_196 = arith.divf %broadcast_in_dim3A_193, %div3A_195 : vector<8x1xf32>
    %sub3A_197 = vector.broadcast %div3A_196 : vector<8x1xf32> to vector<8x768xf32>
    %sub3A_198 = arith.subf %add3A_184, %sub3A_197 : vector<8x768xf32>
    %integer_pow3A_199 = arith.mulf %sub3A_198, %sub3A_198 : vector<8x768xf32>
    %reduce_sum3A_200 = arith.constant dense<0.000000e+00> : vector<8xf32>
    %reduce_sum3A_201 = vector.multi_reduction <add>, %integer_pow3A_199, %reduce_sum3A_200 [1] : vector<8x768xf32> to vector<8xf32>
    %broadcast_in_dim3A_202 = vector.shape_cast %reduce_sum3A_201 : vector<8xf32> to vector<8x1xf32>
    %div3A_203 = arith.constant 7.680000e+02 : f32
    %div3A_204 = vector.broadcast %div3A_203 : f32 to vector<8x1xf32>
    %div3A_205 = arith.divf %broadcast_in_dim3A_202, %div3A_204 : vector<8x1xf32>
    %sub3A_206 = vector.broadcast %div3A_196 : vector<8x1xf32> to vector<8x768xf32>
    %sub3A_207 = arith.subf %add3A_184, %sub3A_206 : vector<8x768xf32>
    %add3A_208 = arith.constant 9.99999974E-6 : f32
    %add3A_209 = vector.broadcast %add3A_208 : f32 to vector<8x1xf32>
    %add3A_210 = arith.addf %div3A_205, %add3A_209 : vector<8x1xf32>
    %sqrt3A_211 = math.sqrt %add3A_210 : vector<8x1xf32>
    %div3A_212 = vector.broadcast %sqrt3A_211 : vector<8x1xf32> to vector<8x768xf32>
    %div3A_213 = arith.divf %sub3A_207, %div3A_212 : vector<8x768xf32>
    %mul3A_214 = vector.broadcast %get3A_187 : vector<1x768xf32> to vector<8x768xf32>
    %mul3A_215 = arith.mulf %div3A_213, %mul3A_214 : vector<8x768xf32>
    %add3A_216 = vector.broadcast %get3A_190 : vector<1x768xf32> to vector<8x768xf32>
    %add3A_217 = arith.addf %mul3A_215, %add3A_216 : vector<8x768xf32>
    %get3A_218 = arith.constant 0 : index
    %get3A_219 = arith.constant 0 : index
    %get3A_220 = vector.load %arg10[%get3A_218, %get3A_219] : memref<8x768xf32, #tpu.memory_space<vmem>>, vector<8x768xf32>
    %dot_general3A_221 = arith.constant dense<0.000000e+00> : vector<8x8xf32>
    %dot_general3A_222 = tpu.matmul %add3A_217, %get3A_220, %dot_general3A_221 {dimension_numbers = #tpu.dot_dimension_numbers<[1], [1], [0], [0], [0, 0, 1, 0], [], []>, transpose_lhs_hint = false} : vector<8x768xf32>, vector<8x768xf32>, vector<8x8xf32> -> vector<8x8xf32>
    %get3A_223 = arith.constant 0 : index
    %get3A_224 = arith.constant 0 : index
    %get3A_225 = vector.load %arg11[%get3A_223, %get3A_224] : memref<1x8xf32, #tpu.memory_space<vmem>>, vector<1x8xf32>
    %add3A_226 = vector.broadcast %get3A_225 : vector<1x8xf32> to vector<8x8xf32>
    %add3A_227 = arith.addf %dot_general3A_222, %add3A_226 : vector<8x8xf32>
    %iota3A_228 = tpu.iota {dimensions = array<i32: 1>} : vector<8x8xi32>
    %broadcast_in_dim3A_229 = arith.constant 0.000000e+00 : f32
    %broadcast_in_dim3A_230 = vector.broadcast %broadcast_in_dim3A_229 : f32 to vector<8x8xf32>
    %slice3A_231 = vector.extract_strided_slice %add3A_227 {offsets = [0, 0], sizes = [8, 1], strides = [1, 1]} : vector<8x8xf32> to vector<8x1xf32>
    %gt3A = vector.broadcast %slice3A_231 : vector<8x1xf32> to vector<8x8xf32>
    %gt3A_232 = arith.cmpf ogt, %gt3A, %add3A_227 : vector<8x8xf32>
    %convert_element_type3A_233 = arith.extui %gt3A_232 : vector<8x8xi1> to vector<8x8xi32>
    %convert_element_type3A_234 = arith.sitofp %convert_element_type3A_233 : vector<8x8xi32> to vector<8x8xf32>
    %eq3A_235 = vector.broadcast %slice3A_231 : vector<8x1xf32> to vector<8x8xf32>
    %eq3A_236 = arith.cmpf oeq, %eq3A_235, %add3A_227 : vector<8x8xf32>
    %gt3A_237 = arith.constant 0 : i32
    %gt3A_238 = vector.broadcast %gt3A_237 : i32 to vector<8x8xi32>
    %gt3A_239 = arith.cmpi sgt, %iota3A_228, %gt3A_238 : vector<8x8xi32>
    %and3A_240 = arith.andi %eq3A_236, %gt3A_239 : vector<8x8xi1>
    %convert_element_type3A_241 = arith.extui %and3A_240 : vector<8x8xi1> to vector<8x8xi32>
    %convert_element_type3A_242 = arith.sitofp %convert_element_type3A_241 : vector<8x8xi32> to vector<8x8xf32>
    %add3A_243 = arith.addf %broadcast_in_dim3A_230, %convert_element_type3A_234 : vector<8x8xf32>
    %add3A_244 = arith.addf %add3A_243, %convert_element_type3A_242 : vector<8x8xf32>
    %slice3A_245 = vector.extract_strided_slice %add3A_227 {offsets = [0, 1], sizes = [8, 1], strides = [1, 1]} : vector<8x8xf32> to vector<8x1xf32>
    %gt3A_246 = vector.broadcast %slice3A_245 : vector<8x1xf32> to vector<8x8xf32>
    %gt3A_247 = arith.cmpf ogt, %gt3A_246, %add3A_227 : vector<8x8xf32>
    %convert_element_type3A_248 = arith.extui %gt3A_247 : vector<8x8xi1> to vector<8x8xi32>
    %convert_element_type3A_249 = arith.sitofp %convert_element_type3A_248 : vector<8x8xi32> to vector<8x8xf32>
    %eq3A_250 = vector.broadcast %slice3A_245 : vector<8x1xf32> to vector<8x8xf32>
    %eq3A_251 = arith.cmpf oeq, %eq3A_250, %add3A_227 : vector<8x8xf32>
    %gt3A_252 = arith.constant 1 : i32
    %gt3A_253 = vector.broadcast %gt3A_252 : i32 to vector<8x8xi32>
    %gt3A_254 = arith.cmpi sgt, %iota3A_228, %gt3A_253 : vector<8x8xi32>
    %and3A_255 = arith.andi %eq3A_251, %gt3A_254 : vector<8x8xi1>
    %convert_element_type3A_256 = arith.extui %and3A_255 : vector<8x8xi1> to vector<8x8xi32>
    %convert_element_type3A_257 = arith.sitofp %convert_element_type3A_256 : vector<8x8xi32> to vector<8x8xf32>
    %add3A_258 = arith.addf %add3A_244, %convert_element_type3A_249 : vector<8x8xf32>
    %add3A_259 = arith.addf %add3A_258, %convert_element_type3A_257 : vector<8x8xf32>
    %slice3A_260 = vector.extract_strided_slice %add3A_227 {offsets = [0, 2], sizes = [8, 1], strides = [1, 1]} : vector<8x8xf32> to vector<8x1xf32>
    %gt3A_261 = vector.broadcast %slice3A_260 : vector<8x1xf32> to vector<8x8xf32>
    %gt3A_262 = arith.cmpf ogt, %gt3A_261, %add3A_227 : vector<8x8xf32>
    %convert_element_type3A_263 = arith.extui %gt3A_262 : vector<8x8xi1> to vector<8x8xi32>
    %convert_element_type3A_264 = arith.sitofp %convert_element_type3A_263 : vector<8x8xi32> to vector<8x8xf32>
    %eq3A_265 = vector.broadcast %slice3A_260 : vector<8x1xf32> to vector<8x8xf32>
    %eq3A_266 = arith.cmpf oeq, %eq3A_265, %add3A_227 : vector<8x8xf32>
    %gt3A_267 = arith.constant 2 : i32
    %gt3A_268 = vector.broadcast %gt3A_267 : i32 to vector<8x8xi32>
    %gt3A_269 = arith.cmpi sgt, %iota3A_228, %gt3A_268 : vector<8x8xi32>
    %and3A_270 = arith.andi %eq3A_266, %gt3A_269 : vector<8x8xi1>
    %convert_element_type3A_271 = arith.extui %and3A_270 : vector<8x8xi1> to vector<8x8xi32>
    %convert_element_type3A_272 = arith.sitofp %convert_element_type3A_271 : vector<8x8xi32> to vector<8x8xf32>
    %add3A_273 = arith.addf %add3A_259, %convert_element_type3A_264 : vector<8x8xf32>
    %add3A_274 = arith.addf %add3A_273, %convert_element_type3A_272 : vector<8x8xf32>
    %slice3A_275 = vector.extract_strided_slice %add3A_227 {offsets = [0, 3], sizes = [8, 1], strides = [1, 1]} : vector<8x8xf32> to vector<8x1xf32>
    %gt3A_276 = vector.broadcast %slice3A_275 : vector<8x1xf32> to vector<8x8xf32>
    %gt3A_277 = arith.cmpf ogt, %gt3A_276, %add3A_227 : vector<8x8xf32>
    %convert_element_type3A_278 = arith.extui %gt3A_277 : vector<8x8xi1> to vector<8x8xi32>
    %convert_element_type3A_279 = arith.sitofp %convert_element_type3A_278 : vector<8x8xi32> to vector<8x8xf32>
    %eq3A_280 = vector.broadcast %slice3A_275 : vector<8x1xf32> to vector<8x8xf32>
    %eq3A_281 = arith.cmpf oeq, %eq3A_280, %add3A_227 : vector<8x8xf32>
    %gt3A_282 = arith.constant 3 : i32
    %gt3A_283 = vector.broadcast %gt3A_282 : i32 to vector<8x8xi32>
    %gt3A_284 = arith.cmpi sgt, %iota3A_228, %gt3A_283 : vector<8x8xi32>
    %and3A_285 = arith.andi %eq3A_281, %gt3A_284 : vector<8x8xi1>
    %convert_element_type3A_286 = arith.extui %and3A_285 : vector<8x8xi1> to vector<8x8xi32>
    %convert_element_type3A_287 = arith.sitofp %convert_element_type3A_286 : vector<8x8xi32> to vector<8x8xf32>
    %add3A_288 = arith.addf %add3A_274, %convert_element_type3A_279 : vector<8x8xf32>
    %add3A_289 = arith.addf %add3A_288, %convert_element_type3A_287 : vector<8x8xf32>
    %slice3A_290 = vector.extract_strided_slice %add3A_227 {offsets = [0, 4], sizes = [8, 1], strides = [1, 1]} : vector<8x8xf32> to vector<8x1xf32>
    %gt3A_291 = vector.broadcast %slice3A_290 : vector<8x1xf32> to vector<8x8xf32>
    %gt3A_292 = arith.cmpf ogt, %gt3A_291, %add3A_227 : vector<8x8xf32>
    %convert_element_type3A_293 = arith.extui %gt3A_292 : vector<8x8xi1> to vector<8x8xi32>
    %convert_element_type3A_294 = arith.sitofp %convert_element_type3A_293 : vector<8x8xi32> to vector<8x8xf32>
    %eq3A_295 = vector.broadcast %slice3A_290 : vector<8x1xf32> to vector<8x8xf32>
    %eq3A_296 = arith.cmpf oeq, %eq3A_295, %add3A_227 : vector<8x8xf32>
    %gt3A_297 = arith.constant 4 : i32
    %gt3A_298 = vector.broadcast %gt3A_297 : i32 to vector<8x8xi32>
    %gt3A_299 = arith.cmpi sgt, %iota3A_228, %gt3A_298 : vector<8x8xi32>
    %and3A_300 = arith.andi %eq3A_296, %gt3A_299 : vector<8x8xi1>
    %convert_element_type3A_301 = arith.extui %and3A_300 : vector<8x8xi1> to vector<8x8xi32>
    %convert_element_type3A_302 = arith.sitofp %convert_element_type3A_301 : vector<8x8xi32> to vector<8x8xf32>
    %add3A_303 = arith.addf %add3A_289, %convert_element_type3A_294 : vector<8x8xf32>
    %add3A_304 = arith.addf %add3A_303, %convert_element_type3A_302 : vector<8x8xf32>
    %slice3A_305 = vector.extract_strided_slice %add3A_227 {offsets = [0, 5], sizes = [8, 1], strides = [1, 1]} : vector<8x8xf32> to vector<8x1xf32>
    %gt3A_306 = vector.broadcast %slice3A_305 : vector<8x1xf32> to vector<8x8xf32>
    %gt3A_307 = arith.cmpf ogt, %gt3A_306, %add3A_227 : vector<8x8xf32>
    %convert_element_type3A_308 = arith.extui %gt3A_307 : vector<8x8xi1> to vector<8x8xi32>
    %convert_element_type3A_309 = arith.sitofp %convert_element_type3A_308 : vector<8x8xi32> to vector<8x8xf32>
    %eq3A_310 = vector.broadcast %slice3A_305 : vector<8x1xf32> to vector<8x8xf32>
    %eq3A_311 = arith.cmpf oeq, %eq3A_310, %add3A_227 : vector<8x8xf32>
    %gt3A_312 = arith.constant 5 : i32
    %gt3A_313 = vector.broadcast %gt3A_312 : i32 to vector<8x8xi32>
    %gt3A_314 = arith.cmpi sgt, %iota3A_228, %gt3A_313 : vector<8x8xi32>
    %and3A_315 = arith.andi %eq3A_311, %gt3A_314 : vector<8x8xi1>
    %convert_element_type3A_316 = arith.extui %and3A_315 : vector<8x8xi1> to vector<8x8xi32>
    %convert_element_type3A_317 = arith.sitofp %convert_element_type3A_316 : vector<8x8xi32> to vector<8x8xf32>
    %add3A_318 = arith.addf %add3A_304, %convert_element_type3A_309 : vector<8x8xf32>
    %add3A_319 = arith.addf %add3A_318, %convert_element_type3A_317 : vector<8x8xf32>
    %slice3A_320 = vector.extract_strided_slice %add3A_227 {offsets = [0, 6], sizes = [8, 1], strides = [1, 1]} : vector<8x8xf32> to vector<8x1xf32>
    %gt3A_321 = vector.broadcast %slice3A_320 : vector<8x1xf32> to vector<8x8xf32>
    %gt3A_322 = arith.cmpf ogt, %gt3A_321, %add3A_227 : vector<8x8xf32>
    %convert_element_type3A_323 = arith.extui %gt3A_322 : vector<8x8xi1> to vector<8x8xi32>
    %convert_element_type3A_324 = arith.sitofp %convert_element_type3A_323 : vector<8x8xi32> to vector<8x8xf32>
    %eq3A_325 = vector.broadcast %slice3A_320 : vector<8x1xf32> to vector<8x8xf32>
    %eq3A_326 = arith.cmpf oeq, %eq3A_325, %add3A_227 : vector<8x8xf32>
    %gt3A_327 = arith.constant 6 : i32
    %gt3A_328 = vector.broadcast %gt3A_327 : i32 to vector<8x8xi32>
    %gt3A_329 = arith.cmpi sgt, %iota3A_228, %gt3A_328 : vector<8x8xi32>
    %and3A_330 = arith.andi %eq3A_326, %gt3A_329 : vector<8x8xi1>
    %convert_element_type3A_331 = arith.extui %and3A_330 : vector<8x8xi1> to vector<8x8xi32>
    %convert_element_type3A_332 = arith.sitofp %convert_element_type3A_331 : vector<8x8xi32> to vector<8x8xf32>
    %add3A_333 = arith.addf %add3A_319, %convert_element_type3A_324 : vector<8x8xf32>
    %add3A_334 = arith.addf %add3A_333, %convert_element_type3A_332 : vector<8x8xf32>
    %slice3A_335 = vector.extract_strided_slice %add3A_227 {offsets = [0, 7], sizes = [8, 1], strides = [1, 1]} : vector<8x8xf32> to vector<8x1xf32>
    %gt3A_336 = vector.broadcast %slice3A_335 : vector<8x1xf32> to vector<8x8xf32>
    %gt3A_337 = arith.cmpf ogt, %gt3A_336, %add3A_227 : vector<8x8xf32>
    %convert_element_type3A_338 = arith.extui %gt3A_337 : vector<8x8xi1> to vector<8x8xi32>
    %convert_element_type3A_339 = arith.sitofp %convert_element_type3A_338 : vector<8x8xi32> to vector<8x8xf32>
    %eq3A_340 = vector.broadcast %slice3A_335 : vector<8x1xf32> to vector<8x8xf32>
    %eq3A_341 = arith.cmpf oeq, %eq3A_340, %add3A_227 : vector<8x8xf32>
    %gt3A_342 = arith.constant 7 : i32
    %gt3A_343 = vector.broadcast %gt3A_342 : i32 to vector<8x8xi32>
    %gt3A_344 = arith.cmpi sgt, %iota3A_228, %gt3A_343 : vector<8x8xi32>
    %and3A_345 = arith.andi %eq3A_341, %gt3A_344 : vector<8x8xi1>
    %convert_element_type3A_346 = arith.extui %and3A_345 : vector<8x8xi1> to vector<8x8xi32>
    %convert_element_type3A_347 = arith.sitofp %convert_element_type3A_346 : vector<8x8xi32> to vector<8x8xf32>
    %add3A_348 = arith.addf %add3A_334, %convert_element_type3A_339 : vector<8x8xf32>
    %add3A_349 = arith.addf %add3A_348, %convert_element_type3A_347 : vector<8x8xf32>
    %lt3A = arith.constant 2.000000e+00 : f32
    %lt3A_350 = vector.broadcast %lt3A : f32 to vector<8x8xf32>
    %lt3A_351 = arith.cmpf olt, %add3A_349, %lt3A_350 : vector<8x8xf32>
    %convert_element_type3A_352 = arith.extui %lt3A_351 : vector<8x8xi1> to vector<8x8xi32>
    %convert_element_type3A_353 = arith.sitofp %convert_element_type3A_352 : vector<8x8xi32> to vector<8x8xf32>
    %swap3A = arith.constant 0 : index
    %swap3A_354 = arith.constant 0 : index
    %swap3A_355 = vector.load %arg14[%swap3A, %swap3A_354] : memref<8x8xf32, #tpu.memory_space<vmem>>, vector<8x8xf32>
    tpu.vector_store %arg14[%swap3A, %swap3A_354], %convert_element_type3A_353 {strides = array<i32>} : memref<8x8xf32, #tpu.memory_space<vmem>>, vector<8x8xf32>,
    %swap3A_356 = arith.constant 0 : index
    %swap3A_357 = arith.constant 0 : index
    %swap3A_358 = vector.load %arg12[%swap3A_356, %swap3A_357] : memref<8x768xf32, #tpu.memory_space<vmem>>, vector<8x768xf32>
    tpu.vector_store %arg12[%swap3A_356, %swap3A_357], %add3A_184 {strides = array<i32>} : memref<8x768xf32, #tpu.memory_space<vmem>>, vector<8x768xf32>,
    %swap3A_359 = arith.constant 0 : index
    %swap3A_360 = arith.constant 0 : index
    %swap3A_361 = vector.load %arg13[%swap3A_359, %swap3A_360] : memref<8x768xf32, #tpu.memory_space<vmem>>, vector<8x768xf32>
    tpu.vector_store %arg13[%swap3A_359, %swap3A_360], %add3A_217 {strides = array<i32>} : memref<8x768xf32, #tpu.memory_space<vmem>>, vector<8x768xf32>,
    return
  }
}

module attributes {stable_mosaic.version = 14 : i64} {
  func.func @_moe_head_body(%arg0: i32, %arg1: i32, %arg2: memref<8x768xf32, #tpu.memory_space<vmem>>, %arg3: memref<8x8xf32, #tpu.memory_space<vmem>>, %arg4: memref<1x768x768xf32, #tpu.memory_space<vmem>>, %arg5: memref<1x1x1x768xf32, #tpu.memory_space<vmem>>, %arg6: memref<1x768x768xf32, #tpu.memory_space<vmem>>, %arg7: memref<1x1x768xf32, #tpu.memory_space<vmem>>, %arg8: memref<8x768xf32, #tpu.memory_space<vmem>>, %arg9: memref<1000x768xf32, #tpu.memory_space<vmem>>, %arg10: memref<1x1000xf32, #tpu.memory_space<vmem>>, %arg11: memref<8x1000xf32, #tpu.memory_space<vmem>>, %arg12: memref<8x768xf32, #tpu.memory_space<vmem>>) attributes {dimension_semantics = [#tpu.dimension_semantics<arbitrary>, #tpu.dimension_semantics<arbitrary>], iteration_bounds = array<i64: 8, 4>, scalar_prefetch = 0 : i64, scratch_operands = 1 : i64, tpu.core_type = #tpu.core_type<tc>, window_params = [{pipeline_mode = #tpu.pipeline_mode<synchronous>, transform_indices = @transform_0, window_bounds = array<i64: 8, 768>}, {pipeline_mode = #tpu.pipeline_mode<synchronous>, transform_indices = @transform_1, window_bounds = array<i64: 8, 8>}, {transform_indices = @transform_2, window_bounds = array<i64: 1, 768, 768>}, {transform_indices = @transform_3, window_bounds = array<i64: 1, 1, 1, 768>}, {transform_indices = @transform_4, window_bounds = array<i64: 1, 768, 768>}, {transform_indices = @transform_5, window_bounds = array<i64: 1, 1, 768>}, {pipeline_mode = #tpu.pipeline_mode<synchronous>, transform_indices = @transform_6, window_bounds = array<i64: 8, 768>}, {pipeline_mode = #tpu.pipeline_mode<synchronous>, transform_indices = @transform_7, window_bounds = array<i64: 1000, 768>}, {pipeline_mode = #tpu.pipeline_mode<synchronous>, transform_indices = @transform_8, window_bounds = array<i64: 1, 1000>}, {pipeline_mode = #tpu.pipeline_mode<synchronous>, transform_indices = @transform_9, window_bounds = array<i64: 8, 1000>}]} {
    %eq3A = arith.constant 0 : i32
    %eq3A_0 = arith.cmpi eq, %arg0, %eq3A : i32
    %eq3A_1 = arith.constant 0 : i32
    %eq3A_2 = arith.cmpi eq, %arg1, %eq3A_1 : i32
    %and3A = arith.andi %eq3A_0, %eq3A_2 : i1
    %convert_element_type3A = arith.extui %and3A : i1 to i32
    %cond3A = arith.constant 0 : i32
    %cond3A_3 = arith.cmpi ne, %convert_element_type3A, %cond3A : i32
    scf.if %cond3A_3 {
      %broadcast_in_dim3A = arith.constant 0.000000e+00 : f32
      %broadcast_in_dim3A_65 = vector.broadcast %broadcast_in_dim3A : f32 to vector<8x768xf32>
      %swap3A_66 = arith.constant 0 : index
      %swap3A_67 = arith.constant 0 : index
      %swap3A_68 = vector.load %arg12[%swap3A_66, %swap3A_67] : memref<8x768xf32, #tpu.memory_space<vmem>>, vector<8x768xf32>
      tpu.vector_store %arg12[%swap3A_66, %swap3A_67], %broadcast_in_dim3A_65 {strides = array<i32>} : memref<8x768xf32, #tpu.memory_space<vmem>>, vector<8x768xf32>,
    } else {
    }
    %get3A = arith.constant 0 : index
    %get3A_4 = arith.constant 0 : index
    %get3A_5 = vector.load %arg2[%get3A, %get3A_4] : memref<8x768xf32, #tpu.memory_space<vmem>>, vector<8x768xf32>
    %get3A_6 = arith.constant 0 : index
    %get3A_7 = arith.constant 0 : index
    %get3A_8 = arith.constant 0 : index
    %get3A_9 = vector.load %arg4[%get3A_6, %get3A_7, %get3A_8] : memref<1x768x768xf32, #tpu.memory_space<vmem>>, vector<1x768x768xf32>
    %get3A_10 = vector.shape_cast %get3A_9 : vector<1x768x768xf32> to vector<768x768xf32>
    %dot_general3A = arith.constant dense<0.000000e+00> : vector<8x768xf32>
    %dot_general3A_11 = tpu.matmul %get3A_5, %get3A_10, %dot_general3A {dimension_numbers = #tpu.dot_dimension_numbers<[1], [1], [0], [0], [0, 0, 1, 0], [], []>, transpose_lhs_hint = false} : vector<8x768xf32>, vector<768x768xf32>, vector<8x768xf32> -> vector<8x768xf32>
    %get3A_12 = arith.constant 0 : index
    %get3A_13 = arith.constant 0 : index
    %get3A_14 = arith.constant 0 : index
    %get3A_15 = arith.constant 0 : index
    %get3A_16 = vector.load %arg5[%get3A_12, %get3A_13, %get3A_14, %get3A_15] : memref<1x1x1x768xf32, #tpu.memory_space<vmem>>, vector<1x1x1x768xf32>
    %get3A_17 = vector.shape_cast %get3A_16 : vector<1x1x1x768xf32> to vector<1x768xf32>
    %add3A = vector.broadcast %get3A_17 : vector<1x768xf32> to vector<8x768xf32>
    %add3A_18 = arith.addf %dot_general3A_11, %add3A : vector<8x768xf32>
    %mul3A = arith.constant 5.000000e-01 : f32
    %mul3A_19 = vector.broadcast %mul3A : f32 to vector<8x768xf32>
    %mul3A_20 = arith.mulf %add3A_18, %mul3A_19 : vector<8x768xf32>
    %mul3A_21 = arith.constant 0.707106769 : f32
    %mul3A_22 = vector.broadcast %mul3A_21 : f32 to vector<8x768xf32>
    %mul3A_23 = arith.mulf %add3A_18, %mul3A_22 : vector<8x768xf32>
    %erf3A = math.erf %mul3A_23 : vector<8x768xf32>
    %add3A_24 = arith.constant 1.000000e+00 : f32
    %add3A_25 = vector.broadcast %add3A_24 : f32 to vector<8x768xf32>
    %add3A_26 = arith.addf %add3A_25, %erf3A : vector<8x768xf32>
    %mul3A_27 = arith.mulf %mul3A_20, %add3A_26 : vector<8x768xf32>
    %get3A_28 = arith.constant 0 : index
    %get3A_29 = arith.constant 0 : index
    %get3A_30 = arith.constant 0 : index
    %get3A_31 = vector.load %arg6[%get3A_28, %get3A_29, %get3A_30] : memref<1x768x768xf32, #tpu.memory_space<vmem>>, vector<1x768x768xf32>
    %get3A_32 = vector.shape_cast %get3A_31 : vector<1x768x768xf32> to vector<768x768xf32>
    %dot_general3A_33 = arith.constant dense<0.000000e+00> : vector<8x768xf32>
    %dot_general3A_34 = tpu.matmul %mul3A_27, %get3A_32, %dot_general3A_33 {dimension_numbers = #tpu.dot_dimension_numbers<[1], [1], [0], [0], [0, 0, 1, 0], [], []>, transpose_lhs_hint = false} : vector<8x768xf32>, vector<768x768xf32>, vector<8x768xf32> -> vector<8x768xf32>
    %iota3A = tpu.iota {dimensions = array<i32: 0>} : vector<8x1xi32>
    %eq3A_35 = vector.broadcast %arg0 : i32 to vector<8x1xi32>
    %eq3A_36 = arith.cmpi eq, %iota3A, %eq3A_35 : vector<8x1xi32>
    %convert_element_type3A_37 = arith.extui %eq3A_36 : vector<8x1xi1> to vector<8x1xi32>
    %convert_element_type3A_38 = arith.sitofp %convert_element_type3A_37 : vector<8x1xi32> to vector<8x1xf32>
    %get3A_39 = arith.constant 0 : index
    %get3A_40 = arith.constant 0 : index
    %get3A_41 = vector.load %arg3[%get3A_39, %get3A_40] : memref<8x8xf32, #tpu.memory_space<vmem>>, vector<8x8xf32>
    %dot_general3A_42 = arith.constant dense<0.000000e+00> : vector<8x1xf32>
    %dot_general3A_43 = tpu.matmul %get3A_41, %convert_element_type3A_38, %dot_general3A_42 {dimension_numbers = #tpu.dot_dimension_numbers<[1], [0], [0], [1], [0, 0, 1, 1], [], []>, transpose_lhs_hint = false} : vector<8x8xf32>, vector<8x1xf32>, vector<8x1xf32> -> vector<8x1xf32>
    %eq3A_44 = arith.constant 0 : i32
    %eq3A_45 = arith.cmpi eq, %arg1, %eq3A_44 : i32
    %convert_element_type3A_46 = arith.extui %eq3A_45 : i1 to i32
    %cond3A_47 = arith.constant 0 : i32
    %cond3A_48 = arith.cmpi ne, %convert_element_type3A_46, %cond3A_47 : i32
    scf.if %cond3A_48 {
      %get3A_65 = arith.constant 0 : index
      %get3A_66 = arith.constant 0 : index
      %get3A_67 = vector.load %arg12[%get3A_65, %get3A_66] : memref<8x768xf32, #tpu.memory_space<vmem>>, vector<8x768xf32>
      %get3A_68 = arith.constant 0 : index
      %get3A_69 = arith.constant 0 : index
      %get3A_70 = arith.constant 0 : index
      %get3A_71 = vector.load %arg7[%get3A_68, %get3A_69, %get3A_70] : memref<1x1x768xf32, #tpu.memory_space<vmem>>, vector<1x1x768xf32>
      %get3A_72 = vector.shape_cast %get3A_71 : vector<1x1x768xf32> to vector<1x768xf32>
      %mul3A_73 = vector.broadcast %dot_general3A_43 : vector<8x1xf32> to vector<8x768xf32>
      %mul3A_74 = vector.broadcast %get3A_72 : vector<1x768xf32> to vector<8x768xf32>
      %mul3A_75 = arith.mulf %mul3A_73, %mul3A_74 : vector<8x768xf32>
      %add3A_76 = arith.addf %get3A_67, %mul3A_75 : vector<8x768xf32>
      %swap3A_77 = arith.constant 0 : index
      %swap3A_78 = arith.constant 0 : index
      %swap3A_79 = vector.load %arg12[%swap3A_77, %swap3A_78] : memref<8x768xf32, #tpu.memory_space<vmem>>, vector<8x768xf32>
      tpu.vector_store %arg12[%swap3A_77, %swap3A_78], %add3A_76 {strides = array<i32>} : memref<8x768xf32, #tpu.memory_space<vmem>>, vector<8x768xf32>,
    } else {
    }
    %get3A_49 = arith.constant 0 : index
    %get3A_50 = arith.constant 0 : index
    %get3A_51 = vector.load %arg12[%get3A_49, %get3A_50] : memref<8x768xf32, #tpu.memory_space<vmem>>, vector<8x768xf32>
    %mul3A_52 = vector.broadcast %dot_general3A_43 : vector<8x1xf32> to vector<8x768xf32>
    %mul3A_53 = arith.mulf %mul3A_52, %dot_general3A_34 : vector<8x768xf32>
    %add3A_54 = arith.addf %get3A_51, %mul3A_53 : vector<8x768xf32>
    %swap3A = arith.constant 0 : index
    %swap3A_55 = arith.constant 0 : index
    %swap3A_56 = vector.load %arg12[%swap3A, %swap3A_55] : memref<8x768xf32, #tpu.memory_space<vmem>>, vector<8x768xf32>
    tpu.vector_store %arg12[%swap3A, %swap3A_55], %add3A_54 {strides = array<i32>} : memref<8x768xf32, #tpu.memory_space<vmem>>, vector<8x768xf32>,
    %eq3A_57 = arith.constant 7 : i32
    %eq3A_58 = arith.cmpi eq, %arg0, %eq3A_57 : i32
    %eq3A_59 = arith.constant 3 : i32
    %eq3A_60 = arith.cmpi eq, %arg1, %eq3A_59 : i32
    %and3A_61 = arith.andi %eq3A_58, %eq3A_60 : i1
    %convert_element_type3A_62 = arith.extui %and3A_61 : i1 to i32
    %cond3A_63 = arith.constant 0 : i32
    %cond3A_64 = arith.cmpi ne, %convert_element_type3A_62, %cond3A_63 : i32
    scf.if %cond3A_64 {
      %get3A_65 = arith.constant 0 : index
      %get3A_66 = arith.constant 0 : index
      %get3A_67 = vector.load %arg8[%get3A_65, %get3A_66] : memref<8x768xf32, #tpu.memory_space<vmem>>, vector<8x768xf32>
      %get3A_68 = arith.constant 0 : index
      %get3A_69 = arith.constant 0 : index
      %get3A_70 = vector.load %arg12[%get3A_68, %get3A_69] : memref<8x768xf32, #tpu.memory_space<vmem>>, vector<8x768xf32>
      %add3A_71 = arith.addf %get3A_67, %get3A_70 : vector<8x768xf32>
      %get3A_72 = arith.constant 0 : index
      %get3A_73 = arith.constant 0 : index
      %get3A_74 = vector.load %arg9[%get3A_72, %get3A_73] : memref<1000x768xf32, #tpu.memory_space<vmem>>, vector<1000x768xf32>
      %dot_general3A_75 = arith.constant dense<0.000000e+00> : vector<8x1000xf32>
      %dot_general3A_76 = tpu.matmul %add3A_71, %get3A_74, %dot_general3A_75 {dimension_numbers = #tpu.dot_dimension_numbers<[1], [1], [0], [0], [0, 0, 1, 0], [], []>, transpose_lhs_hint = false} : vector<8x768xf32>, vector<1000x768xf32>, vector<8x1000xf32> -> vector<8x1000xf32>
      %get3A_77 = arith.constant 0 : index
      %get3A_78 = arith.constant 0 : index
      %get3A_79 = vector.load %arg10[%get3A_77, %get3A_78] : memref<1x1000xf32, #tpu.memory_space<vmem>>, vector<1x1000xf32>
      %add3A_80 = vector.broadcast %get3A_79 : vector<1x1000xf32> to vector<8x1000xf32>
      %add3A_81 = arith.addf %dot_general3A_76, %add3A_80 : vector<8x1000xf32>
      %swap3A_82 = arith.constant 0 : index
      %swap3A_83 = arith.constant 0 : index
      %swap3A_84 = vector.load %arg11[%swap3A_82, %swap3A_83] : memref<8x1000xf32, #tpu.memory_space<vmem>>, vector<8x1000xf32>
      tpu.vector_store %arg11[%swap3A_82, %swap3A_83], %add3A_81 {strides = array<i32>} : memref<8x1000xf32, #tpu.memory_space<vmem>>, vector<8x1000xf32>,
    } else {
    }
    return
  }
  func.func @transform_0(%arg0: i32, %arg1: i32) -> (i32, i32) {
    %c0_i32 = arith.constant 0 : i32
    %c0_i32_0 = arith.constant 0 : i32
    %c0_i32_1 = arith.constant 0 : i32
    return %c0_i32, %c0_i32_0 : i32, i32
  }
  func.func @transform_1(%arg0: i32, %arg1: i32) -> (i32, i32) {
    %c0_i32 = arith.constant 0 : i32
    %c0_i32_0 = arith.constant 0 : i32
    %c0_i32_1 = arith.constant 0 : i32
    return %c0_i32, %c0_i32_0 : i32, i32
  }
  func.func @transform_2(%arg0: i32, %arg1: i32) -> (i32, i32, i32) {
    %c0_i32 = arith.constant 0 : i32
    %c0_i32_0 = arith.constant 0 : i32
    return %arg0, %arg1, %c0_i32 : i32, i32, i32
  }
  func.func @transform_3(%arg0: i32, %arg1: i32) -> (i32, i32, i32, i32) {
    %c0_i32 = arith.constant 0 : i32
    %c0_i32_0 = arith.constant 0 : i32
    %c0_i32_1 = arith.constant 0 : i32
    return %arg0, %arg1, %c0_i32, %c0_i32_0 : i32, i32, i32, i32
  }
  func.func @transform_4(%arg0: i32, %arg1: i32) -> (i32, i32, i32) {
    %c0_i32 = arith.constant 0 : i32
    %c0_i32_0 = arith.constant 0 : i32
    return %arg0, %c0_i32, %arg1 : i32, i32, i32
  }
  func.func @transform_5(%arg0: i32, %arg1: i32) -> (i32, i32, i32) {
    %c0_i32 = arith.constant 0 : i32
    %c0_i32_0 = arith.constant 0 : i32
    %c0_i32_1 = arith.constant 0 : i32
    return %arg0, %c0_i32, %c0_i32_0 : i32, i32, i32
  }
  func.func @transform_6(%arg0: i32, %arg1: i32) -> (i32, i32) {
    %c0_i32 = arith.constant 0 : i32
    %c0_i32_0 = arith.constant 0 : i32
    %c0_i32_1 = arith.constant 0 : i32
    return %c0_i32, %c0_i32_0 : i32, i32
  }
  func.func @transform_7(%arg0: i32, %arg1: i32) -> (i32, i32) {
    %c0_i32 = arith.constant 0 : i32
    %c0_i32_0 = arith.constant 0 : i32
    %c0_i32_1 = arith.constant 0 : i32
    return %c0_i32, %c0_i32_0 : i32, i32
  }
  func.func @transform_8(%arg0: i32, %arg1: i32) -> (i32, i32) {
    %c0_i32 = arith.constant 0 : i32
    %c0_i32_0 = arith.constant 0 : i32
    %c0_i32_1 = arith.constant 0 : i32
    return %c0_i32, %c0_i32_0 : i32, i32
  }
  func.func @transform_9(%arg0: i32, %arg1: i32) -> (i32, i32) {
    %c0_i32 = arith.constant 0 : i32
    %c0_i32_0 = arith.constant 0 : i32
    %c0_i32_1 = arith.constant 0 : i32
    return %c0_i32, %c0_i32_0 : i32, i32
  }
}

</mosaic_0001>

<sc_bundles>
// kernel: kernel.6.cloned.1.call-start
scs
__scs_entry_jumppad:
0x0: {  	(pc) =	sbr.rel $0x88, $3  }
0x1: {  	(tag) =	ssettag $0x0;
	lr =	simm.s32 $0x1  }
0x2: {  	[smem:$0x3F8D] =	sst lr;
	_ =	strace $0xD0000000  }
0x3: {  	_ = 	snop  }
0x4: {  	_ = 	snop  }
0x5: {  	_ = 	snop  }
0x6: {  	_ = 	snop  }
0x7: {  	_ = 	snop  }
__scs_overlays_trampoline_lowered:
0x8: {  	[smem:$0x3F9C] =	sst s0  }
0x9: {  	[smem:$0x3F9D] =	sst s1  }
0xa: {  	[smem:$0x3F9E] =	sst s2  }
0xb: {  	[smem:$0x3F9F] =	sst s3  }
0xc: {  	[smem:$0x3FA0] =	sst s4  }
0xd: {  	[smem:$0x3FA1] =	sst s5  }
0xe: {  	[smem:$0x3FA2] =	sst s6  }
0xf: {  	[smem:$0x3FA3] =	sst s7  }
0x10: {  	[smem:$0x3FA4] =	sst s8  }
0x11: {  	[smem:$0x3FA5] =	sst s9;
	s0 =	simm.s32 @!p0 $0x0  }
0x12: {  	s1 =	sld [smem:$0x3F8B];
	s0 =	simm.s32 @p0 $0x1  }
0x13: {  	[smem:$0x3FA6] =	sst s0;
	s0 =	simm.s32 @!p1 $0x0  }
0x14: {  	s2 =	sld [smem:$0x3F8A];
	s0 =	simm.s32 @p1 $0x1  }
0x15: {  	[smem:$0x3FA7] =	sst s0;
	s0 =	simm.s32 @!p2 $0x0  }
0x16: {  	s3 =	sld [smem:$0x3FDB];
	s0 =	simm.s32 @p2 $0x1  }
0x17: {  	s4 =	simm.s32 $0x1BF5;
	[smem:$0x3FA9] =	sst s0  }
0x18: {  	s0 =	sld [smem:$0x3F8C];
	_ =	swait.ge [sflag:s4], $0x0  }
0x19: {  	s7 =	sld [smem:$0x3F8D]  }
0x1a: {  	s8 =	sadd.s32 $0xFFFFE003, lr  }
0x1b: {  	s9 =	sadd.s32 $0xFFFFFEF7, lr;
	s5 =	simm.s32 $0xFFFFFFFF;
	p2 =	slt.u32 s8, $0xFFFFF086  }
0x1c: {  	p1 =	slt.u32 s9, $0xF7A;
	s5 =	simm.s32 @!p2 $0x0  }
0x1d: {  	s5 =	simm.s32 @p1 $0x1;
	p0 =	seq.s32 s7, s2  }
0x1e: {  	s7 =	smul.u32 @!p0 $0xF7A, s2;
	p2 =	seq.s32 @!p0 s5, $0x0  }
0x1f: {  	s9 =	smul.u32 $0xF7A, s1;
	s8 =	simm.s32 @!p0 $0x1BF5;
	p2 =	por !p2, p0  }
0x20: {  	[sflag:s8] =	ssyncset.s32 @!p0 $0xFFFFF086;
	s6 =	sadd.s32 @!p0 s3, s7;
	s7 =	simm.s32 @!p0 $0x108  }
0x21: {  	s3 =	sadd.s32 s3, s9;
	s6 =	sadd.s32 @!p0 $0x88, s6;
	s7 =	simm.s32 @p2 $0x1082  }
0x22: {  	[simem:s7], [sflag:s8] =	dma.local @!p0 [hbm:s6], $0xF7A  }
0x23: {  	s9 =	sor.u32 $0xD0000000, s2;
	s6 =	simm.s32 $0x108;
	_ =	swait.ge @!p0 [sflag:s8], $0x0  }
0x24: {  	s3 =	sadd.s32 $0x88, s3;
	s6 =	simm.s32 @!p1 $0x1082;
	[sflag:s4] =	ssyncset.s32 $0xFFFFF086  }
0x25: {  	[simem:s6], [sflag:s4] =	dma.local [hbm:s3], $0xF7A  }
0x26: {  	[smem:$0x3F8D] =	sst s1;
	(tag) =	ssettag s2;
	_ =	strace s9  }
0x27: {  	s1 =	sld [smem:$0x3F9D]  }
0x28: {  	s2 =	sld [smem:$0x3F9E]  }
0x29: {  	s4 =	sld [smem:$0x3FA0]  }
0x2a: {  	p0 =	seq.s32 s5, $0x0;
	s5 =	sld [smem:$0x3FA1]  }
0x2b: {  	s6 =	sld [smem:$0x3FA2]  }
0x2c: {  	s7 =	sld [smem:$0x3FA3]  }
0x2d: {  	s3 =	simm.s32 $0x108;
	s8 =	sld [smem:$0x3FA4]  }
0x2e: {  	s3 =	simm.s32 @!p0 $0x1082;
	s9 =	sld [smem:$0x3FA5]  }
0x2f: {  	lr =	sadd.s32 s0, s3;
	s0 =	sld [smem:$0x3F9C]  }
0x30: {  	s3 =	sld [smem:$0x3F9F]  }
0x31: {  	[smem:$0x3FA8] =	sst s10  }
0x32: {  	s10 =	sld [smem:$0x3FA6];
	_ =	sdelay $0x3  }
0x33: {  	p0 =	seq.s32 s10, $0x1;
	s10 =	sld [smem:$0x3FA8];
	_ =	sdelay $0x3  }
0x34: {  	[smem:$0x3FA8] =	sst s10  }
0x35: {  	s10 =	sld [smem:$0x3FA7];
	_ =	sdelay $0x3  }
0x36: {  	p1 =	seq.s32 s10, $0x1;
	s10 =	sld [smem:$0x3FA8];
	_ =	sdelay $0x3  }
0x37: {  	[smem:$0x3FA8] =	sst s10  }
0x38: {  	s10 =	sld [smem:$0x3FA9]  }
0x39: {  	_ = 	snop;
	(pc) =	sbr.ind lr, $3  }
0x3a: {  	_ = 	snop  }
0x3b: {  	_ = 	snop  }
0x3c: {  	p2 =	seq.s32 s10, $0x1;
	s10 =	sld [smem:$0x3FA8]  }
0x3d: {  	_ =	shalt  }
0x3e: {  	_ =	shalt  }
0x3f: {  	_ =	shalt  }
0x40: {  	_ =	shalt  }
0x41: {  	_ =	shalt  }
0x42: {  	_ =	shalt  }
0x43: {  	_ =	shalt  }
0x44: {  	_ =	shalt  }
0x45: {  	_ =	shalt  }
0x46: {  	_ =	shalt  }
0x47: {  	_ =	shalt  }
0x48: {  	_ =	shalt  }
0x49: {  	_ =	shalt  }
0x4a: {  	_ =	shalt  }
0x4b: {  	_ =	shalt  }
0x4c: {  	_ =	shalt  }
0x4d: {  	_ =	shalt  }
0x4e: {  	_ =	shalt  }
0x4f: {  	_ =	shalt  }
0x50: {  	_ =	shalt  }
0x51: {  	_ =	shalt  }
0x52: {  	_ =	shalt  }
0x53: {  	_ =	shalt  }
0x54: {  	_ =	shalt  }
0x55: {  	_ =	shalt  }
0x56: {  	_ =	shalt  }
0x57: {  	_ =	shalt  }
0x58: {  	_ =	shalt  }
0x59: {  	_ =	shalt  }
0x5a: {  	_ =	shalt  }
0x5b: {  	_ =	shalt  }
0x5c: {  	_ =	shalt  }
0x5d: {  	_ =	shalt  }
0x5e: {  	_ =	shalt  }
0x5f: {  	_ =	shalt  }
0x60: {  	_ =	shalt  }
0x61: {  	_ =	shalt  }
0x62: {  	_ =	shalt  }
0x63: {  	_ =	shalt  }
0x64: {  	_ =	shalt  }
0x65: {  	_ =	shalt  }
0x66: {  	_ =	shalt  }
0x67: {  	_ =	shalt  }
0x68: {  	_ =	shalt  }
0x69: {  	_ =	shalt  }
0x6a: {  	_ =	shalt  }
0x6b: {  	_ =	shalt  }
0x6c: {  	_ =	shalt  }
0x6d: {  	_ =	shalt  }
0x6e: {  	_ =	shalt  }
0x6f: {  	_ =	shalt  }
0x70: {  	_ =	shalt  }
0x71: {  	_ =	shalt  }
0x72: {  	_ =	shalt  }
0x73: {  	_ =	shalt  }
0x74: {  	_ =	shalt  }
0x75: {  	_ =	shalt  }
0x76: {  	_ =	shalt  }
0x77: {  	_ =	shalt  }
0x78: {  	_ =	shalt  }
0x79: {  	_ =	shalt  }
0x7a: {  	_ =	shalt  }
0x7b: {  	_ =	shalt  }
0x7c: {  	_ =	shalt  }
0x7d: {  	_ =	shalt  }
0x7e: {  	_ =	shalt  }
0x7f: {  	_ =	shalt  }
0x80: {  	_ =	shalt  }
0x81: {  	_ =	shalt  }
0x82: {  	_ =	shalt  }
0x83: {  	_ =	shalt  }
0x84: {  	_ =	shalt  }
0x85: {  	_ =	shalt  }
0x86: {  	_ =	shalt  }
0x87: {  	_ =	shalt  }
.Lfunc_end0:
.L_simem_size_0:
called_computation_lowered:
.L_overlay_start_0:
0x88: {  	s2 =	sld [smem:$0x3FD9]  }
0x89: {  	s3 =	sld [smem:$0x3FFE];
	_ =	sdelay $0x1  }
0x8a: {  	s1 =	srdreg.scid  }
0x8b: {  	s0 =	sand.u32 $0x1, s1  }
0x8c: {  	s16 =	sshll.u32 s0, $0xA;
	s2 =	sadd.s32 s3, s2  }
0x8d: {  	s2 =	sadd.s32 s2, s16  }
0x8e: {  	[smem:$0x3FB4] =	sst s2  }
0x8f: {  	_ = 	snop  }
0x90: {  	(tm) =	ssettm $0x1  }
0x91: {  	s17 =	sld [smem:$0x3FFB];
	_ =	sdelay $0x3  }
0x92: {  	_ =	strace s17  }
0x93: {  	s2 =	sld [smem:$0x3FFC];
	_ =	sdelay $0x3  }
0x94: {  	_ =	strace s2  }
0x95: {  	s2 =	sld [smem:$0x3FFD];
	_ =	sdelay $0x3  }
0x96: {  	_ =	strace s2  }
0x97: {  	_ =	strace $0x8FFFFFFF  }
0x98: {  	s18 =	sld [smem:$0x3FDB];
	_ =	sdelay $0x1  }
0x99: {  	s19 =	simm.s32 $_scs_section_size  }
0x9a: {  	s4 =	simm.s32 $_size__tile_overlayer_lowered;
	s5 =	simm.s32 $_tile_overlayer_lowered  }
0x9b: {  	s22 =	simm.s32 $0x1BFF;
	s21 =	sshll.u32 s5, $0x1;
	s2 =	sadd.s32 s19, s18  }
0x9c: {  	s6 =	simm.s32 $0x0;
	s20 =	sshll.u32 s4, $0x1;
	s4 =	sadd.s32 s21, s2  }
0x9d: {  	[timem:s6], [sflag:s22] =	dma.local [hbm:s4], s20  }
0x9e: {  	_ =	swait.ge [sflag:s22], s20  }
0x9f: {  	s3 =	ssub.s32 $0x0, s20;
	[sflag:s22] =	ssyncset.done $0x0  }
0xa0: {  	[sflag:s22] =	ssyncadd.s32 s3;
	_ =	sdelay $0x1  }
0xa1: {  	s23 =	simm.s32 $0x1B8B  }
0xa2: {  	_ =	swait.ge [sflag:s23], $0x1  }
0xa3: {  	[sflag:s23] =	ssyncset.done $0x0  }
0xa4: {  	s25 =	simm.s32 $0x1B8E;
	s24 =	sld [smem:$0x3FFE];
	[sflag:s23] =	ssyncadd.s32 $0xFFFFFFFF  }
0xa5: {  	s26 =	simm.s32 $execute0_lowered;
	[smem:$0x3FD2] =	sst s25  }
0xa6: {  	s4 =	sshll.u32 s26, $0x1;
	_ =	strace $0x80000046;
	[dreg:$0x1] =	wrdreg $0xFFFFFFFF  }
0xa7: {  	s28 =	simm.s32 $_size_execute0_lowered;
	s2 =	sadd.s32 s2, s4;
	[dreg:$0x0] =	wrdreg $0x0  }
0xa8: {  	s4 =	sshll.u32 s28, $0x1;
	[dreg:$0x2] =	wrdreg s2  }
0xa9: {  	[dreg:$0x3] =	wrdreg s4  }
0xaa: {  	[dreg:$0x4] =	wrdreg $0xC0  }
0xab: {  	_ =	task [dreg:s6], $0x5FFFF  }
0xac: {  	[dreg:$0x1] =	wrdreg $0xFFFFFFFF  }
0xad: {  	[dreg:$0x0] =	wrdreg $0x60  }
0xae: {  	[dreg:$0x2] =	wrdreg s24  }
0xaf: {  	[dreg:$0x3] =	wrdreg $0x9  }
0xb0: {  	_ =	task.clear_ibuf [dreg:s6], $0x4FFFF;
	_ =	strace $0x90000046  }
0xb1: {  	s29 =	simm.s32 $0x9;
	_ =	strace $0x80000048  }
0xb2: {  	_ =	swait.ge [sflag:s29], $0x1  }
0xb3: {  	[sflag:s29] =	ssyncadd.s32 $0xFFFFFFFF  }
0xb4: {  	_ =	strace $0x90000048  }
0xb5: {  	_ =	sfence  }
0xb6: {  	s30 =	sld [smem:$0x0];
	_ =	sdelay $0x2  }
0xb7: {  	s31 =	sshll.u32 s1, $0xD;
	s1 =	sshrl.u32 s1, $0x2  }
0xb8: {  	s3 =	sand.u32 $0x4000, s31;
	s1 =	sadd.s32 s1, s30  }
0xb9: {  	s0 =	sor.u32 s3, s0;
	s1 =	sshll.u32 s1, $0x11  }
0xba: {  	s0 =	sor.u32 s1, s0  }
0xbb: {  	s0 =	sadd.s32 $0x8F2B, s0  }
0xbc: {  	[sflag:s0] =	ssyncadd.remote.s32 $0x1  }
0xbd: {  	_ =	sfence.sel $0xFFFF  }
0xbe: {  	[dreg:$0x0] =	wrdreg $0xFFFFFFFF;
	(pc) =	sbr.abs _section_cstart, $3  }
0xbf: {  	[dreg:$0x1] =	wrdreg $0xFFFFFFFF  }
0xc0: {  	_ =	task.clear_ibuf [dreg:s6], $0x2FFFF;
	_ =	strace $0x9FFFFFFF  }
0xc1: {  	(tm) =	ssettm $0x7FFFFFFF  }
tec
execute0_lowered:
.L_overlay_start_1:
0x0: {  	(tag) =	ssettag $0x1  }
0x1: {  	s0 =	srdreg.scid;
	s1 =	stileid.u32  }
0x2: {  	s4 =	rddreg [dreg:$0x0];
	s2 =	simm.s32 $0x0;
	s6 =	simm.s32 $0x1C0  }
0x3: {  	s0 =	sand.u32 $0x1, s0;
	s1 =	sshll.u32 s1, $0x1;
	[smem:$0x7FF] =	sst s2  }
0x4: {  	s1 =	sor.u32 s0, s1;
	_ =	strace $0x80000047;
	s0 =	ssub.s32 $0x2, s0  }
0x5: {  	[dreg:$0x1a] =	wrdreg s6;
	s6 =	simm.s32 $0x690;
	s3 =	smul.u32 $0x126, s1  }
0x6: {  	s1 =	smul.u32 $0x9300, s1;
	s5 =	sshrl.u32 s0, $0x1;
	[smem:$0x7FB] =	sst s6  }
0x7: {  	s0 =	ssub.s32 s0, s5;
	s5 =	simm.s32 $0x150;
	s3 =	sadd.s32 s3, s4  }
0x8: {  	s1 =	sshrl.u32 s1, $0x3;
	[dreg:$0x19] =	wrdreg s5;
	s5 =	simm.s32 $0x620  }
0x9: {  	s1 =	sadd.s32 s1, s4;
	s3 =	sadd.s32 $0x27C00, s3;
	[smem:$0x7FA] =	sst s5  }
0xa: {  	[dreg:$0x2] =	wrdreg s3;
	s7 =	sadd.s32 $0x2A200, s1  }
0xb: {  	s8 =	sadd.s32 $0x2A2E0, s1;
	[dreg:$0x3] =	wrdreg s7  }
0xc: {  	s9 =	sadd.s32 $0x2A3C0, s1;
	[dreg:$0x4] =	wrdreg s8  }
0xd: {  	s10 =	sadd.s32 $0x2A4A0, s1;
	[dreg:$0x5] =	wrdreg s9  }
0xe: {  	s11 =	sadd.s32 $0x2A580, s1;
	[dreg:$0x6] =	wrdreg s10  }
0xf: {  	s12 =	sadd.s32 $0x2A660, s1;
	[dreg:$0x7] =	wrdreg s11  }
0x10: {  	s13 =	sadd.s32 $0x2A740, s1;
	[dreg:$0x8] =	wrdreg s12  }
0x11: {  	s14 =	sadd.s32 $0x2A820, s1;
	[dreg:$0x9] =	wrdreg s13  }
0x12: {  	s15 =	sadd.s32 $0x2A900, s1;
	[dreg:$0xa] =	wrdreg s14  }
0x13: {  	s16 =	sadd.s32 $0x2A9E0, s1;
	[dreg:$0xb] =	wrdreg s15  }
0x14: {  	s17 =	sadd.s32 $0x2AAC0, s1;
	[dreg:$0xc] =	wrdreg s16  }
0x15: {  	s28 =	simm.s32 $0x70;
	s18 =	sadd.s32 $0x2ABA0, s1;
	[dreg:$0xd] =	wrdreg s17  }
0x16: {  	p0 =	por $0x0, $0x0;
	s19 =	sadd.s32 $0x2AC80, s1;
	[dreg:$0xe] =	wrdreg s18  }
0x17: {  	s31 =	simm.s32 $0x850;
	s20 =	sadd.s32 $0x2AD60, s1;
	[dreg:$0xf] =	wrdreg s19  }
0x18: {  	s30 =	simm.s32 $0x8C0;
	s21 =	sadd.s32 $0x2AE40, s1;
	[dreg:$0x10] =	wrdreg s20  }
0x19: {  	s6 =	simm.s32 $0x8E30;
	s22 =	sadd.s32 $0x2AF20, s1;
	[dreg:$0x11] =	wrdreg s21  }
0x1a: {  	s0 =	smax.u32 s0, $0x1;
	s23 =	sadd.s32 $0x2B000, s1;
	[dreg:$0x12] =	wrdreg s22  }
0x1b: {  	p1 =	sne.s32 s0, $0x1;
	s24 =	sadd.s32 $0x2B0E0, s1;
	[dreg:$0x13] =	wrdreg s23  }
0x1c: {  	s29 =	sadd.s32 $0xFFFFFFFF, s0;
	s25 =	sadd.s32 $0x2B1C0, s1;
	[dreg:$0x14] =	wrdreg s24  }
0x1d: {  	s5 =	simm.s32 $0x1;
	s26 =	sadd.s32 $0x2B2A0, s1;
	[dreg:$0x15] =	wrdreg s25  }
0x1e: {  	s1 =	sadd.s32 $0x2B380, s1;
	s3 =	simm.s32 $0x2;
	[dreg:$0x16] =	wrdreg s26  }
0x1f: {  	s25 =	sadd.s32 $0x3000, s4;
	[dreg:$0x17] =	wrdreg s1;
	s4 =	simm.s32 $0xE0  }
0x20: {  	s26 =	simm.s32 $0x930;
	s24 =	simm.s32 $0x1030;
	s0 =	rddreg [dreg:$0x2]  }
0x21: {  	s23 =	simm.s32 $0x1730;
	s7 =	simm.s32 $0x230;
	[dreg:$0x18] =	wrdreg s4  }
0x22: {  	s22 =	simm.s32 $0x1E30;
	s8 =	simm.s32 $0x2A0;
	[dreg:$0x1b] =	wrdreg s7  }
0x23: {  	s21 =	simm.s32 $0x2530;
	s9 =	simm.s32 $0x310;
	[dreg:$0x1c] =	wrdreg s8  }
0x24: {  	s20 =	simm.s32 $0x2C30;
	s10 =	simm.s32 $0x380;
	[dreg:$0x1d] =	wrdreg s9  }
0x25: {  	s19 =	simm.s32 $0x3330;
	s11 =	simm.s32 $0x3F0;
	[dreg:$0x1e] =	wrdreg s10  }
0x26: {  	s18 =	simm.s32 $0x3A30;
	s12 =	simm.s32 $0x460;
	[dreg:$0x1f] =	wrdreg s11  }
0x27: {  	s17 =	simm.s32 $0x4130;
	s13 =	simm.s32 $0x4D0;
	[smem:$0x7F6] =	sst s12  }
0x28: {  	s16 =	simm.s32 $0x4830;
	s14 =	simm.s32 $0x540;
	[smem:$0x7F7] =	sst s13  }
0x29: {  	s15 =	simm.s32 $0x4F30;
	[smem:$0x7F8] =	sst s14;
	s4 =	simm.s32 $0x5B0  }
.Ltmp0:
0x2a: {  	s14 =	simm.s32 $0x5630;
	s13 =	simm.s32 $0x5D30;
	(pc) =	sbr.rel @!p1 .LBB2_1-.Ltmp0, $4  }
0x2b: {  	s12 =	simm.s32 $0x6430;
	s7 =	simm.s32 $0x700;
	[smem:$0x7F9] =	sst s4  }
0x2c: {  	s11 =	simm.s32 $0x6B30;
	s8 =	simm.s32 $0x770;
	[smem:$0x7FC] =	sst s7  }
0x2d: {  	s10 =	simm.s32 $0x7230;
	s9 =	simm.s32 $0x7930;
	[smem:$0x7FD] =	sst s8  }
0x2e: {  	s8 =	simm.s32 $0x8030;
	s7 =	simm.s32 $0x8730;
	s4 =	simm.s32 $0x9530  }
0x2f: {  	[tilespmem:s2], [sflag:$0x2] =	stream.linear.gather [hbm4b:s0+s2], $0x930, $0x38;
	[tilespmem:$0x9C30] =	vst v63  }
0x30: {  	_ =	swait.ge [sflag:s3], $0x930  }
0x31: {  	[sflag:s3] =	ssyncset.done $0x0  }
0x32: {  	[sflag:s3] =	ssyncadd.s32 $0xFFFFF6D0  }
0x33: {  	[tilespmem:s26], [sflag:$0x1] =	stream.indirect.gather [hbm4b:s25+s28], $0x10, s2, s28, $0xb8;
	[tilespmem:$0x9C30] =	vst v63  }
0x34: {  	s0 =	rddreg [dreg:$0x18]  }
0x35: {  	[tilespmem:s24], [sflag:$0x1] =	stream.indirect.gather [hbm4b:s25+s28], $0x10, s28, s28, $0xb8;
	[tilespmem:$0x9C30] =	vst v63  }
0x36: {  	s1 =	rddreg [dreg:$0x19]  }
0x37: {  	[tilespmem:s23], [sflag:$0x1] =	stream.indirect.gather [hbm4b:s25+s28], $0x10, s0, s28, $0xb8;
	[tilespmem:$0x9C30] =	vst v63  }
0x38: {  	s0 =	rddreg [dreg:$0x1a]  }
0x39: {  	[tilespmem:s22], [sflag:$0x1] =	stream.indirect.gather [hbm4b:s25+s28], $0x10, s1, s28, $0xb8;
	[tilespmem:$0x9C30] =	vst v63  }
0x3a: {  	s1 =	rddreg [dreg:$0x1b]  }
0x3b: {  	[tilespmem:s21], [sflag:$0x1] =	stream.indirect.gather [hbm4b:s25+s28], $0x10, s0, s28, $0xb8;
	[tilespmem:$0x9C30] =	vst v63  }
0x3c: {  	s0 =	rddreg [dreg:$0x1c]  }
0x3d: {  	[tilespmem:s20], [sflag:$0x1] =	stream.indirect.gather [hbm4b:s25+s28], $0x10, s1, s28, $0xb8;
	[tilespmem:$0x9C30] =	vst v63  }
0x3e: {  	s1 =	rddreg [dreg:$0x1d]  }
0x3f: {  	[tilespmem:s19], [sflag:$0x1] =	stream.indirect.gather [hbm4b:s25+s28], $0x10, s0, s28, $0xb8;
	[tilespmem:$0x9C30] =	vst v63  }
0x40: {  	s0 =	rddreg [dreg:$0x1e]  }
0x41: {  	[tilespmem:s18], [sflag:$0x1] =	stream.indirect.gather [hbm4b:s25+s28], $0x10, s1, s28, $0xb8;
	[tilespmem:$0x9C30] =	vst v63  }
0x42: {  	s1 =	rddreg [dreg:$0x1f]  }
0x43: {  	[tilespmem:s17], [sflag:$0x1] =	stream.indirect.gather [hbm4b:s25+s28], $0x10, s0, s28, $0xb8;
	[tilespmem:$0x9C30] =	vst v63  }
0x44: {  	s0 =	sld [smem:$0x7F6]  }
0x45: {  	[tilespmem:s16], [sflag:$0x1] =	stream.indirect.gather [hbm4b:s25+s28], $0x10, s1, s28, $0xb8;
	[tilespmem:$0x9C30] =	vst v63  }
0x46: {  	s1 =	sld [smem:$0x7F7]  }
0x47: {  	[tilespmem:s15], [sflag:$0x1] =	stream.indirect.gather [hbm4b:s25+s28], $0x10, s0, s28, $0xb8;
	[tilespmem:$0x9C30] =	vst v63  }
0x48: {  	s0 =	sld [smem:$0x7F8]  }
0x49: {  	[tilespmem:s14], [sflag:$0x1] =	stream.indirect.gather [hbm4b:s25+s28], $0x10, s1, s28, $0xb8;
	[tilespmem:$0x9C30] =	vst v63  }
0x4a: {  	s1 =	sld [smem:$0x7F9]  }
0x4b: {  	[tilespmem:s13], [sflag:$0x1] =	stream.indirect.gather [hbm4b:s25+s28], $0x10, s0, s28, $0xb8;
	[tilespmem:$0x9C30] =	vst v63  }
0x4c: {  	s0 =	sld [smem:$0x7FA]  }
0x4d: {  	[tilespmem:s12], [sflag:$0x1] =	stream.indirect.gather [hbm4b:s25+s28], $0x10, s1, s28, $0xb8;
	[tilespmem:$0x9C30] =	vst v63  }
0x4e: {  	s1 =	sld [smem:$0x7FB]  }
0x4f: {  	[tilespmem:s11], [sflag:$0x1] =	stream.indirect.gather [hbm4b:s25+s28], $0x10, s0, s28, $0xb8;
	[tilespmem:$0x9C30] =	vst v63  }
0x50: {  	s0 =	sld [smem:$0x7FC]  }
0x51: {  	[tilespmem:s10], [sflag:$0x1] =	stream.indirect.gather [hbm4b:s25+s28], $0x10, s1, s28, $0xb8;
	[tilespmem:$0x9C30] =	vst v63  }
0x52: {  	s1 =	sld [smem:$0x7FD]  }
0x53: {  	[tilespmem:s9], [sflag:$0x1] =	stream.indirect.gather [hbm4b:s25+s28], $0x10, s0, s28, $0xb8;
	[tilespmem:$0x9C30] =	vst v63  }
0x54: {  	_ = 	snop  }
0x55: {  	[tilespmem:s8], [sflag:$0x1] =	stream.indirect.gather [hbm4b:s25+s28], $0x10, s1, s28, $0xb8;
	[tilespmem:$0x9C30] =	vst v63  }
0x56: {  	s1 =	simm.s32 $0x7E0  }
0x57: {  	[tilespmem:s7], [sflag:$0x1] =	stream.indirect.gather [hbm4b:s25+s28], $0x10, s1, s28, $0xb8;
	[tilespmem:$0x9C30] =	vst v63  }
0x58: {  	_ = 	snop  }
0x59: {  	[tilespmem:s6], [sflag:$0x1] =	stream.indirect.gather [hbm4b:s25+s28], $0x10, s31, s28, $0xb8;
	[tilespmem:$0x9C30] =	vst v63  }
0x5a: {  	_ = 	snop  }
0x5b: {  	[tilespmem:s4], [sflag:$0x1] =	stream.indirect.gather [hbm4b:s25+s28], $0x10, s30, s28, $0xb8;
	[tilespmem:$0x9C30] =	vst v63  }
0x5c: {  	_ =	swait.ge [sflag:s5], $0x700  }
0x5d: {  	[sflag:s5] =	ssyncset.done $0x0  }
0x5e: {  	s1 =	rddreg [dreg:$0x3];
	[sflag:s5] =	ssyncadd.s32 $0xFFFFF900  }
0x5f: {  	[hbm4b:s1+s2] =	stream.linear.scatter [tilespmem:s26], [sflag:$0x2], $0x700, $0x38;
	[tilespmem:$0x9C30] =	vst v63  }
0x60: {  	_ =	swait.ge [sflag:s3], $0x700  }
0x61: {  	[sflag:s3] =	ssyncset.done $0x0  }
0x62: {  	[sflag:s3] =	ssyncadd.s32 $0xFFFFF900  }
0x63: {  	_ =	swait.ge [sflag:s5], $0x700  }
0x64: {  	[sflag:s5] =	ssyncset.done $0x0  }
0x65: {  	s1 =	rddreg [dreg:$0x4];
	[sflag:s5] =	ssyncadd.s32 $0xFFFFF900  }
0x66: {  	[hbm4b:s1+s2] =	stream.linear.scatter [tilespmem:s24], [sflag:$0x2], $0x700, $0x38;
	[tilespmem:$0x9C30] =	vst v63  }
0x67: {  	_ =	swait.ge [sflag:s3], $0x700  }
0x68: {  	[sflag:s3] =	ssyncset.done $0x0  }
0x69: {  	[sflag:s3] =	ssyncadd.s32 $0xFFFFF900  }
0x6a: {  	_ =	swait.ge [sflag:s5], $0x700  }
0x6b: {  	[sflag:s5] =	ssyncset.done $0x0  }
0x6c: {  	s1 =	rddreg [dreg:$0x5];
	[sflag:s5] =	ssyncadd.s32 $0xFFFFF900  }
0x6d: {  	[hbm4b:s1+s2] =	stream.linear.scatter [tilespmem:s23], [sflag:$0x2], $0x700, $0x38;
	[tilespmem:$0x9C30] =	vst v63  }
0x6e: {  	_ =	swait.ge [sflag:s3], $0x700  }
0x6f: {  	[sflag:s3] =	ssyncset.done $0x0  }
0x70: {  	[sflag:s3] =	ssyncadd.s32 $0xFFFFF900  }
0x71: {  	_ =	swait.ge [sflag:s5], $0x700  }
0x72: {  	[sflag:s5] =	ssyncset.done $0x0  }
0x73: {  	s1 =	rddreg [dreg:$0x6];
	[sflag:s5] =	ssyncadd.s32 $0xFFFFF900  }
0x74: {  	[hbm4b:s1+s2] =	stream.linear.scatter [tilespmem:s22], [sflag:$0x2], $0x700, $0x38;
	[tilespmem:$0x9C30] =	vst v63  }
0x75: {  	_ =	swait.ge [sflag:s3], $0x700  }
0x76: {  	[sflag:s3] =	ssyncset.done $0x0  }
0x77: {  	[sflag:s3] =	ssyncadd.s32 $0xFFFFF900  }
0x78: {  	_ =	swait.ge [sflag:s5], $0x700  }
0x79: {  	[sflag:s5] =	ssyncset.done $0x0  }
0x7a: {  	s1 =	rddreg [dreg:$0x7];
	[sflag:s5] =	ssyncadd.s32 $0xFFFFF900  }
0x7b: {  	[hbm4b:s1+s2] =	stream.linear.scatter [tilespmem:s21], [sflag:$0x2], $0x700, $0x38;
	[tilespmem:$0x9C30] =	vst v63  }
0x7c: {  	_ =	swait.ge [sflag:s3], $0x700  }
0x7d: {  	[sflag:s3] =	ssyncset.done $0x0  }
0x7e: {  	[sflag:s3] =	ssyncadd.s32 $0xFFFFF900  }
0x7f: {  	_ =	swait.ge [sflag:s5], $0x700  }
0x80: {  	[sflag:s5] =	ssyncset.done $0x0  }
0x81: {  	s1 =	rddreg [dreg:$0x8];
	[sflag:s5] =	ssyncadd.s32 $0xFFFFF900  }
0x82: {  	[hbm4b:s1+s2] =	stream.linear.scatter [tilespmem:s20], [sflag:$0x2], $0x700, $0x38;
	[tilespmem:$0x9C30] =	vst v63  }
0x83: {  	_ =	swait.ge [sflag:s3], $0x700  }
0x84: {  	[sflag:s3] =	ssyncset.done $0x0  }
0x85: {  	[sflag:s3] =	ssyncadd.s32 $0xFFFFF900  }
0x86: {  	_ =	swait.ge [sflag:s5], $0x700  }
0x87: {  	[sflag:s5] =	ssyncset.done $0x0  }
0x88: {  	s1 =	rddreg [dreg:$0x9];
	[sflag:s5] =	ssyncadd.s32 $0xFFFFF900  }
0x89: {  	[hbm4b:s1+s2] =	stream.linear.scatter [tilespmem:s19], [sflag:$0x2], $0x700, $0x38;
	[tilespmem:$0x9C30] =	vst v63  }
0x8a: {  	_ =	swait.ge [sflag:s3], $0x700  }
0x8b: {  	[sflag:s3] =	ssyncset.done $0x0  }
0x8c: {  	[sflag:s3] =	ssyncadd.s32 $0xFFFFF900  }
0x8d: {  	_ =	swait.ge [sflag:s5], $0x700  }
0x8e: {  	[sflag:s5] =	ssyncset.done $0x0  }
0x8f: {  	s1 =	rddreg [dreg:$0xa];
	[sflag:s5] =	ssyncadd.s32 $0xFFFFF900  }
0x90: {  	[hbm4b:s1+s2] =	stream.linear.scatter [tilespmem:s18], [sflag:$0x2], $0x700, $0x38;
	[tilespmem:$0x9C30] =	vst v63  }
0x91: {  	_ =	swait.ge [sflag:s3], $0x700  }
0x92: {  	[sflag:s3] =	ssyncset.done $0x0  }
0x93: {  	[sflag:s3] =	ssyncadd.s32 $0xFFFFF900  }
0x94: {  	_ =	swait.ge [sflag:s5], $0x700  }
0x95: {  	[sflag:s5] =	ssyncset.done $0x0  }
0x96: {  	s1 =	rddreg [dreg:$0xb];
	[sflag:s5] =	ssyncadd.s32 $0xFFFFF900  }
0x97: {  	[hbm4b:s1+s2] =	stream.linear.scatter [tilespmem:s17], [sflag:$0x2], $0x700, $0x38;
	[tilespmem:$0x9C30] =	vst v63  }
0x98: {  	_ =	swait.ge [sflag:s3], $0x700  }
0x99: {  	[sflag:s3] =	ssyncset.done $0x0  }
0x9a: {  	[sflag:s3] =	ssyncadd.s32 $0xFFFFF900  }
0x9b: {  	_ =	swait.ge [sflag:s5], $0x700  }
0x9c: {  	[sflag:s5] =	ssyncset.done $0x0  }
0x9d: {  	s1 =	rddreg [dreg:$0xc];
	[sflag:s5] =	ssyncadd.s32 $0xFFFFF900  }
0x9e: {  	[hbm4b:s1+s2] =	stream.linear.scatter [tilespmem:s16], [sflag:$0x2], $0x700, $0x38;
	[tilespmem:$0x9C30] =	vst v63  }
0x9f: {  	_ =	swait.ge [sflag:s3], $0x700  }
0xa0: {  	[sflag:s3] =	ssyncset.done $0x0  }
0xa1: {  	[sflag:s3] =	ssyncadd.s32 $0xFFFFF900  }
0xa2: {  	_ =	swait.ge [sflag:s5], $0x700  }
0xa3: {  	[sflag:s5] =	ssyncset.done $0x0  }
0xa4: {  	s1 =	rddreg [dreg:$0xd];
	[sflag:s5] =	ssyncadd.s32 $0xFFFFF900  }
0xa5: {  	[hbm4b:s1+s2] =	stream.linear.scatter [tilespmem:s15], [sflag:$0x2], $0x700, $0x38;
	[tilespmem:$0x9C30] =	vst v63  }
0xa6: {  	_ =	swait.ge [sflag:s3], $0x700  }
0xa7: {  	[sflag:s3] =	ssyncset.done $0x0  }
0xa8: {  	[sflag:s3] =	ssyncadd.s32 $0xFFFFF900  }
0xa9: {  	_ =	swait.ge [sflag:s5], $0x700  }
0xaa: {  	[sflag:s5] =	ssyncset.done $0x0  }
0xab: {  	s1 =	rddreg [dreg:$0xe];
	[sflag:s5] =	ssyncadd.s32 $0xFFFFF900  }
0xac: {  	[hbm4b:s1+s2] =	stream.linear.scatter [tilespmem:s14], [sflag:$0x2], $0x700, $0x38;
	[tilespmem:$0x9C30] =	vst v63  }
0xad: {  	_ =	swait.ge [sflag:s3], $0x700  }
0xae: {  	[sflag:s3] =	ssyncset.done $0x0  }
0xaf: {  	[sflag:s3] =	ssyncadd.s32 $0xFFFFF900  }
0xb0: {  	_ =	swait.ge [sflag:s5], $0x700  }
0xb1: {  	[sflag:s5] =	ssyncset.done $0x0  }
0xb2: {  	s1 =	rddreg [dreg:$0xf];
	[sflag:s5] =	ssyncadd.s32 $0xFFFFF900  }
0xb3: {  	[hbm4b:s1+s2] =	stream.linear.scatter [tilespmem:s13], [sflag:$0x2], $0x700, $0x38;
	[tilespmem:$0x9C30] =	vst v63  }
0xb4: {  	_ =	swait.ge [sflag:s3], $0x700  }
0xb5: {  	[sflag:s3] =	ssyncset.done $0x0  }
0xb6: {  	[sflag:s3] =	ssyncadd.s32 $0xFFFFF900  }
0xb7: {  	_ =	swait.ge [sflag:s5], $0x700  }
0xb8: {  	[sflag:s5] =	ssyncset.done $0x0  }
0xb9: {  	s1 =	rddreg [dreg:$0x10];
	[sflag:s5] =	ssyncadd.s32 $0xFFFFF900  }
0xba: {  	[hbm4b:s1+s2] =	stream.linear.scatter [tilespmem:s12], [sflag:$0x2], $0x700, $0x38;
	[tilespmem:$0x9C30] =	vst v63  }
0xbb: {  	_ =	swait.ge [sflag:s3], $0x700  }
0xbc: {  	[sflag:s3] =	ssyncset.done $0x0  }
0xbd: {  	[sflag:s3] =	ssyncadd.s32 $0xFFFFF900  }
0xbe: {  	_ =	swait.ge [sflag:s5], $0x700  }
0xbf: {  	[sflag:s5] =	ssyncset.done $0x0  }
0xc0: {  	s1 =	rddreg [dreg:$0x11];
	[sflag:s5] =	ssyncadd.s32 $0xFFFFF900  }
0xc1: {  	[hbm4b:s1+s2] =	stream.linear.scatter [tilespmem:s11], [sflag:$0x2], $0x700, $0x38;
	[tilespmem:$0x9C30] =	vst v63  }
0xc2: {  	_ =	swait.ge [sflag:s3], $0x700  }
0xc3: {  	[sflag:s3] =	ssyncset.done $0x0  }
0xc4: {  	[sflag:s3] =	ssyncadd.s32 $0xFFFFF900  }
0xc5: {  	_ =	swait.ge [sflag:s5], $0x700  }
0xc6: {  	[sflag:s5] =	ssyncset.done $0x0  }
0xc7: {  	s1 =	rddreg [dreg:$0x12];
	[sflag:s5] =	ssyncadd.s32 $0xFFFFF900  }
0xc8: {  	[hbm4b:s1+s2] =	stream.linear.scatter [tilespmem:s10], [sflag:$0x2], $0x700, $0x38;
	[tilespmem:$0x9C30] =	vst v63  }
0xc9: {  	_ =	swait.ge [sflag:s3], $0x700  }
0xca: {  	[sflag:s3] =	ssyncset.done $0x0  }
0xcb: {  	[sflag:s3] =	ssyncadd.s32 $0xFFFFF900  }
0xcc: {  	_ =	swait.ge [sflag:s5], $0x700  }
0xcd: {  	[sflag:s5] =	ssyncset.done $0x0  }
0xce: {  	s1 =	rddreg [dreg:$0x13];
	[sflag:s5] =	ssyncadd.s32 $0xFFFFF900  }
0xcf: {  	[hbm4b:s1+s2] =	stream.linear.scatter [tilespmem:s9], [sflag:$0x2], $0x700, $0x38;
	[tilespmem:$0x9C30] =	vst v63  }
0xd0: {  	_ =	swait.ge [sflag:s3], $0x700  }
0xd1: {  	[sflag:s3] =	ssyncset.done $0x0  }
0xd2: {  	[sflag:s3] =	ssyncadd.s32 $0xFFFFF900  }
0xd3: {  	_ =	swait.ge [sflag:s5], $0x700  }
0xd4: {  	[sflag:s5] =	ssyncset.done $0x0  }
0xd5: {  	s1 =	rddreg [dreg:$0x14];
	[sflag:s5] =	ssyncadd.s32 $0xFFFFF900  }
0xd6: {  	[hbm4b:s1+s2] =	stream.linear.scatter [tilespmem:s8], [sflag:$0x2], $0x700, $0x38;
	[tilespmem:$0x9C30] =	vst v63  }
0xd7: {  	_ =	swait.ge [sflag:s3], $0x700  }
0xd8: {  	[sflag:s3] =	ssyncset.done $0x0  }
0xd9: {  	[sflag:s3] =	ssyncadd.s32 $0xFFFFF900  }
0xda: {  	_ =	swait.ge [sflag:s5], $0x700  }
0xdb: {  	[sflag:s5] =	ssyncset.done $0x0  }
0xdc: {  	s1 =	rddreg [dreg:$0x15];
	[sflag:s5] =	ssyncadd.s32 $0xFFFFF900  }
0xdd: {  	[hbm4b:s1+s2] =	stream.linear.scatter [tilespmem:s7], [sflag:$0x2], $0x700, $0x38;
	[tilespmem:$0x9C30] =	vst v63  }
0xde: {  	_ =	swait.ge [sflag:s3], $0x700  }
0xdf: {  	[sflag:s3] =	ssyncset.done $0x0  }
0xe0: {  	[sflag:s3] =	ssyncadd.s32 $0xFFFFF900  }
0xe1: {  	_ =	swait.ge [sflag:s5], $0x700  }
0xe2: {  	[sflag:s5] =	ssyncset.done $0x0  }
0xe3: {  	s1 =	rddreg [dreg:$0x16];
	[sflag:s5] =	ssyncadd.s32 $0xFFFFF900  }
0xe4: {  	[hbm4b:s1+s2] =	stream.linear.scatter [tilespmem:s6], [sflag:$0x2], $0x700, $0x38;
	[tilespmem:$0x9C30] =	vst v63  }
0xe5: {  	_ =	swait.ge [sflag:s3], $0x700  }
0xe6: {  	[sflag:s3] =	ssyncset.done $0x0  }
0xe7: {  	[sflag:s3] =	ssyncadd.s32 $0xFFFFF900  }
0xe8: {  	p1 =	sne.s32 s29, $0x1;
	_ =	swait.ge [sflag:s5], $0x700  }
.Ltmp1:
0xe9: {  	[sflag:s5] =	ssyncset.done $0x0;
	(pc) =	sbr.rel @!p1 .LBB2_3-.Ltmp1, $4  }
0xea: {  	s1 =	rddreg [dreg:$0x17];
	[sflag:s5] =	ssyncadd.s32 $0xFFFFF900  }
0xeb: {  	[hbm4b:s1+s2] =	stream.linear.scatter [tilespmem:s4], [sflag:$0x2], $0x700, $0x38;
	[tilespmem:$0x9C30] =	vst v63  }
0xec: {  	p0 =	por $0x1, $0x1;
	_ =	swait.ge [sflag:s3], $0x700  }
0xed: {  	s1 =	sadd.s32 $0xFFFFFFFF, s29;
	s0 =	rddreg [dreg:$0x2];
	[sflag:s3] =	ssyncset.done $0x0  }
.LBB2_4:
0xee: {  	[sflag:s3] =	ssyncadd.s32 $0xFFFFF900  }
0xef: {  	[tilespmem:s2], [sflag:$0x2] =	stream.linear.gather [hbm4b:s0+s2], $0x930, $0x38;
	[tilespmem:$0x9C30] =	vst v63  }
0xf0: {  	_ =	swait.ge [sflag:s3], $0x930  }
0xf1: {  	[sflag:s3] =	ssyncset.done $0x0  }
0xf2: {  	[sflag:s3] =	ssyncadd.s32 $0xFFFFF6D0  }
0xf3: {  	[tilespmem:s26], [sflag:$0x1] =	stream.indirect.gather [hbm4b:s25+s28], $0x10, s2, s28, $0xb8;
	[tilespmem:$0x9C30] =	vst v63  }
0xf4: {  	s0 =	rddreg [dreg:$0x18]  }
0xf5: {  	[tilespmem:s24], [sflag:$0x1] =	stream.indirect.gather [hbm4b:s25+s28], $0x10, s28, s28, $0xb8;
	[tilespmem:$0x9C30] =	vst v63  }
0xf6: {  	s29 =	rddreg [dreg:$0x19]  }
0xf7: {  	[tilespmem:s23], [sflag:$0x1] =	stream.indirect.gather [hbm4b:s25+s28], $0x10, s0, s28, $0xb8;
	[tilespmem:$0x9C30] =	vst v63  }
0xf8: {  	s0 =	rddreg [dreg:$0x1a]  }
0xf9: {  	[tilespmem:s22], [sflag:$0x1] =	stream.indirect.gather [hbm4b:s25+s28], $0x10, s29, s28, $0xb8;
	[tilespmem:$0x9C30] =	vst v63  }
0xfa: {  	s29 =	rddreg [dreg:$0x1b]  }
0xfb: {  	[tilespmem:s21], [sflag:$0x1] =	stream.indirect.gather [hbm4b:s25+s28], $0x10, s0, s28, $0xb8;
	[tilespmem:$0x9C30] =	vst v63  }
0xfc: {  	s0 =	rddreg [dreg:$0x1c]  }
0xfd: {  	[tilespmem:s20], [sflag:$0x1] =	stream.indirect.gather [hbm4b:s25+s28], $0x10, s29, s28, $0xb8;
	[tilespmem:$0x9C30] =	vst v63  }
0xfe: {  	s29 =	rddreg [dreg:$0x1d]  }
0xff: {  	[tilespmem:s19], [sflag:$0x1] =	stream.indirect.gather [hbm4b:s25+s28], $0x10, s0, s28, $0xb8;
	[tilespmem:$0x9C30] =	vst v63  }
0x100: {  	s0 =	rddreg [dreg:$0x1e]  }
0x101: {  	[tilespmem:s18], [sflag:$0x1] =	stream.indirect.gather [hbm4b:s25+s28], $0x10, s29, s28, $0xb8;
	[tilespmem:$0x9C30] =	vst v63  }
0x102: {  	s29 =	rddreg [dreg:$0x1f]  }
0x103: {  	[tilespmem:s17], [sflag:$0x1] =	stream.indirect.gather [hbm4b:s25+s28], $0x10, s0, s28, $0xb8;
	[tilespmem:$0x9C30] =	vst v63  }
0x104: {  	s0 =	sld [smem:$0x7F6]  }
0x105: {  	[tilespmem:s16], [sflag:$0x1] =	stream.indirect.gather [hbm4b:s25+s28], $0x10, s29, s28, $0xb8;
	[tilespmem:$0x9C30] =	vst v63  }
0x106: {  	s29 =	sld [smem:$0x7F7]  }
0x107: {  	[tilespmem:s15], [sflag:$0x1] =	stream.indirect.gather [hbm4b:s25+s28], $0x10, s0, s28, $0xb8;
	[tilespmem:$0x9C30] =	vst v63  }
0x108: {  	s0 =	sld [smem:$0x7F8]  }
0x109: {  	[tilespmem:s14], [sflag:$0x1] =	stream.indirect.gather [hbm4b:s25+s28], $0x10, s29, s28, $0xb8;
	[tilespmem:$0x9C30] =	vst v63  }
0x10a: {  	s29 =	sld [smem:$0x7F9]  }
0x10b: {  	[tilespmem:s13], [sflag:$0x1] =	stream.indirect.gather [hbm4b:s25+s28], $0x10, s0, s28, $0xb8;
	[tilespmem:$0x9C30] =	vst v63  }
0x10c: {  	s0 =	sld [smem:$0x7FA]  }
0x10d: {  	[tilespmem:s12], [sflag:$0x1] =	stream.indirect.gather [hbm4b:s25+s28], $0x10, s29, s28, $0xb8;
	[tilespmem:$0x9C30] =	vst v63  }
0x10e: {  	s29 =	sld [smem:$0x7FB]  }
0x10f: {  	[tilespmem:s11], [sflag:$0x1] =	stream.indirect.gather [hbm4b:s25+s28], $0x10, s0, s28, $0xb8;
	[tilespmem:$0x9C30] =	vst v63  }
0x110: {  	s0 =	sld [smem:$0x7FC]  }
0x111: {  	[tilespmem:s10], [sflag:$0x1] =	stream.indirect.gather [hbm4b:s25+s28], $0x10, s29, s28, $0xb8;
	[tilespmem:$0x9C30] =	vst v63  }
0x112: {  	s29 =	sld [smem:$0x7FD]  }
0x113: {  	[tilespmem:s9], [sflag:$0x1] =	stream.indirect.gather [hbm4b:s25+s28], $0x10, s0, s28, $0xb8;
	[tilespmem:$0x9C30] =	vst v63  }
0x114: {  	_ = 	snop  }
0x115: {  	[tilespmem:s8], [sflag:$0x1] =	stream.indirect.gather [hbm4b:s25+s28], $0x10, s29, s28, $0xb8;
	[tilespmem:$0x9C30] =	vst v63  }
0x116: {  	s29 =	simm.s32 $0x7E0  }
0x117: {  	[tilespmem:s7], [sflag:$0x1] =	stream.indirect.gather [hbm4b:s25+s28], $0x10, s29, s28, $0xb8;
	[tilespmem:$0x9C30] =	vst v63  }
0x118: {  	_ = 	snop  }
0x119: {  	[tilespmem:s6], [sflag:$0x1] =	stream.indirect.gather [hbm4b:s25+s28], $0x10, s31, s28, $0xb8;
	[tilespmem:$0x9C30] =	vst v63  }
0x11a: {  	_ = 	snop  }
0x11b: {  	[tilespmem:s4], [sflag:$0x1] =	stream.indirect.gather [hbm4b:s25+s28], $0x10, s30, s28, $0xb8;
	[tilespmem:$0x9C30] =	vst v63  }
0x11c: {  	_ =	swait.ge [sflag:s5], $0x700  }
0x11d: {  	[sflag:s5] =	ssyncset.done $0x0  }
0x11e: {  	s29 =	rddreg [dreg:$0x3];
	[sflag:s5] =	ssyncadd.s32 $0xFFFFF900  }
0x11f: {  	[hbm4b:s29+s2] =	stream.linear.scatter [tilespmem:s26], [sflag:$0x2], $0x700, $0x38;
	[tilespmem:$0x9C30] =	vst v63  }
0x120: {  	_ =	swait.ge [sflag:s3], $0x700  }
0x121: {  	[sflag:s3] =	ssyncset.done $0x0  }
0x122: {  	[sflag:s3] =	ssyncadd.s32 $0xFFFFF900  }
0x123: {  	_ =	swait.ge [sflag:s5], $0x700  }
0x124: {  	[sflag:s5] =	ssyncset.done $0x0  }
0x125: {  	s29 =	rddreg [dreg:$0x4];
	[sflag:s5] =	ssyncadd.s32 $0xFFFFF900  }
0x126: {  	[hbm4b:s29+s2] =	stream.linear.scatter [tilespmem:s24], [sflag:$0x2], $0x700, $0x38;
	[tilespmem:$0x9C30] =	vst v63  }
0x127: {  	_ =	swait.ge [sflag:s3], $0x700  }
0x128: {  	[sflag:s3] =	ssyncset.done $0x0  }
0x129: {  	[sflag:s3] =	ssyncadd.s32 $0xFFFFF900  }
0x12a: {  	_ =	swait.ge [sflag:s5], $0x700  }
0x12b: {  	[sflag:s5] =	ssyncset.done $0x0  }
0x12c: {  	s29 =	rddreg [dreg:$0x5];
	[sflag:s5] =	ssyncadd.s32 $0xFFFFF900  }
0x12d: {  	[hbm4b:s29+s2] =	stream.linear.scatter [tilespmem:s23], [sflag:$0x2], $0x700, $0x38;
	[tilespmem:$0x9C30] =	vst v63  }
0x12e: {  	_ =	swait.ge [sflag:s3], $0x700  }
0x12f: {  	[sflag:s3] =	ssyncset.done $0x0  }
0x130: {  	[sflag:s3] =	ssyncadd.s32 $0xFFFFF900  }
0x131: {  	_ =	swait.ge [sflag:s5], $0x700  }
0x132: {  	[sflag:s5] =	ssyncset.done $0x0  }
0x133: {  	s29 =	rddreg [dreg:$0x6];
	[sflag:s5] =	ssyncadd.s32 $0xFFFFF900  }
0x134: {  	[hbm4b:s29+s2] =	stream.linear.scatter [tilespmem:s22], [sflag:$0x2], $0x700, $0x38;
	[tilespmem:$0x9C30] =	vst v63  }
0x135: {  	_ =	swait.ge [sflag:s3], $0x700  }
0x136: {  	[sflag:s3] =	ssyncset.done $0x0  }
0x137: {  	[sflag:s3] =	ssyncadd.s32 $0xFFFFF900  }
0x138: {  	_ =	swait.ge [sflag:s5], $0x700  }
0x139: {  	[sflag:s5] =	ssyncset.done $0x0  }
0x13a: {  	s29 =	rddreg [dreg:$0x7];
	[sflag:s5] =	ssyncadd.s32 $0xFFFFF900  }
0x13b: {  	[hbm4b:s29+s2] =	stream.linear.scatter [tilespmem:s21], [sflag:$0x2], $0x700, $0x38;
	[tilespmem:$0x9C30] =	vst v63  }
0x13c: {  	_ =	swait.ge [sflag:s3], $0x700  }
0x13d: {  	[sflag:s3] =	ssyncset.done $0x0  }
0x13e: {  	[sflag:s3] =	ssyncadd.s32 $0xFFFFF900  }
0x13f: {  	_ =	swait.ge [sflag:s5], $0x700  }
0x140: {  	[sflag:s5] =	ssyncset.done $0x0  }
0x141: {  	s29 =	rddreg [dreg:$0x8];
	[sflag:s5] =	ssyncadd.s32 $0xFFFFF900  }
0x142: {  	[hbm4b:s29+s2] =	stream.linear.scatter [tilespmem:s20], [sflag:$0x2], $0x700, $0x38;
	[tilespmem:$0x9C30] =	vst v63  }
0x143: {  	_ =	swait.ge [sflag:s3], $0x700  }
0x144: {  	[sflag:s3] =	ssyncset.done $0x0  }
0x145: {  	[sflag:s3] =	ssyncadd.s32 $0xFFFFF900  }
0x146: {  	_ =	swait.ge [sflag:s5], $0x700  }
0x147: {  	[sflag:s5] =	ssyncset.done $0x0  }
0x148: {  	s29 =	rddreg [dreg:$0x9];
	[sflag:s5] =	ssyncadd.s32 $0xFFFFF900  }
0x149: {  	[hbm4b:s29+s2] =	stream.linear.scatter [tilespmem:s19], [sflag:$0x2], $0x700, $0x38;
	[tilespmem:$0x9C30] =	vst v63  }
0x14a: {  	_ =	swait.ge [sflag:s3], $0x700  }
0x14b: {  	[sflag:s3] =	ssyncset.done $0x0  }
0x14c: {  	[sflag:s3] =	ssyncadd.s32 $0xFFFFF900  }
0x14d: {  	_ =	swait.ge [sflag:s5], $0x700  }
0x14e: {  	[sflag:s5] =	ssyncset.done $0x0  }
0x14f: {  	s29 =	rddreg [dreg:$0xa];
	[sflag:s5] =	ssyncadd.s32 $0xFFFFF900  }
0x150: {  	[hbm4b:s29+s2] =	stream.linear.scatter [tilespmem:s18], [sflag:$0x2], $0x700, $0x38;
	[tilespmem:$0x9C30] =	vst v63  }
0x151: {  	_ =	swait.ge [sflag:s3], $0x700  }
0x152: {  	[sflag:s3] =	ssyncset.done $0x0  }
0x153: {  	[sflag:s3] =	ssyncadd.s32 $0xFFFFF900  }
0x154: {  	_ =	swait.ge [sflag:s5], $0x700  }
0x155: {  	[sflag:s5] =	ssyncset.done $0x0  }
0x156: {  	s29 =	rddreg [dreg:$0xb];
	[sflag:s5] =	ssyncadd.s32 $0xFFFFF900  }
0x157: {  	[hbm4b:s29+s2] =	stream.linear.scatter [tilespmem:s17], [sflag:$0x2], $0x700, $0x38;
	[tilespmem:$0x9C30] =	vst v63  }
0x158: {  	_ =	swait.ge [sflag:s3], $0x700  }
0x159: {  	[sflag:s3] =	ssyncset.done $0x0  }
0x15a: {  	[sflag:s3] =	ssyncadd.s32 $0xFFFFF900  }
0x15b: {  	_ =	swait.ge [sflag:s5], $0x700  }
0x15c: {  	[sflag:s5] =	ssyncset.done $0x0  }
0x15d: {  	s29 =	rddreg [dreg:$0xc];
	[sflag:s5] =	ssyncadd.s32 $0xFFFFF900  }
0x15e: {  	[hbm4b:s29+s2] =	stream.linear.scatter [tilespmem:s16], [sflag:$0x2], $0x700, $0x38;
	[tilespmem:$0x9C30] =	vst v63  }
0x15f: {  	_ =	swait.ge [sflag:s3], $0x700  }
0x160: {  	[sflag:s3] =	ssyncset.done $0x0  }
0x161: {  	[sflag:s3] =	ssyncadd.s32 $0xFFFFF900  }
0x162: {  	_ =	swait.ge [sflag:s5], $0x700  }
0x163: {  	[sflag:s5] =	ssyncset.done $0x0  }
0x164: {  	s29 =	rddreg [dreg:$0xd];
	[sflag:s5] =	ssyncadd.s32 $0xFFFFF900  }
0x165: {  	[hbm4b:s29+s2] =	stream.linear.scatter [tilespmem:s15], [sflag:$0x2], $0x700, $0x38;
	[tilespmem:$0x9C30] =	vst v63  }
0x166: {  	_ =	swait.ge [sflag:s3], $0x700  }
0x167: {  	[sflag:s3] =	ssyncset.done $0x0  }
0x168: {  	[sflag:s3] =	ssyncadd.s32 $0xFFFFF900  }
0x169: {  	_ =	swait.ge [sflag:s5], $0x700  }
0x16a: {  	[sflag:s5] =	ssyncset.done $0x0  }
0x16b: {  	s29 =	rddreg [dreg:$0xe];
	[sflag:s5] =	ssyncadd.s32 $0xFFFFF900  }
0x16c: {  	[hbm4b:s29+s2] =	stream.linear.scatter [tilespmem:s14], [sflag:$0x2], $0x700, $0x38;
	[tilespmem:$0x9C30] =	vst v63  }
0x16d: {  	_ =	swait.ge [sflag:s3], $0x700  }
0x16e: {  	[sflag:s3] =	ssyncset.done $0x0  }
0x16f: {  	[sflag:s3] =	ssyncadd.s32 $0xFFFFF900  }
0x170: {  	_ =	swait.ge [sflag:s5], $0x700  }
0x171: {  	[sflag:s5] =	ssyncset.done $0x0  }
0x172: {  	s29 =	rddreg [dreg:$0xf];
	[sflag:s5] =	ssyncadd.s32 $0xFFFFF900  }
0x173: {  	[hbm4b:s29+s2] =	stream.linear.scatter [tilespmem:s13], [sflag:$0x2], $0x700, $0x38;
	[tilespmem:$0x9C30] =	vst v63  }
0x174: {  	_ =	swait.ge [sflag:s3], $0x700  }
0x175: {  	[sflag:s3] =	ssyncset.done $0x0  }
0x176: {  	[sflag:s3] =	ssyncadd.s32 $0xFFFFF900  }
0x177: {  	_ =	swait.ge [sflag:s5], $0x700  }
0x178: {  	[sflag:s5] =	ssyncset.done $0x0  }
0x179: {  	s29 =	rddreg [dreg:$0x10];
	[sflag:s5] =	ssyncadd.s32 $0xFFFFF900  }
0x17a: {  	[hbm4b:s29+s2] =	stream.linear.scatter [tilespmem:s12], [sflag:$0x2], $0x700, $0x38;
	[tilespmem:$0x9C30] =	vst v63  }
0x17b: {  	_ =	swait.ge [sflag:s3], $0x700  }
0x17c: {  	[sflag:s3] =	ssyncset.done $0x0  }
0x17d: {  	[sflag:s3] =	ssyncadd.s32 $0xFFFFF900  }
0x17e: {  	_ =	swait.ge [sflag:s5], $0x700  }
0x17f: {  	[sflag:s5] =	ssyncset.done $0x0  }
0x180: {  	s29 =	rddreg [dreg:$0x11];
	[sflag:s5] =	ssyncadd.s32 $0xFFFFF900  }
0x181: {  	[hbm4b:s29+s2] =	stream.linear.scatter [tilespmem:s11], [sflag:$0x2], $0x700, $0x38;
	[tilespmem:$0x9C30] =	vst v63  }
0x182: {  	_ =	swait.ge [sflag:s3], $0x700  }
0x183: {  	[sflag:s3] =	ssyncset.done $0x0  }
0x184: {  	[sflag:s3] =	ssyncadd.s32 $0xFFFFF900  }
0x185: {  	_ =	swait.ge [sflag:s5], $0x700  }
0x186: {  	[sflag:s5] =	ssyncset.done $0x0  }
0x187: {  	s29 =	rddreg [dreg:$0x12];
	[sflag:s5] =	ssyncadd.s32 $0xFFFFF900  }
0x188: {  	[hbm4b:s29+s2] =	stream.linear.scatter [tilespmem:s10], [sflag:$0x2], $0x700, $0x38;
	[tilespmem:$0x9C30] =	vst v63  }
0x189: {  	_ =	swait.ge [sflag:s3], $0x700  }
0x18a: {  	[sflag:s3] =	ssyncset.done $0x0  }
0x18b: {  	[sflag:s3] =	ssyncadd.s32 $0xFFFFF900  }
0x18c: {  	_ =	swait.ge [sflag:s5], $0x700  }
0x18d: {  	[sflag:s5] =	ssyncset.done $0x0  }
0x18e: {  	s29 =	rddreg [dreg:$0x13];
	[sflag:s5] =	ssyncadd.s32 $0xFFFFF900  }
0x18f: {  	[hbm4b:s29+s2] =	stream.linear.scatter [tilespmem:s9], [sflag:$0x2], $0x700, $0x38;
	[tilespmem:$0x9C30] =	vst v63  }
0x190: {  	_ =	swait.ge [sflag:s3], $0x700  }
0x191: {  	[sflag:s3] =	ssyncset.done $0x0  }
0x192: {  	[sflag:s3] =	ssyncadd.s32 $0xFFFFF900  }
0x193: {  	_ =	swait.ge [sflag:s5], $0x700  }
0x194: {  	[sflag:s5] =	ssyncset.done $0x0  }
0x195: {  	s29 =	rddreg [dreg:$0x14];
	[sflag:s5] =	ssyncadd.s32 $0xFFFFF900  }
0x196: {  	[hbm4b:s29+s2] =	stream.linear.scatter [tilespmem:s8], [sflag:$0x2], $0x700, $0x38;
	[tilespmem:$0x9C30] =	vst v63  }
0x197: {  	_ =	swait.ge [sflag:s3], $0x700  }
0x198: {  	[sflag:s3] =	ssyncset.done $0x0  }
0x199: {  	[sflag:s3] =	ssyncadd.s32 $0xFFFFF900  }
0x19a: {  	_ =	swait.ge [sflag:s5], $0x700  }
0x19b: {  	[sflag:s5] =	ssyncset.done $0x0  }
0x19c: {  	s29 =	rddreg [dreg:$0x15];
	[sflag:s5] =	ssyncadd.s32 $0xFFFFF900  }
0x19d: {  	[hbm4b:s29+s2] =	stream.linear.scatter [tilespmem:s7], [sflag:$0x2], $0x700, $0x38;
	[tilespmem:$0x9C30] =	vst v63  }
0x19e: {  	_ =	swait.ge [sflag:s3], $0x700  }
0x19f: {  	[sflag:s3] =	ssyncset.done $0x0  }
0x1a0: {  	[sflag:s3] =	ssyncadd.s32 $0xFFFFF900  }
0x1a1: {  	_ =	swait.ge [sflag:s5], $0x700  }
0x1a2: {  	[sflag:s5] =	ssyncset.done $0x0  }
0x1a3: {  	s29 =	rddreg [dreg:$0x16];
	[sflag:s5] =	ssyncadd.s32 $0xFFFFF900  }
0x1a4: {  	[hbm4b:s29+s2] =	stream.linear.scatter [tilespmem:s6], [sflag:$0x2], $0x700, $0x38;
	[tilespmem:$0x9C30] =	vst v63  }
0x1a5: {  	_ =	swait.ge [sflag:s3], $0x700  }
0x1a6: {  	[sflag:s3] =	ssyncset.done $0x0  }
0x1a7: {  	[sflag:s3] =	ssyncadd.s32 $0xFFFFF900  }
0x1a8: {  	p1 =	sne.s32 s1, $0x1;
	_ =	swait.ge [sflag:s5], $0x700  }
.Ltmp2:
0x1a9: {  	[sflag:s5] =	ssyncset.done $0x0;
	(pc) =	sbr.rel @p1 .LBB2_4-.Ltmp2, $4  }
0x1aa: {  	s29 =	rddreg [dreg:$0x17];
	[sflag:s5] =	ssyncadd.s32 $0xFFFFF900  }
0x1ab: {  	[hbm4b:s29+s2] =	stream.linear.scatter [tilespmem:s4], [sflag:$0x2], $0x700, $0x38;
	[tilespmem:$0x9C30] =	vst v63  }
0x1ac: {  	_ =	swait.ge [sflag:s3], $0x700  }
0x1ad: {  	s1 =	sadd.s32 $0xFFFFFFFF, s1;
	s0 =	rddreg [dreg:$0x2];
	[sflag:s3] =	ssyncset.done $0x0  }
0x1ae: {  	s29 =	simm.s32 $0x8C0;
	s31 =	simm.s32 $0x850;
	s30 =	simm.s32 $0x7E0  }
.LBB2_6:
0x1af: {  	[sflag:s3] =	ssyncadd.s32 @p0 $0xFFFFF900  }
0x1b0: {  	[tilespmem:s2], [sflag:$0x2] =	stream.linear.gather [hbm4b:s0+s2], $0x930, $0x38;
	[tilespmem:$0x9C30] =	vst v63  }
0x1b1: {  	_ =	swait.ge [sflag:s3], $0x930  }
0x1b2: {  	[sflag:s3] =	ssyncset.done $0x0  }
0x1b3: {  	[sflag:s3] =	ssyncadd.s32 $0xFFFFF6D0  }
0x1b4: {  	[tilespmem:s26], [sflag:$0x1] =	stream.indirect.gather [hbm4b:s25+s28], $0x10, s2, s28, $0xb8;
	[tilespmem:$0x9C30] =	vst v63  }
0x1b5: {  	s0 =	rddreg [dreg:$0x18]  }
0x1b6: {  	[tilespmem:s24], [sflag:$0x1] =	stream.indirect.gather [hbm4b:s25+s28], $0x10, s28, s28, $0xb8;
	[tilespmem:$0x9C30] =	vst v63  }
0x1b7: {  	s1 =	rddreg [dreg:$0x19]  }
0x1b8: {  	[tilespmem:s23], [sflag:$0x1] =	stream.indirect.gather [hbm4b:s25+s28], $0x10, s0, s28, $0xb8;
	[tilespmem:$0x9C30] =	vst v63  }
0x1b9: {  	s0 =	rddreg [dreg:$0x1a]  }
0x1ba: {  	[tilespmem:s22], [sflag:$0x1] =	stream.indirect.gather [hbm4b:s25+s28], $0x10, s1, s28, $0xb8;
	[tilespmem:$0x9C30] =	vst v63  }
0x1bb: {  	s1 =	rddreg [dreg:$0x1b]  }
0x1bc: {  	[tilespmem:s21], [sflag:$0x1] =	stream.indirect.gather [hbm4b:s25+s28], $0x10, s0, s28, $0xb8;
	[tilespmem:$0x9C30] =	vst v63  }
0x1bd: {  	s0 =	rddreg [dreg:$0x1c]  }
0x1be: {  	[tilespmem:s20], [sflag:$0x1] =	stream.indirect.gather [hbm4b:s25+s28], $0x10, s1, s28, $0xb8;
	[tilespmem:$0x9C30] =	vst v63  }
0x1bf: {  	s1 =	rddreg [dreg:$0x1d]  }
0x1c0: {  	[tilespmem:s19], [sflag:$0x1] =	stream.indirect.gather [hbm4b:s25+s28], $0x10, s0, s28, $0xb8;
	[tilespmem:$0x9C30] =	vst v63  }
0x1c1: {  	s0 =	rddreg [dreg:$0x1e]  }
0x1c2: {  	[tilespmem:s18], [sflag:$0x1] =	stream.indirect.gather [hbm4b:s25+s28], $0x10, s1, s28, $0xb8;
	[tilespmem:$0x9C30] =	vst v63  }
0x1c3: {  	s1 =	rddreg [dreg:$0x1f]  }
0x1c4: {  	[tilespmem:s17], [sflag:$0x1] =	stream.indirect.gather [hbm4b:s25+s28], $0x10, s0, s28, $0xb8;
	[tilespmem:$0x9C30] =	vst v63  }
0x1c5: {  	s0 =	sld [smem:$0x7F6]  }
0x1c6: {  	[tilespmem:s16], [sflag:$0x1] =	stream.indirect.gather [hbm4b:s25+s28], $0x10, s1, s28, $0xb8;
	[tilespmem:$0x9C30] =	vst v63  }
0x1c7: {  	s1 =	sld [smem:$0x7F7]  }
0x1c8: {  	[tilespmem:s15], [sflag:$0x1] =	stream.indirect.gather [hbm4b:s25+s28], $0x10, s0, s28, $0xb8;
	[tilespmem:$0x9C30] =	vst v63  }
0x1c9: {  	s0 =	sld [smem:$0x7F8]  }
0x1ca: {  	[tilespmem:s14], [sflag:$0x1] =	stream.indirect.gather [hbm4b:s25+s28], $0x10, s1, s28, $0xb8;
	[tilespmem:$0x9C30] =	vst v63  }
0x1cb: {  	s1 =	sld [smem:$0x7F9]  }
0x1cc: {  	[tilespmem:s13], [sflag:$0x1] =	stream.indirect.gather [hbm4b:s25+s28], $0x10, s0, s28, $0xb8;
	[tilespmem:$0x9C30] =	vst v63  }
0x1cd: {  	s0 =	sld [smem:$0x7FA]  }
0x1ce: {  	[tilespmem:s12], [sflag:$0x1] =	stream.indirect.gather [hbm4b:s25+s28], $0x10, s1, s28, $0xb8;
	[tilespmem:$0x9C30] =	vst v63  }
0x1cf: {  	s1 =	sld [smem:$0x7FB]  }
0x1d0: {  	[tilespmem:s11], [sflag:$0x1] =	stream.indirect.gather [hbm4b:s25+s28], $0x10, s0, s28, $0xb8;
	[tilespmem:$0x9C30] =	vst v63  }
0x1d1: {  	s0 =	sld [smem:$0x7FC]  }
0x1d2: {  	[tilespmem:s10], [sflag:$0x1] =	stream.indirect.gather [hbm4b:s25+s28], $0x10, s1, s28, $0xb8;
	[tilespmem:$0x9C30] =	vst v63  }
0x1d3: {  	s1 =	sld [smem:$0x7FD]  }
0x1d4: {  	[tilespmem:s9], [sflag:$0x1] =	stream.indirect.gather [hbm4b:s25+s28], $0x10, s0, s28, $0xb8;
	[tilespmem:$0x9C30] =	vst v63  }
0x1d5: {  	_ = 	snop  }
0x1d6: {  	[tilespmem:s8], [sflag:$0x1] =	stream.indirect.gather [hbm4b:s25+s28], $0x10, s1, s28, $0xb8;
	[tilespmem:$0x9C30] =	vst v63  }
0x1d7: {  	_ = 	snop  }
0x1d8: {  	[tilespmem:s7], [sflag:$0x1] =	stream.indirect.gather [hbm4b:s25+s28], $0x10, s30, s28, $0xb8;
	[tilespmem:$0x9C30] =	vst v63  }
0x1d9: {  	_ = 	snop  }
0x1da: {  	[tilespmem:s6], [sflag:$0x1] =	stream.indirect.gather [hbm4b:s25+s28], $0x10, s31, s28, $0xb8;
	[tilespmem:$0x9C30] =	vst v63  }
0x1db: {  	_ = 	snop  }
0x1dc: {  	[tilespmem:s4], [sflag:$0x1] =	stream.indirect.gather [hbm4b:s25+s28], $0x10, s29, s28, $0xb8;
	[tilespmem:$0x9C30] =	vst v63  }
0x1dd: {  	_ =	swait.ge [sflag:s5], $0x700  }
0x1de: {  	[sflag:s5] =	ssyncset.done $0x0  }
0x1df: {  	s31 =	rddreg [dreg:$0x3];
	[sflag:s5] =	ssyncadd.s32 $0xFFFFF900  }
0x1e0: {  	[hbm4b:s31+s2] =	stream.linear.scatter [tilespmem:s26], [sflag:$0x2], $0x700, $0x38;
	[tilespmem:$0x9C30] =	vst v63  }
0x1e1: {  	_ =	swait.ge [sflag:s3], $0x700  }
0x1e2: {  	[sflag:s3] =	ssyncset.done $0x0  }
0x1e3: {  	[sflag:s3] =	ssyncadd.s32 $0xFFFFF900  }
0x1e4: {  	_ =	swait.ge [sflag:s5], $0x700  }
0x1e5: {  	[sflag:s5] =	ssyncset.done $0x0  }
0x1e6: {  	s1 =	rddreg [dreg:$0x4];
	[sflag:s5] =	ssyncadd.s32 $0xFFFFF900  }
0x1e7: {  	[hbm4b:s1+s2] =	stream.linear.scatter [tilespmem:s24], [sflag:$0x2], $0x700, $0x38;
	[tilespmem:$0x9C30] =	vst v63  }
0x1e8: {  	_ =	swait.ge [sflag:s3], $0x700  }
0x1e9: {  	[sflag:s3] =	ssyncset.done $0x0  }
0x1ea: {  	[sflag:s3] =	ssyncadd.s32 $0xFFFFF900  }
0x1eb: {  	_ =	swait.ge [sflag:s5], $0x700  }
0x1ec: {  	[sflag:s5] =	ssyncset.done $0x0  }
0x1ed: {  	s25 =	rddreg [dreg:$0x5];
	[sflag:s5] =	ssyncadd.s32 $0xFFFFF900  }
0x1ee: {  	[hbm4b:s25+s2] =	stream.linear.scatter [tilespmem:s23], [sflag:$0x2], $0x700, $0x38;
	[tilespmem:$0x9C30] =	vst v63  }
0x1ef: {  	_ =	swait.ge [sflag:s3], $0x700  }
0x1f0: {  	[sflag:s3] =	ssyncset.done $0x0  }
0x1f1: {  	[sflag:s3] =	ssyncadd.s32 $0xFFFFF900  }
0x1f2: {  	_ =	swait.ge [sflag:s5], $0x700  }
0x1f3: {  	[sflag:s5] =	ssyncset.done $0x0  }
0x1f4: {  	s26 =	rddreg [dreg:$0x6];
	[sflag:s5] =	ssyncadd.s32 $0xFFFFF900  }
0x1f5: {  	[hbm4b:s26+s2] =	stream.linear.scatter [tilespmem:s22], [sflag:$0x2], $0x700, $0x38;
	[tilespmem:$0x9C30] =	vst v63  }
0x1f6: {  	_ =	swait.ge [sflag:s3], $0x700  }
0x1f7: {  	[sflag:s3] =	ssyncset.done $0x0  }
0x1f8: {  	[sflag:s3] =	ssyncadd.s32 $0xFFFFF900  }
0x1f9: {  	_ =	swait.ge [sflag:s5], $0x700  }
0x1fa: {  	[sflag:s5] =	ssyncset.done $0x0  }
0x1fb: {  	s28 =	rddreg [dreg:$0x7];
	[sflag:s5] =	ssyncadd.s32 $0xFFFFF900  }
0x1fc: {  	[hbm4b:s28+s2] =	stream.linear.scatter [tilespmem:s21], [sflag:$0x2], $0x700, $0x38;
	[tilespmem:$0x9C30] =	vst v63  }
0x1fd: {  	_ =	swait.ge [sflag:s3], $0x700  }
0x1fe: {  	[sflag:s3] =	ssyncset.done $0x0  }
0x1ff: {  	[sflag:s3] =	ssyncadd.s32 $0xFFFFF900  }
0x200: {  	_ =	swait.ge [sflag:s5], $0x700  }
0x201: {  	[sflag:s5] =	ssyncset.done $0x0  }
0x202: {  	s29 =	rddreg [dreg:$0x8];
	[sflag:s5] =	ssyncadd.s32 $0xFFFFF900  }
0x203: {  	[hbm4b:s29+s2] =	stream.linear.scatter [tilespmem:s20], [sflag:$0x2], $0x700, $0x38;
	[tilespmem:$0x9C30] =	vst v63  }
0x204: {  	_ =	swait.ge [sflag:s3], $0x700  }
0x205: {  	[sflag:s3] =	ssyncset.done $0x0  }
0x206: {  	[sflag:s3] =	ssyncadd.s32 $0xFFFFF900  }
0x207: {  	_ =	swait.ge [sflag:s5], $0x700  }
0x208: {  	[sflag:s5] =	ssyncset.done $0x0  }
0x209: {  	s30 =	rddreg [dreg:$0x9];
	[sflag:s5] =	ssyncadd.s32 $0xFFFFF900  }
0x20a: {  	[hbm4b:s30+s2] =	stream.linear.scatter [tilespmem:s19], [sflag:$0x2], $0x700, $0x38;
	[tilespmem:$0x9C30] =	vst v63  }
0x20b: {  	_ =	swait.ge [sflag:s3], $0x700  }
0x20c: {  	[sflag:s3] =	ssyncset.done $0x0  }
0x20d: {  	[sflag:s3] =	ssyncadd.s32 $0xFFFFF900  }
0x20e: {  	_ =	swait.ge [sflag:s5], $0x700  }
0x20f: {  	[sflag:s5] =	ssyncset.done $0x0  }
0x210: {  	s31 =	rddreg [dreg:$0xa];
	[sflag:s5] =	ssyncadd.s32 $0xFFFFF900  }
0x211: {  	[hbm4b:s31+s2] =	stream.linear.scatter [tilespmem:s18], [sflag:$0x2], $0x700, $0x38;
	[tilespmem:$0x9C30] =	vst v63  }
0x212: {  	_ =	swait.ge [sflag:s3], $0x700  }
0x213: {  	[sflag:s3] =	ssyncset.done $0x0  }
0x214: {  	[sflag:s3] =	ssyncadd.s32 $0xFFFFF900  }
0x215: {  	_ =	swait.ge [sflag:s5], $0x700  }
0x216: {  	[sflag:s5] =	ssyncset.done $0x0  }
0x217: {  	s1 =	rddreg [dreg:$0xb];
	[sflag:s5] =	ssyncadd.s32 $0xFFFFF900  }
0x218: {  	[hbm4b:s1+s2] =	stream.linear.scatter [tilespmem:s17], [sflag:$0x2], $0x700, $0x38;
	[tilespmem:$0x9C30] =	vst v63  }
0x219: {  	_ =	swait.ge [sflag:s3], $0x700  }
0x21a: {  	[sflag:s3] =	ssyncset.done $0x0  }
0x21b: {  	[sflag:s3] =	ssyncadd.s32 $0xFFFFF900  }
0x21c: {  	_ =	swait.ge [sflag:s5], $0x700  }
0x21d: {  	[sflag:s5] =	ssyncset.done $0x0  }
0x21e: {  	s18 =	rddreg [dreg:$0xc];
	[sflag:s5] =	ssyncadd.s32 $0xFFFFF900  }
0x21f: {  	[hbm4b:s18+s2] =	stream.linear.scatter [tilespmem:s16], [sflag:$0x2], $0x700, $0x38;
	[tilespmem:$0x9C30] =	vst v63  }
0x220: {  	_ =	swait.ge [sflag:s3], $0x700  }
0x221: {  	[sflag:s3] =	ssyncset.done $0x0  }
0x222: {  	[sflag:s3] =	ssyncadd.s32 $0xFFFFF900  }
0x223: {  	_ =	swait.ge [sflag:s5], $0x700  }
0x224: {  	[sflag:s5] =	ssyncset.done $0x0  }
0x225: {  	s19 =	rddreg [dreg:$0xd];
	[sflag:s5] =	ssyncadd.s32 $0xFFFFF900  }
0x226: {  	[hbm4b:s19+s2] =	stream.linear.scatter [tilespmem:s15], [sflag:$0x2], $0x700, $0x38;
	[tilespmem:$0x9C30] =	vst v63  }
0x227: {  	_ =	swait.ge [sflag:s3], $0x700  }
0x228: {  	[sflag:s3] =	ssyncset.done $0x0  }
0x229: {  	[sflag:s3] =	ssyncadd.s32 $0xFFFFF900  }
0x22a: {  	_ =	swait.ge [sflag:s5], $0x700  }
0x22b: {  	[sflag:s5] =	ssyncset.done $0x0  }
0x22c: {  	s20 =	rddreg [dreg:$0xe];
	[sflag:s5] =	ssyncadd.s32 $0xFFFFF900  }
0x22d: {  	[hbm4b:s20+s2] =	stream.linear.scatter [tilespmem:s14], [sflag:$0x2], $0x700, $0x38;
	[tilespmem:$0x9C30] =	vst v63  }
0x22e: {  	_ =	swait.ge [sflag:s3], $0x700  }
0x22f: {  	[sflag:s3] =	ssyncset.done $0x0  }
0x230: {  	[sflag:s3] =	ssyncadd.s32 $0xFFFFF900  }
0x231: {  	_ =	swait.ge [sflag:s5], $0x700  }
0x232: {  	[sflag:s5] =	ssyncset.done $0x0  }
0x233: {  	s21 =	rddreg [dreg:$0xf];
	[sflag:s5] =	ssyncadd.s32 $0xFFFFF900  }
0x234: {  	[hbm4b:s21+s2] =	stream.linear.scatter [tilespmem:s13], [sflag:$0x2], $0x700, $0x38;
	[tilespmem:$0x9C30] =	vst v63  }
0x235: {  	_ =	swait.ge [sflag:s3], $0x700  }
0x236: {  	[sflag:s3] =	ssyncset.done $0x0  }
0x237: {  	[sflag:s3] =	ssyncadd.s32 $0xFFFFF900  }
0x238: {  	_ =	swait.ge [sflag:s5], $0x700  }
0x239: {  	[sflag:s5] =	ssyncset.done $0x0  }
0x23a: {  	s22 =	rddreg [dreg:$0x10];
	[sflag:s5] =	ssyncadd.s32 $0xFFFFF900  }
0x23b: {  	[hbm4b:s22+s2] =	stream.linear.scatter [tilespmem:s12], [sflag:$0x2], $0x700, $0x38;
	[tilespmem:$0x9C30] =	vst v63  }
0x23c: {  	_ =	swait.ge [sflag:s3], $0x700  }
0x23d: {  	[sflag:s3] =	ssyncset.done $0x0  }
0x23e: {  	[sflag:s3] =	ssyncadd.s32 $0xFFFFF900  }
0x23f: {  	_ =	swait.ge [sflag:s5], $0x700  }
0x240: {  	[sflag:s5] =	ssyncset.done $0x0  }
0x241: {  	s23 =	rddreg [dreg:$0x11];
	[sflag:s5] =	ssyncadd.s32 $0xFFFFF900  }
0x242: {  	[hbm4b:s23+s2] =	stream.linear.scatter [tilespmem:s11], [sflag:$0x2], $0x700, $0x38;
	[tilespmem:$0x9C30] =	vst v63  }
0x243: {  	_ =	swait.ge [sflag:s3], $0x700  }
0x244: {  	[sflag:s3] =	ssyncset.done $0x0  }
0x245: {  	[sflag:s3] =	ssyncadd.s32 $0xFFFFF900  }
0x246: {  	_ =	swait.ge [sflag:s5], $0x700  }
0x247: {  	[sflag:s5] =	ssyncset.done $0x0  }
0x248: {  	s24 =	rddreg [dreg:$0x12];
	[sflag:s5] =	ssyncadd.s32 $0xFFFFF900  }
0x249: {  	[hbm4b:s24+s2] =	stream.linear.scatter [tilespmem:s10], [sflag:$0x2], $0x700, $0x38;
	[tilespmem:$0x9C30] =	vst v63  }
0x24a: {  	_ =	swait.ge [sflag:s3], $0x700  }
0x24b: {  	[sflag:s3] =	ssyncset.done $0x0  }
0x24c: {  	[sflag:s3] =	ssyncadd.s32 $0xFFFFF900  }
0x24d: {  	_ =	swait.ge [sflag:s5], $0x700  }
0x24e: {  	[sflag:s5] =	ssyncset.done $0x0  }
0x24f: {  	s25 =	rddreg [dreg:$0x13];
	[sflag:s5] =	ssyncadd.s32 $0xFFFFF900  }
0x250: {  	[hbm4b:s25+s2] =	stream.linear.scatter [tilespmem:s9], [sflag:$0x2], $0x700, $0x38;
	[tilespmem:$0x9C30] =	vst v63  }
0x251: {  	_ =	swait.ge [sflag:s3], $0x700  }
0x252: {  	[sflag:s3] =	ssyncset.done $0x0  }
0x253: {  	[sflag:s3] =	ssyncadd.s32 $0xFFFFF900  }
0x254: {  	_ =	swait.ge [sflag:s5], $0x700  }
0x255: {  	[sflag:s5] =	ssyncset.done $0x0  }
0x256: {  	s26 =	rddreg [dreg:$0x14];
	[sflag:s5] =	ssyncadd.s32 $0xFFFFF900  }
0x257: {  	[hbm4b:s26+s2] =	stream.linear.scatter [tilespmem:s8], [sflag:$0x2], $0x700, $0x38;
	[tilespmem:$0x9C30] =	vst v63  }
0x258: {  	_ =	swait.ge [sflag:s3], $0x700  }
0x259: {  	[sflag:s3] =	ssyncset.done $0x0  }
0x25a: {  	[sflag:s3] =	ssyncadd.s32 $0xFFFFF900  }
0x25b: {  	_ =	swait.ge [sflag:s5], $0x700  }
0x25c: {  	[sflag:s5] =	ssyncset.done $0x0  }
0x25d: {  	s28 =	rddreg [dreg:$0x15];
	[sflag:s5] =	ssyncadd.s32 $0xFFFFF900  }
0x25e: {  	[hbm4b:s28+s2] =	stream.linear.scatter [tilespmem:s7], [sflag:$0x2], $0x700, $0x38;
	[tilespmem:$0x9C30] =	vst v63  }
0x25f: {  	_ =	swait.ge [sflag:s3], $0x700  }
0x260: {  	[sflag:s3] =	ssyncset.done $0x0  }
0x261: {  	[sflag:s3] =	ssyncadd.s32 $0xFFFFF900  }
0x262: {  	_ =	swait.ge [sflag:s5], $0x700  }
0x263: {  	[sflag:s5] =	ssyncset.done $0x0  }
0x264: {  	s29 =	rddreg [dreg:$0x16];
	[sflag:s5] =	ssyncadd.s32 $0xFFFFF900  }
0x265: {  	[hbm4b:s29+s2] =	stream.linear.scatter [tilespmem:s6], [sflag:$0x2], $0x700, $0x38;
	[tilespmem:$0x9C30] =	vst v63  }
0x266: {  	_ =	swait.ge [sflag:s3], $0x700  }
0x267: {  	[sflag:s3] =	ssyncset.done $0x0  }
0x268: {  	[sflag:s3] =	ssyncadd.s32 $0xFFFFF900  }
0x269: {  	_ =	swait.ge [sflag:s5], $0x700  }
0x26a: {  	[sflag:s5] =	ssyncset.done $0x0  }
0x26b: {  	s30 =	rddreg [dreg:$0x17];
	[sflag:s5] =	ssyncadd.s32 $0xFFFFF900  }
0x26c: {  	[hbm4b:s30+s2] =	stream.linear.scatter [tilespmem:s4], [sflag:$0x2], $0x700, $0x38;
	[tilespmem:$0x9C30] =	vst v63  }
0x26d: {  	_ =	swait.ge [sflag:s3], $0x700  }
0x26e: {  	[sflag:s3] =	ssyncset.done $0x0  }
0x26f: {  	[sflag:s3] =	ssyncadd.s32 $0xFFFFF900  }
0x270: {  	_ =	sfence.sel $0x180000  }
0x271: {  	[bflag:$0x0] =	sbarrier.arrive $0xFFFF  }
0x272: {  	_ =	strace $0x90000047  }
0x273: {  	s31 =	stileid.u32;
	[bflag:$0x2] =	sbarrier.arrive $0xFFFF  }
0x274: {  	p0 =	sne.s32 s31, $0x0;
	s0 =	rddreg [dreg:$0x1]  }
0x275: {  	s0 =	sadd.s32 @!p0 $0x100000, s0  }
0x276: {  	[sflag:s0] =	ssyncadd.tile.s32 @!p0 $0x1;
	_ =	shalt  }
.LBB2_1:
.Ltmp3:
0x277: {  	(pc) =	sbr.rel .LBB2_6-.Ltmp3, $2  }
0x278: {  	_ =	sdelay $0x2  }
0x279: {  	s29 =	simm.s32 $0x8C0;
	s31 =	simm.s32 $0x850;
	s30 =	simm.s32 $0x7E0  }
.LBB2_3:
.Ltmp4:
0x27a: {  	(pc) =	sbr.rel .LBB2_6-.Ltmp4, $2  }
0x27b: {  	_ =	sdelay $0x2  }
0x27c: {  	s29 =	simm.s32 $0x8C0;
	s31 =	simm.s32 $0x850;
	s30 =	simm.s32 $0x7E0  }
.Lfunc_end2:
_tile_overlayer_lowered:
.L_overlay_start_2:
0x27d: {  	(tag) =	ssettag $0x2  }
0x27e: {  	s0 =	rddreg [dreg:$0x0];
	s2 =	stileid.u32  }
0x27f: {  	s1 =	rddreg [dreg:$0x1];
	p0 =	sne.s32 s2, $0x0  }
0x280: {  	s3 =	rddreg [dreg:$0x2];
	[bflag:$0x3] =	sbarrier.arrive $0xFFFF;
	s2 =	simm.s32 @!p0 $0x1C02  }
0x281: {  	[timem:s3], [sflag:s2] =	dma.local @!p0 [hbm:s0], s1  }
0x282: {  	s0 =	simm.s32 @!p0 $0x2  }
0x283: {  	_ =	swait.ge @!p0 [sflag:s0], s1  }
0x284: {  	s1 =	ssub.s32 @!p0 $0x0, s1;
	[sflag:s0] =	ssyncset.done @!p0 $0x0  }
0x285: {  	[sflag:s0] =	ssyncadd.s32 @!p0 s1  }
0x286: {  	[bflag:$0x3] =	sbarrier.arrive $0xFFFF  }
0x287: {  	_ =	shalt  }

</sc_bundles>
